<compile_context>
chip_gen: v7x
topology: tpu7x:2x2x1
jax: 0.10.2.dev20260603
libtpu: 0.0.44.dev20260713+nightly
codegen_flags: <defaults>
</compile_context>

<pallas_src>
import jax
import jax.numpy as jnp
from jax import lax
from jax.experimental import pallas as pl
from jax.experimental.pallas import tpu as pltpu
from jax.experimental.pallas import tpu_sc as plsc

_NUM_CORES = 2
_NUM_SUBCORES = 16
_NUM_WORKERS = _NUM_CORES * _NUM_SUBCORES
_LANES = 16

_IDX_W = 128
_U = 2
_STEP_ROWS = _U * _IDX_W
_PITCH = _IDX_W + 1


def _gather_body(nsteps, dim, x_hbm, tab_hbm, out_hbm,
                 ib0, ib1, gb0, gb1, tb0, tb1,
                 isem, gsem0, gsem1, osem0, osem1):
  scale = dim ** 0.5
  ndt = dim // 8
  steps_per_slab = _IDX_W // _U

  wid = lax.axis_index("s") * _NUM_CORES + lax.axis_index("c")
  step0 = wid * nsteps

  ibufs = (ib0, ib1)
  gbufs = (gb0, gb1)
  tbufs = (tb0, tb1)
  gsems = (gsem0, gsem1)
  osems = (osem0, osem1)

  iot = lax.iota(jnp.int32, _LANES)
  dtvs = [(k * _LANES + iot) >> 3 for k in range(dim // _LANES)]
  divs = [(k * _LANES + iot) & 7 for k in range(dim // _LANES)]

  def idx_load(u, p):
    s = u // steps_per_slab
    bt0 = (u % steps_per_slab) * _U
    pltpu.async_copy(
        x_hbm.at[pl.ds(s * _IDX_W + bt0, _U)], ibufs[p], isem).wait()

  def gather_start(p):
    for j in range(_U):
      pltpu.async_copy(
          tab_hbm.at[ibufs[p].at[j]],
          gbufs[p].at[pl.ds(j * _IDX_W, _IDX_W)],
          gsems[p])

  def gather_wait(p):
    for j in range(_U):
      pltpu.make_async_copy(
          tab_hbm.at[ibufs[p].at[j]],
          gbufs[p].at[pl.ds(j * _IDX_W, _IDX_W)],
          gsems[p]).wait()

  def out_copies(u, p):
    s = u // steps_per_slab
    bt0 = (u % steps_per_slab) * _U
    for dt in range(ndt):
      yield (tbufs[p].at[dt, pl.ds(0, _U), :, pl.ds(0, _IDX_W)],
             out_hbm.at[s * ndt + dt, pl.ds(bt0, _U)])

  def out_start(u, p):
    for src, dst in out_copies(u, p):
      pltpu.async_copy(src, dst, osems[p])

  def out_wait(u, p):
    for src, dst in out_copies(u, p):
      pltpu.make_async_copy(src, dst, osems[p]).wait()

  def transpose_scale(p):
    gbuf = gbufs[p]
    tbuf = tbufs[p]

    @plsc.parallel_loop(0, _STEP_ROWS, unroll=2)
    def _tr(r):
      btlv = jnp.full((_LANES,), r >> 7, jnp.int32)
      rv = jnp.full((_LANES,), r & (_IDX_W - 1), jnp.int32)
      for k in range(dim // _LANES):
        v = gbuf[r, pl.ds(k * _LANES, _LANES)] * scale
        plsc.store_scatter(tbuf, [dtvs[k], btlv, divs[k], rv], v)

  for p in range(2):
    idx_load(step0 + p, p)
    gather_start(p)

  @pl.loop(0, nsteps, step=2)
  def _steady(i0):
    for p in range(2):
      i = i0 + p
      u = step0 + i
      gather_wait(p)

      @pl.when(i >= 2)
      def _():
        out_wait(u - 2, p)

      transpose_scale(p)

      @pl.when(i + 2 < nsteps)
      def _():
        idx_load(u + 2, p)
        gather_start(p)

      out_start(u, p)

  for i in (nsteps - 2, nsteps - 1):
    out_wait(step0 + i, i % 2)


def kernel(x, lut):
  batch, seq = x.shape
  vocab, dim = lut.shape
  n = x.size
  assert batch % (_IDX_W * _U) == 0 and dim % 8 == 0
  nsteps_total = n // _STEP_ROWS
  assert nsteps_total % _NUM_WORKERS == 0
  nsteps = nsteps_total // _NUM_WORKERS
  assert nsteps % 2 == 0
  ndt = dim // 8

  xs = jnp.transpose(x).astype(jnp.int32).reshape(seq * (batch // _IDX_W),
                                                  _IDX_W)

  mesh = plsc.VectorSubcoreMesh(
      core_axis_name="c", subcore_axis_name="s",
      num_cores=_NUM_CORES, num_subcores=_NUM_SUBCORES)
  run = pl.kernel(
      lambda *refs: _gather_body(nsteps, dim, *refs),
      out_type=jax.ShapeDtypeStruct(
          (seq * ndt, batch // _IDX_W, 8, _IDX_W), jnp.float32),
      mesh=mesh,
      scratch_types=(
          [pltpu.VMEM((_U, _IDX_W), jnp.int32) for _ in range(2)]
          + [pltpu.VMEM((_STEP_ROWS, dim), jnp.float32) for _ in range(2)]
          + [pltpu.VMEM((ndt, _U + 1, 8, _PITCH), jnp.float32)
             for _ in range(2)]
          + [pltpu.SemaphoreType.DMA] * 5
      ),
      compiler_params=pltpu.CompilerParams(use_tc_tiling_on_sc=False,
                                           needs_layout_passes=False),
      name="sc_embedding_lookup",
  )
  out5 = run(xs, lut)
  out = out5.reshape(seq, ndt, batch // _IDX_W, 8, _IDX_W)
  return out.transpose(2, 4, 0, 1, 3).reshape(batch, seq, dim)

# --- scband reference (transcript-rebuilt; emitter-appended) ---
"""Pipeline reference for scband-embeddings-5703716569713 (READ-ONLY COPY).

The authoritative reference and input builder live on the scoring server;
editing this copy changes nothing except your own understanding.
"""

import jax, jax.numpy as jnp
import numpy as np
import math

VOCAB = 1000000
DIM = 64

def setup_inputs(seed: int = 0) -> dict:
    key = jax.random.key(seed)
    k1, k2 = jax.random.split(key)
    x = jax.random.randint(k1, (16384, 200), 0, VOCAB, dtype=jnp.int64 if jax.config.jax_enable_x64 else jnp.int32)
    lut = jax.random.normal(k2, (VOCAB, DIM), dtype=jnp.float32)
    return {"x": x, "lut": lut}

def reference(x, lut):
    # Embeddings.forward: self.lut(x) * math.sqrt(self.dim)
    emb = jnp.take(lut, x, axis=0)
    return emb * math.sqrt(DIM)

if __name__ == "__main__":
    import jax
    _d = setup_inputs()
    print(jax.jit(kernel)(*tuple(_d.values())))

</pallas_src>

<mosaic_0001>
#map = affine_map<(d0, d1) -> (0, 0)>
#map1 = affine_map<(d0, d1) -> (0, 0, 0, 0)>
module attributes {stable_mosaic.version = 14 : i64} {
  func.func @sc_embedding_lookup(%arg0: i32, %arg1: i32, %arg2: memref<25600x128xi32, #tpu.memory_space<hbm>>, %arg3: memref<1000000x64xf32, #tpu.memory_space<hbm>>, %arg4: memref<1600x128x8x128xf32, #tpu.memory_space<hbm>>, %arg5: memref<2x128xi32, #tpu.memory_space<vmem>>, %arg6: memref<2x128xi32, #tpu.memory_space<vmem>>, %arg7: memref<256x64xf32, #tpu.memory_space<vmem>>, %arg8: memref<256x64xf32, #tpu.memory_space<vmem>>, %arg9: memref<8x3x8x129xf32, #tpu.memory_space<vmem>>, %arg10: memref<8x3x8x129xf32, #tpu.memory_space<vmem>>, %arg11: memref<!tpu.dma_semaphore, #tpu.memory_space<semaphore_mem>>, %arg12: memref<!tpu.dma_semaphore, #tpu.memory_space<semaphore_mem>>, %arg13: memref<!tpu.dma_semaphore, #tpu.memory_space<semaphore_mem>>, %arg14: memref<!tpu.dma_semaphore, #tpu.memory_space<semaphore_mem>>, %arg15: memref<!tpu.dma_semaphore, #tpu.memory_space<semaphore_mem>>) attributes {dimension_semantics = [#tpu.dimension_semantics<core_parallel>, #tpu.dimension_semantics<subcore_parallel>], iteration_bounds = array<i64: 2, 16>, scalar_prefetch = 0 : i64, scratch_operands = 11 : i64, tpu.core_type = #tpu.core_type<sc_vector_subcore>, window_params = [{transform_indices = #map}, {transform_indices = #map}, {transform_indices = #map1}]} {
    %mul3A = arith.constant 2 : i32
    %mul3A_0 = arith.muli %arg1, %mul3A : i32
    %add3A = arith.addi %mul3A_0, %arg0 : i32
    %mul3A_1 = arith.constant 400 : i32
    %mul3A_2 = arith.muli %add3A, %mul3A_1 : i32
    %iota3A = tpu.iota {dimensions = array<i32: 0>} : vector<16xi32>
    %add3A_3 = arith.constant 0 : i32
    %add3A_4 = vector.broadcast %add3A_3 : i32 to vector<16xi32>
    %add3A_5 = arith.addi %add3A_4, %iota3A : vector<16xi32>
    %shift_right_arithmetic3A = arith.constant 3 : i32
    %shift_right_arithmetic3A_6 = vector.broadcast %shift_right_arithmetic3A : i32 to vector<16xi32>
    %shift_right_arithmetic3A_7 = arith.shrsi %add3A_5, %shift_right_arithmetic3A_6 : vector<16xi32>
    %add3A_8 = arith.constant 16 : i32
    %add3A_9 = vector.broadcast %add3A_8 : i32 to vector<16xi32>
    %add3A_10 = arith.addi %add3A_9, %iota3A : vector<16xi32>
    %shift_right_arithmetic3A_11 = arith.constant 3 : i32
    %shift_right_arithmetic3A_12 = vector.broadcast %shift_right_arithmetic3A_11 : i32 to vector<16xi32>
    %shift_right_arithmetic3A_13 = arith.shrsi %add3A_10, %shift_right_arithmetic3A_12 : vector<16xi32>
    %add3A_14 = arith.constant 32 : i32
    %add3A_15 = vector.broadcast %add3A_14 : i32 to vector<16xi32>
    %add3A_16 = arith.addi %add3A_15, %iota3A : vector<16xi32>
    %shift_right_arithmetic3A_17 = arith.constant 3 : i32
    %shift_right_arithmetic3A_18 = vector.broadcast %shift_right_arithmetic3A_17 : i32 to vector<16xi32>
    %shift_right_arithmetic3A_19 = arith.shrsi %add3A_16, %shift_right_arithmetic3A_18 : vector<16xi32>
    %add3A_20 = arith.constant 48 : i32
    %add3A_21 = vector.broadcast %add3A_20 : i32 to vector<16xi32>
    %add3A_22 = arith.addi %add3A_21, %iota3A : vector<16xi32>
    %shift_right_arithmetic3A_23 = arith.constant 3 : i32
    %shift_right_arithmetic3A_24 = vector.broadcast %shift_right_arithmetic3A_23 : i32 to vector<16xi32>
    %shift_right_arithmetic3A_25 = arith.shrsi %add3A_22, %shift_right_arithmetic3A_24 : vector<16xi32>
    %add3A_26 = arith.constant 0 : i32
    %add3A_27 = vector.broadcast %add3A_26 : i32 to vector<16xi32>
    %add3A_28 = arith.addi %add3A_27, %iota3A : vector<16xi32>
    %and3A = arith.constant 7 : i32
    %and3A_29 = vector.broadcast %and3A : i32 to vector<16xi32>
    %and3A_30 = arith.andi %add3A_28, %and3A_29 : vector<16xi32>
    %add3A_31 = arith.constant 16 : i32
    %add3A_32 = vector.broadcast %add3A_31 : i32 to vector<16xi32>
    %add3A_33 = arith.addi %add3A_32, %iota3A : vector<16xi32>
    %and3A_34 = arith.constant 7 : i32
    %and3A_35 = vector.broadcast %and3A_34 : i32 to vector<16xi32>
    %and3A_36 = arith.andi %add3A_33, %and3A_35 : vector<16xi32>
    %add3A_37 = arith.constant 32 : i32
    %add3A_38 = vector.broadcast %add3A_37 : i32 to vector<16xi32>
    %add3A_39 = arith.addi %add3A_38, %iota3A : vector<16xi32>
    %and3A_40 = arith.constant 7 : i32
    %and3A_41 = vector.broadcast %and3A_40 : i32 to vector<16xi32>
    %and3A_42 = arith.andi %add3A_39, %and3A_41 : vector<16xi32>
    %add3A_43 = arith.constant 48 : i32
    %add3A_44 = vector.broadcast %add3A_43 : i32 to vector<16xi32>
    %add3A_45 = arith.addi %add3A_44, %iota3A : vector<16xi32>
    %and3A_46 = arith.constant 7 : i32
    %and3A_47 = vector.broadcast %and3A_46 : i32 to vector<16xi32>
    %and3A_48 = arith.andi %add3A_45, %and3A_47 : vector<16xi32>
    %add3A_49 = arith.constant 0 : i32
    %add3A_50 = arith.addi %mul3A_2, %add3A_49 : i32
    %jit3A = arith.constant 64 : i32
    %div3A = arith.divsi %add3A_50, %jit3A : i32
    %sign3A = arith.constant 0 : i32
    %sign3A_51 = arith.cmpi sgt, %add3A_50, %sign3A : i32
    %sign3A_52 = arith.extui %sign3A_51 : i1 to i32
    %sign3A_53 = arith.constant 0 : i32
    %sign3A_54 = arith.cmpi slt, %add3A_50, %sign3A_53 : i32
    %sign3A_55 = arith.extui %sign3A_54 : i1 to i32
    %sign3A_56 = arith.subi %sign3A_52, %sign3A_55 : i32
    %sign3A_57 = arith.constant 0 : i32
    %sign3A_58 = arith.cmpi sgt, %jit3A, %sign3A_57 : i32
    %sign3A_59 = arith.extui %sign3A_58 : i1 to i32
    %sign3A_60 = arith.constant 0 : i32
    %sign3A_61 = arith.cmpi slt, %jit3A, %sign3A_60 : i32
    %sign3A_62 = arith.extui %sign3A_61 : i1 to i32
    %sign3A_63 = arith.subi %sign3A_59, %sign3A_62 : i32
    %ne3A = arith.cmpi ne, %sign3A_56, %sign3A_63 : i32
    %rem3A = arith.remsi %add3A_50, %jit3A : i32
    %ne3A_64 = arith.constant 0 : i32
    %ne3A_65 = arith.cmpi ne, %rem3A, %ne3A_64 : i32
    %and3A_66 = arith.andi %ne3A, %ne3A_65 : i1
    %sub3A = arith.constant 1 : i32
    %sub3A_67 = arith.subi %div3A, %sub3A : i32
    %select_n3A = arith.select %and3A_66, %sub3A_67, %div3A : i32
    %jit3A_68 = arith.constant 64 : i32
    %eq3A = arith.constant 0 : i32
    %eq3A_69 = arith.cmpi eq, %jit3A_68, %eq3A : i32
    %jit3A_70 = arith.constant 1 : i32
    %select_n3A_71 = arith.select %eq3A_69, %jit3A_70, %jit3A_68 : i32
    %rem3A_72 = arith.remsi %add3A_50, %select_n3A_71 : i32
    %ne3A_73 = arith.constant 0 : i32
    %ne3A_74 = arith.cmpi ne, %rem3A_72, %ne3A_73 : i32
    %lt3A = arith.constant 0 : i32
    %lt3A_75 = arith.cmpi slt, %rem3A_72, %lt3A : i32
    %lt3A_76 = arith.constant 0 : i32
    %lt3A_77 = arith.cmpi slt, %select_n3A_71, %lt3A_76 : i32
    %ne3A_78 = arith.xori %lt3A_75, %lt3A_77 : i1
    %and3A_79 = arith.andi %ne3A_78, %ne3A_74 : i1
    %add3A_80 = arith.addi %rem3A_72, %select_n3A_71 : i32
    %select_n3A_81 = arith.select %and3A_79, %add3A_80, %rem3A_72 : i32
    %mul3A_82 = arith.constant 2 : i32
    %mul3A_83 = arith.muli %select_n3A_81, %mul3A_82 : i32
    %mul3A_84 = arith.constant 128 : i32
    %mul3A_85 = arith.muli %select_n3A, %mul3A_84 : i32
    %add3A_86 = arith.addi %mul3A_85, %mul3A_83 : i32
    %dma_start3A = arith.constant 0 : i32
    %dma_start3A_87 = tpu.memref_slice %arg2[%add3A_86, %dma_start3A] : memref<25600x128xi32, #tpu.memory_space<hbm>> -> memref<2x128xi32, #tpu.memory_space<hbm>>
    %dma_start3A_88 = arith.constant 0 : i32
    %dma_start3A_89 = tpu.memref_slice %arg2[%add3A_86, %dma_start3A_88] : memref<25600x128xi32, #tpu.memory_space<hbm>> -> memref<2x128xi32, #tpu.memory_space<hbm>>
    tpu.enqueue_dma source(%dma_start3A_89 : memref<2x128xi32, #tpu.memory_space<hbm>>) target(%arg5 : memref<2x128xi32, #tpu.memory_space<vmem>>) target_semaphore(%arg11 : memref<!tpu.dma_semaphore, #tpu.memory_space<semaphore_mem>>)
    %dma_wait3A = arith.constant 0 : i32
    %dma_wait3A_90 = tpu.memref_slice %arg2[%add3A_86, %dma_wait3A] : memref<25600x128xi32, #tpu.memory_space<hbm>> -> memref<2x128xi32, #tpu.memory_space<hbm>>
    %dma_wait3A_91 = arith.constant 0 : i32
    %dma_wait3A_92 = tpu.memref_slice %arg2[%add3A_86, %dma_wait3A_91] : memref<25600x128xi32, #tpu.memory_space<hbm>> -> memref<2x128xi32, #tpu.memory_space<hbm>>
    tpu.wait_dma2 semaphore(%arg11 : memref<!tpu.dma_semaphore, #tpu.memory_space<semaphore_mem>>) src(%dma_wait3A_92 : memref<2x128xi32, #tpu.memory_space<hbm>>) dst(%arg5 : memref<2x128xi32, #tpu.memory_space<vmem>>)
    %dma_start3A_93 = arith.constant 0 : i32
    %dma_start3A_94 = arith.constant 0 : i32
    %dma_start3A_95 = arith.constant 0 : i32
    %dma_start3A_96 = tpu.memref_slice %arg7[%dma_start3A_94, %dma_start3A_95] : memref<256x64xf32, #tpu.memory_space<vmem>> -> memref<128x64xf32, #tpu.memory_space<vmem>>
    %dma_start3A_97 = arith.constant 0 : i32
    %dma_start3A_98 = tpu.memref_slice %arg5[%dma_start3A_93, %dma_start3A_97] : memref<2x128xi32, #tpu.memory_space<vmem>> -> memref<1x128xi32, #tpu.memory_space<vmem>>
    %dma_start3A_99 = tpu.memref_squeeze %dma_start3A_98 : memref<1x128xi32, #tpu.memory_space<vmem>> -> memref<128xi32, #tpu.memory_space<vmem>>
    %dma_start3A_100 = arith.constant 0 : i32
    %dma_start3A_101 = arith.constant 0 : i32
    %dma_start3A_102 = tpu.memref_slice %arg3[%dma_start3A_100, %dma_start3A_101] : memref<1000000x64xf32, #tpu.memory_space<hbm>> -> memref<1000000x64xf32, #tpu.memory_space<hbm>>
    tpu.enqueue_indirect_dma source(%dma_start3A_102 : memref<1000000x64xf32, #tpu.memory_space<hbm>>) target(%dma_start3A_96 : memref<128x64xf32, #tpu.memory_space<vmem>>) offsets(%dma_start3A_99 : memref<128xi32, #tpu.memory_space<vmem>>) semaphore(%arg12 : memref<!tpu.dma_semaphore, #tpu.memory_space<semaphore_mem>>)
    %dma_start3A_103 = arith.constant 1 : i32
    %dma_start3A_104 = arith.constant 128 : i32
    %dma_start3A_105 = arith.constant 0 : i32
    %dma_start3A_106 = tpu.memref_slice %arg7[%dma_start3A_104, %dma_start3A_105] : memref<256x64xf32, #tpu.memory_space<vmem>> -> memref<128x64xf32, #tpu.memory_space<vmem>>
    %dma_start3A_107 = arith.constant 0 : i32
    %dma_start3A_108 = tpu.memref_slice %arg5[%dma_start3A_103, %dma_start3A_107] : memref<2x128xi32, #tpu.memory_space<vmem>> -> memref<1x128xi32, #tpu.memory_space<vmem>>
    %dma_start3A_109 = tpu.memref_squeeze %dma_start3A_108 : memref<1x128xi32, #tpu.memory_space<vmem>> -> memref<128xi32, #tpu.memory_space<vmem>>
    %dma_start3A_110 = arith.constant 0 : i32
    %dma_start3A_111 = arith.constant 0 : i32
    %dma_start3A_112 = tpu.memref_slice %arg3[%dma_start3A_110, %dma_start3A_111] : memref<1000000x64xf32, #tpu.memory_space<hbm>> -> memref<1000000x64xf32, #tpu.memory_space<hbm>>
    tpu.enqueue_indirect_dma source(%dma_start3A_112 : memref<1000000x64xf32, #tpu.memory_space<hbm>>) target(%dma_start3A_106 : memref<128x64xf32, #tpu.memory_space<vmem>>) offsets(%dma_start3A_109 : memref<128xi32, #tpu.memory_space<vmem>>) semaphore(%arg12 : memref<!tpu.dma_semaphore, #tpu.memory_space<semaphore_mem>>)
    %add3A_113 = arith.constant 1 : i32
    %add3A_114 = arith.addi %mul3A_2, %add3A_113 : i32
    %jit3A_115 = arith.constant 64 : i32
    %div3A_116 = arith.divsi %add3A_114, %jit3A_115 : i32
    %sign3A_117 = arith.constant 0 : i32
    %sign3A_118 = arith.cmpi sgt, %add3A_114, %sign3A_117 : i32
    %sign3A_119 = arith.extui %sign3A_118 : i1 to i32
    %sign3A_120 = arith.constant 0 : i32
    %sign3A_121 = arith.cmpi slt, %add3A_114, %sign3A_120 : i32
    %sign3A_122 = arith.extui %sign3A_121 : i1 to i32
    %sign3A_123 = arith.subi %sign3A_119, %sign3A_122 : i32
    %sign3A_124 = arith.constant 0 : i32
    %sign3A_125 = arith.cmpi sgt, %jit3A_115, %sign3A_124 : i32
    %sign3A_126 = arith.extui %sign3A_125 : i1 to i32
    %sign3A_127 = arith.constant 0 : i32
    %sign3A_128 = arith.cmpi slt, %jit3A_115, %sign3A_127 : i32
    %sign3A_129 = arith.extui %sign3A_128 : i1 to i32
    %sign3A_130 = arith.subi %sign3A_126, %sign3A_129 : i32
    %ne3A_131 = arith.cmpi ne, %sign3A_123, %sign3A_130 : i32
    %rem3A_132 = arith.remsi %add3A_114, %jit3A_115 : i32
    %ne3A_133 = arith.constant 0 : i32
    %ne3A_134 = arith.cmpi ne, %rem3A_132, %ne3A_133 : i32
    %and3A_135 = arith.andi %ne3A_131, %ne3A_134 : i1
    %sub3A_136 = arith.constant 1 : i32
    %sub3A_137 = arith.subi %div3A_116, %sub3A_136 : i32
    %select_n3A_138 = arith.select %and3A_135, %sub3A_137, %div3A_116 : i32
    %jit3A_139 = arith.constant 64 : i32
    %eq3A_140 = arith.constant 0 : i32
    %eq3A_141 = arith.cmpi eq, %jit3A_139, %eq3A_140 : i32
    %jit3A_142 = arith.constant 1 : i32
    %select_n3A_143 = arith.select %eq3A_141, %jit3A_142, %jit3A_139 : i32
    %rem3A_144 = arith.remsi %add3A_114, %select_n3A_143 : i32
    %ne3A_145 = arith.constant 0 : i32
    %ne3A_146 = arith.cmpi ne, %rem3A_144, %ne3A_145 : i32
    %lt3A_147 = arith.constant 0 : i32
    %lt3A_148 = arith.cmpi slt, %rem3A_144, %lt3A_147 : i32
    %lt3A_149 = arith.constant 0 : i32
    %lt3A_150 = arith.cmpi slt, %select_n3A_143, %lt3A_149 : i32
    %ne3A_151 = arith.xori %lt3A_148, %lt3A_150 : i1
    %and3A_152 = arith.andi %ne3A_151, %ne3A_146 : i1
    %add3A_153 = arith.addi %rem3A_144, %select_n3A_143 : i32
    %select_n3A_154 = arith.select %and3A_152, %add3A_153, %rem3A_144 : i32
    %mul3A_155 = arith.constant 2 : i32
    %mul3A_156 = arith.muli %select_n3A_154, %mul3A_155 : i32
    %mul3A_157 = arith.constant 128 : i32
    %mul3A_158 = arith.muli %select_n3A_138, %mul3A_157 : i32
    %add3A_159 = arith.addi %mul3A_158, %mul3A_156 : i32
    %dma_start3A_160 = arith.constant 0 : i32
    %dma_start3A_161 = tpu.memref_slice %arg2[%add3A_159, %dma_start3A_160] : memref<25600x128xi32, #tpu.memory_space<hbm>> -> memref<2x128xi32, #tpu.memory_space<hbm>>
    %dma_start3A_162 = arith.constant 0 : i32
    %dma_start3A_163 = tpu.memref_slice %arg2[%add3A_159, %dma_start3A_162] : memref<25600x128xi32, #tpu.memory_space<hbm>> -> memref<2x128xi32, #tpu.memory_space<hbm>>
    tpu.enqueue_dma source(%dma_start3A_163 : memref<2x128xi32, #tpu.memory_space<hbm>>) target(%arg6 : memref<2x128xi32, #tpu.memory_space<vmem>>) target_semaphore(%arg11 : memref<!tpu.dma_semaphore, #tpu.memory_space<semaphore_mem>>)
    %dma_wait3A_164 = arith.constant 0 : i32
    %dma_wait3A_165 = tpu.memref_slice %arg2[%add3A_159, %dma_wait3A_164] : memref<25600x128xi32, #tpu.memory_space<hbm>> -> memref<2x128xi32, #tpu.memory_space<hbm>>
    %dma_wait3A_166 = arith.constant 0 : i32
    %dma_wait3A_167 = tpu.memref_slice %arg2[%add3A_159, %dma_wait3A_166] : memref<25600x128xi32, #tpu.memory_space<hbm>> -> memref<2x128xi32, #tpu.memory_space<hbm>>
    tpu.wait_dma2 semaphore(%arg11 : memref<!tpu.dma_semaphore, #tpu.memory_space<semaphore_mem>>) src(%dma_wait3A_167 : memref<2x128xi32, #tpu.memory_space<hbm>>) dst(%arg6 : memref<2x128xi32, #tpu.memory_space<vmem>>)
    %dma_start3A_168 = arith.constant 0 : i32
    %dma_start3A_169 = arith.constant 0 : i32
    %dma_start3A_170 = arith.constant 0 : i32
    %dma_start3A_171 = tpu.memref_slice %arg8[%dma_start3A_169, %dma_start3A_170] : memref<256x64xf32, #tpu.memory_space<vmem>> -> memref<128x64xf32, #tpu.memory_space<vmem>>
    %dma_start3A_172 = arith.constant 0 : i32
    %dma_start3A_173 = tpu.memref_slice %arg6[%dma_start3A_168, %dma_start3A_172] : memref<2x128xi32, #tpu.memory_space<vmem>> -> memref<1x128xi32, #tpu.memory_space<vmem>>
    %dma_start3A_174 = tpu.memref_squeeze %dma_start3A_173 : memref<1x128xi32, #tpu.memory_space<vmem>> -> memref<128xi32, #tpu.memory_space<vmem>>
    %dma_start3A_175 = arith.constant 0 : i32
    %dma_start3A_176 = arith.constant 0 : i32
    %dma_start3A_177 = tpu.memref_slice %arg3[%dma_start3A_175, %dma_start3A_176] : memref<1000000x64xf32, #tpu.memory_space<hbm>> -> memref<1000000x64xf32, #tpu.memory_space<hbm>>
    tpu.enqueue_indirect_dma source(%dma_start3A_177 : memref<1000000x64xf32, #tpu.memory_space<hbm>>) target(%dma_start3A_171 : memref<128x64xf32, #tpu.memory_space<vmem>>) offsets(%dma_start3A_174 : memref<128xi32, #tpu.memory_space<vmem>>) semaphore(%arg13 : memref<!tpu.dma_semaphore, #tpu.memory_space<semaphore_mem>>)
    %dma_start3A_178 = arith.constant 1 : i32
    %dma_start3A_179 = arith.constant 128 : i32
    %dma_start3A_180 = arith.constant 0 : i32
    %dma_start3A_181 = tpu.memref_slice %arg8[%dma_start3A_179, %dma_start3A_180] : memref<256x64xf32, #tpu.memory_space<vmem>> -> memref<128x64xf32, #tpu.memory_space<vmem>>
    %dma_start3A_182 = arith.constant 0 : i32
    %dma_start3A_183 = tpu.memref_slice %arg6[%dma_start3A_178, %dma_start3A_182] : memref<2x128xi32, #tpu.memory_space<vmem>> -> memref<1x128xi32, #tpu.memory_space<vmem>>
    %dma_start3A_184 = tpu.memref_squeeze %dma_start3A_183 : memref<1x128xi32, #tpu.memory_space<vmem>> -> memref<128xi32, #tpu.memory_space<vmem>>
    %dma_start3A_185 = arith.constant 0 : i32
    %dma_start3A_186 = arith.constant 0 : i32
    %dma_start3A_187 = tpu.memref_slice %arg3[%dma_start3A_185, %dma_start3A_186] : memref<1000000x64xf32, #tpu.memory_space<hbm>> -> memref<1000000x64xf32, #tpu.memory_space<hbm>>
    tpu.enqueue_indirect_dma source(%dma_start3A_187 : memref<1000000x64xf32, #tpu.memory_space<hbm>>) target(%dma_start3A_181 : memref<128x64xf32, #tpu.memory_space<vmem>>) offsets(%dma_start3A_184 : memref<128xi32, #tpu.memory_space<vmem>>) semaphore(%arg13 : memref<!tpu.dma_semaphore, #tpu.memory_space<semaphore_mem>>)
    %scan3A = arith.constant 0 : i32
    %scan3A_188 = arith.constant 200 : i32
    %scan3A_189 = arith.addi %scan3A, %scan3A_188 : i32
    %scan3A_190 = arith.constant 1 : i32
    scf.for %scan3A_648 = %scan3A to %scan3A_189 step %scan3A_190  : i32 {
      %mul3A_649 = arith.constant 2 : i32
      %mul3A_650 = arith.muli %scan3A_648, %mul3A_649 : i32
      %add3A_651 = arith.constant 0 : i32
      %add3A_652 = arith.addi %add3A_651, %mul3A_650 : i32
      %add3A_653 = arith.constant 0 : i32
      %add3A_654 = arith.addi %add3A_652, %add3A_653 : i32
      %add3A_655 = arith.addi %mul3A_2, %add3A_654 : i32
      %dma_wait3A_656 = arith.constant 0 : i32
      %dma_wait3A_657 = arith.constant 0 : i32
      %dma_wait3A_658 = arith.constant 0 : i32
      %dma_wait3A_659 = tpu.memref_slice %arg7[%dma_wait3A_657, %dma_wait3A_658] : memref<256x64xf32, #tpu.memory_space<vmem>> -> memref<128x64xf32, #tpu.memory_space<vmem>>
      %dma_wait3A_660 = arith.constant 0 : i32
      %dma_wait3A_661 = tpu.memref_slice %arg5[%dma_wait3A_656, %dma_wait3A_660] : memref<2x128xi32, #tpu.memory_space<vmem>> -> memref<1x128xi32, #tpu.memory_space<vmem>>
      %dma_wait3A_662 = tpu.memref_squeeze %dma_wait3A_661 : memref<1x128xi32, #tpu.memory_space<vmem>> -> memref<128xi32, #tpu.memory_space<vmem>>
      %dma_wait3A_663 = arith.constant 0 : i32
      %dma_wait3A_664 = arith.constant 0 : i32
      %dma_wait3A_665 = tpu.memref_slice %arg3[%dma_wait3A_663, %dma_wait3A_664] : memref<1000000x64xf32, #tpu.memory_space<hbm>> -> memref<1000000x64xf32, #tpu.memory_space<hbm>>
      tpu.wait_indirect_dma semaphore(%arg12 : memref<!tpu.dma_semaphore, #tpu.memory_space<semaphore_mem>>) src(%dma_wait3A_665 : memref<1000000x64xf32, #tpu.memory_space<hbm>>) dst(%dma_wait3A_659 : memref<128x64xf32, #tpu.memory_space<vmem>>)
      %dma_wait3A_666 = arith.constant 1 : i32
      %dma_wait3A_667 = arith.constant 128 : i32
      %dma_wait3A_668 = arith.constant 0 : i32
      %dma_wait3A_669 = tpu.memref_slice %arg7[%dma_wait3A_667, %dma_wait3A_668] : memref<256x64xf32, #tpu.memory_space<vmem>> -> memref<128x64xf32, #tpu.memory_space<vmem>>
      %dma_wait3A_670 = arith.constant 0 : i32
      %dma_wait3A_671 = tpu.memref_slice %arg5[%dma_wait3A_666, %dma_wait3A_670] : memref<2x128xi32, #tpu.memory_space<vmem>> -> memref<1x128xi32, #tpu.memory_space<vmem>>
      %dma_wait3A_672 = tpu.memref_squeeze %dma_wait3A_671 : memref<1x128xi32, #tpu.memory_space<vmem>> -> memref<128xi32, #tpu.memory_space<vmem>>
      %dma_wait3A_673 = arith.constant 0 : i32
      %dma_wait3A_674 = arith.constant 0 : i32
      %dma_wait3A_675 = tpu.memref_slice %arg3[%dma_wait3A_673, %dma_wait3A_674] : memref<1000000x64xf32, #tpu.memory_space<hbm>> -> memref<1000000x64xf32, #tpu.memory_space<hbm>>
      tpu.wait_indirect_dma semaphore(%arg12 : memref<!tpu.dma_semaphore, #tpu.memory_space<semaphore_mem>>) src(%dma_wait3A_675 : memref<1000000x64xf32, #tpu.memory_space<hbm>>) dst(%dma_wait3A_669 : memref<128x64xf32, #tpu.memory_space<vmem>>)
      %ge3A = arith.constant 2 : i32
      %ge3A_676 = arith.cmpi sge, %add3A_654, %ge3A : i32
      %convert_element_type3A = arith.extui %ge3A_676 : i1 to i32
      %cond3A = arith.constant 0 : i32
      %cond3A_677 = arith.cmpi ne, %convert_element_type3A, %cond3A : i32
      scf.if %cond3A_677 {
        %sub3A_1177 = arith.constant 2 : i32
        %sub3A_1178 = arith.subi %add3A_655, %sub3A_1177 : i32
        %jit3A_1179 = arith.constant 64 : i32
        %div3A_1180 = arith.divsi %sub3A_1178, %jit3A_1179 : i32
        %sign3A_1181 = arith.constant 0 : i32
        %sign3A_1182 = arith.cmpi sgt, %sub3A_1178, %sign3A_1181 : i32
        %sign3A_1183 = arith.extui %sign3A_1182 : i1 to i32
        %sign3A_1184 = arith.constant 0 : i32
        %sign3A_1185 = arith.cmpi slt, %sub3A_1178, %sign3A_1184 : i32
        %sign3A_1186 = arith.extui %sign3A_1185 : i1 to i32
        %sign3A_1187 = arith.subi %sign3A_1183, %sign3A_1186 : i32
        %sign3A_1188 = arith.constant 0 : i32
        %sign3A_1189 = arith.cmpi sgt, %jit3A_1179, %sign3A_1188 : i32
        %sign3A_1190 = arith.extui %sign3A_1189 : i1 to i32
        %sign3A_1191 = arith.constant 0 : i32
        %sign3A_1192 = arith.cmpi slt, %jit3A_1179, %sign3A_1191 : i32
        %sign3A_1193 = arith.extui %sign3A_1192 : i1 to i32
        %sign3A_1194 = arith.subi %sign3A_1190, %sign3A_1193 : i32
        %ne3A_1195 = arith.cmpi ne, %sign3A_1187, %sign3A_1194 : i32
        %rem3A_1196 = arith.remsi %sub3A_1178, %jit3A_1179 : i32
        %ne3A_1197 = arith.constant 0 : i32
        %ne3A_1198 = arith.cmpi ne, %rem3A_1196, %ne3A_1197 : i32
        %and3A_1199 = arith.andi %ne3A_1195, %ne3A_1198 : i1
        %sub3A_1200 = arith.constant 1 : i32
        %sub3A_1201 = arith.subi %div3A_1180, %sub3A_1200 : i32
        %select_n3A_1202 = arith.select %and3A_1199, %sub3A_1201, %div3A_1180 : i32
        %jit3A_1203 = arith.constant 64 : i32
        %eq3A_1204 = arith.constant 0 : i32
        %eq3A_1205 = arith.cmpi eq, %jit3A_1203, %eq3A_1204 : i32
        %jit3A_1206 = arith.constant 1 : i32
        %select_n3A_1207 = arith.select %eq3A_1205, %jit3A_1206, %jit3A_1203 : i32
        %rem3A_1208 = arith.remsi %sub3A_1178, %select_n3A_1207 : i32
        %ne3A_1209 = arith.constant 0 : i32
        %ne3A_1210 = arith.cmpi ne, %rem3A_1208, %ne3A_1209 : i32
        %lt3A_1211 = arith.constant 0 : i32
        %lt3A_1212 = arith.cmpi slt, %rem3A_1208, %lt3A_1211 : i32
        %lt3A_1213 = arith.constant 0 : i32
        %lt3A_1214 = arith.cmpi slt, %select_n3A_1207, %lt3A_1213 : i32
        %ne3A_1215 = arith.xori %lt3A_1212, %lt3A_1214 : i1
        %and3A_1216 = arith.andi %ne3A_1215, %ne3A_1210 : i1
        %add3A_1217 = arith.addi %rem3A_1208, %select_n3A_1207 : i32
        %select_n3A_1218 = arith.select %and3A_1216, %add3A_1217, %rem3A_1208 : i32
        %mul3A_1219 = arith.constant 2 : i32
        %mul3A_1220 = arith.muli %select_n3A_1218, %mul3A_1219 : i32
        %mul3A_1221 = arith.constant 8 : i32
        %mul3A_1222 = arith.muli %select_n3A_1202, %mul3A_1221 : i32
        %add3A_1223 = arith.constant 0 : i32
        %add3A_1224 = arith.addi %mul3A_1222, %add3A_1223 : i32
        %dma_wait3A_1225 = arith.constant 0 : i32
        %dma_wait3A_1226 = arith.constant 0 : i32
        %dma_wait3A_1227 = arith.constant 0 : i32
        %dma_wait3A_1228 = arith.constant 0 : i32
        %dma_wait3A_1229 = tpu.memref_slice %arg9[%dma_wait3A_1225, %dma_wait3A_1226, %dma_wait3A_1227, %dma_wait3A_1228] : memref<8x3x8x129xf32, #tpu.memory_space<vmem>> -> memref<1x2x8x128xf32, #tpu.memory_space<vmem>>
        %dma_wait3A_1230 = tpu.memref_squeeze %dma_wait3A_1229 : memref<1x2x8x128xf32, #tpu.memory_space<vmem>> -> memref<2x8x128xf32, #tpu.memory_space<vmem>>
        %dma_wait3A_1231 = arith.constant 0 : i32
        %dma_wait3A_1232 = arith.constant 0 : i32
        %dma_wait3A_1233 = tpu.memref_slice %arg4[%add3A_1224, %mul3A_1220, %dma_wait3A_1231, %dma_wait3A_1232] : memref<1600x128x8x128xf32, #tpu.memory_space<hbm>> -> memref<1x2x8x128xf32, #tpu.memory_space<hbm>>
        %dma_wait3A_1234 = tpu.memref_squeeze %dma_wait3A_1233 : memref<1x2x8x128xf32, #tpu.memory_space<hbm>> -> memref<2x8x128xf32, #tpu.memory_space<hbm>>
        %dma_wait3A_1235 = arith.constant 0 : i32
        %dma_wait3A_1236 = arith.constant 0 : i32
        %dma_wait3A_1237 = tpu.memref_slice %arg4[%add3A_1224, %mul3A_1220, %dma_wait3A_1235, %dma_wait3A_1236] : memref<1600x128x8x128xf32, #tpu.memory_space<hbm>> -> memref<1x2x8x128xf32, #tpu.memory_space<hbm>>
        %dma_wait3A_1238 = tpu.memref_squeeze %dma_wait3A_1237 : memref<1x2x8x128xf32, #tpu.memory_space<hbm>> -> memref<2x8x128xf32, #tpu.memory_space<hbm>>
        %dma_wait3A_1239 = arith.constant 0 : i32
        %dma_wait3A_1240 = arith.constant 0 : i32
        %dma_wait3A_1241 = arith.constant 0 : i32
        %dma_wait3A_1242 = tpu.memref_slice %arg9[%dma_wait3A_1225, %dma_wait3A_1239, %dma_wait3A_1240, %dma_wait3A_1241] : memref<8x3x8x129xf32, #tpu.memory_space<vmem>> -> memref<1x2x8x128xf32, #tpu.memory_space<vmem>>
        %dma_wait3A_1243 = tpu.memref_squeeze %dma_wait3A_1242 : memref<1x2x8x128xf32, #tpu.memory_space<vmem>> -> memref<2x8x128xf32, #tpu.memory_space<vmem>>
        tpu.wait_dma2 semaphore(%arg14 : memref<!tpu.dma_semaphore, #tpu.memory_space<semaphore_mem>>) src(%dma_wait3A_1243 : memref<2x8x128xf32, #tpu.memory_space<vmem>>) dst(%dma_wait3A_1238 : memref<2x8x128xf32, #tpu.memory_space<hbm>>)
        %mul3A_1244 = arith.constant 8 : i32
        %mul3A_1245 = arith.muli %select_n3A_1202, %mul3A_1244 : i32
        %add3A_1246 = arith.constant 1 : i32
        %add3A_1247 = arith.addi %mul3A_1245, %add3A_1246 : i32
        %dma_wait3A_1248 = arith.constant 1 : i32
        %dma_wait3A_1249 = arith.constant 0 : i32
        %dma_wait3A_1250 = arith.constant 0 : i32
        %dma_wait3A_1251 = arith.constant 0 : i32
        %dma_wait3A_1252 = tpu.memref_slice %arg9[%dma_wait3A_1248, %dma_wait3A_1249, %dma_wait3A_1250, %dma_wait3A_1251] : memref<8x3x8x129xf32, #tpu.memory_space<vmem>> -> memref<1x2x8x128xf32, #tpu.memory_space<vmem>>
        %dma_wait3A_1253 = tpu.memref_squeeze %dma_wait3A_1252 : memref<1x2x8x128xf32, #tpu.memory_space<vmem>> -> memref<2x8x128xf32, #tpu.memory_space<vmem>>
        %dma_wait3A_1254 = arith.constant 0 : i32
        %dma_wait3A_1255 = arith.constant 0 : i32
        %dma_wait3A_1256 = tpu.memref_slice %arg4[%add3A_1247, %mul3A_1220, %dma_wait3A_1254, %dma_wait3A_1255] : memref<1600x128x8x128xf32, #tpu.memory_space<hbm>> -> memref<1x2x8x128xf32, #tpu.memory_space<hbm>>
        %dma_wait3A_1257 = tpu.memref_squeeze %dma_wait3A_1256 : memref<1x2x8x128xf32, #tpu.memory_space<hbm>> -> memref<2x8x128xf32, #tpu.memory_space<hbm>>
        %dma_wait3A_1258 = arith.constant 0 : i32
        %dma_wait3A_1259 = arith.constant 0 : i32
        %dma_wait3A_1260 = tpu.memref_slice %arg4[%add3A_1247, %mul3A_1220, %dma_wait3A_1258, %dma_wait3A_1259] : memref<1600x128x8x128xf32, #tpu.memory_space<hbm>> -> memref<1x2x8x128xf32, #tpu.memory_space<hbm>>
        %dma_wait3A_1261 = tpu.memref_squeeze %dma_wait3A_1260 : memref<1x2x8x128xf32, #tpu.memory_space<hbm>> -> memref<2x8x128xf32, #tpu.memory_space<hbm>>
        %dma_wait3A_1262 = arith.constant 0 : i32
        %dma_wait3A_1263 = arith.constant 0 : i32
        %dma_wait3A_1264 = arith.constant 0 : i32
        %dma_wait3A_1265 = tpu.memref_slice %arg9[%dma_wait3A_1248, %dma_wait3A_1262, %dma_wait3A_1263, %dma_wait3A_1264] : memref<8x3x8x129xf32, #tpu.memory_space<vmem>> -> memref<1x2x8x128xf32, #tpu.memory_space<vmem>>
        %dma_wait3A_1266 = tpu.memref_squeeze %dma_wait3A_1265 : memref<1x2x8x128xf32, #tpu.memory_space<vmem>> -> memref<2x8x128xf32, #tpu.memory_space<vmem>>
        tpu.wait_dma2 semaphore(%arg14 : memref<!tpu.dma_semaphore, #tpu.memory_space<semaphore_mem>>) src(%dma_wait3A_1266 : memref<2x8x128xf32, #tpu.memory_space<vmem>>) dst(%dma_wait3A_1261 : memref<2x8x128xf32, #tpu.memory_space<hbm>>)
        %mul3A_1267 = arith.constant 8 : i32
        %mul3A_1268 = arith.muli %select_n3A_1202, %mul3A_1267 : i32
        %add3A_1269 = arith.constant 2 : i32
        %add3A_1270 = arith.addi %mul3A_1268, %add3A_1269 : i32
        %dma_wait3A_1271 = arith.constant 2 : i32
        %dma_wait3A_1272 = arith.constant 0 : i32
        %dma_wait3A_1273 = arith.constant 0 : i32
        %dma_wait3A_1274 = arith.constant 0 : i32
        %dma_wait3A_1275 = tpu.memref_slice %arg9[%dma_wait3A_1271, %dma_wait3A_1272, %dma_wait3A_1273, %dma_wait3A_1274] : memref<8x3x8x129xf32, #tpu.memory_space<vmem>> -> memref<1x2x8x128xf32, #tpu.memory_space<vmem>>
        %dma_wait3A_1276 = tpu.memref_squeeze %dma_wait3A_1275 : memref<1x2x8x128xf32, #tpu.memory_space<vmem>> -> memref<2x8x128xf32, #tpu.memory_space<vmem>>
        %dma_wait3A_1277 = arith.constant 0 : i32
        %dma_wait3A_1278 = arith.constant 0 : i32
        %dma_wait3A_1279 = tpu.memref_slice %arg4[%add3A_1270, %mul3A_1220, %dma_wait3A_1277, %dma_wait3A_1278] : memref<1600x128x8x128xf32, #tpu.memory_space<hbm>> -> memref<1x2x8x128xf32, #tpu.memory_space<hbm>>
        %dma_wait3A_1280 = tpu.memref_squeeze %dma_wait3A_1279 : memref<1x2x8x128xf32, #tpu.memory_space<hbm>> -> memref<2x8x128xf32, #tpu.memory_space<hbm>>
        %dma_wait3A_1281 = arith.constant 0 : i32
        %dma_wait3A_1282 = arith.constant 0 : i32
        %dma_wait3A_1283 = tpu.memref_slice %arg4[%add3A_1270, %mul3A_1220, %dma_wait3A_1281, %dma_wait3A_1282] : memref<1600x128x8x128xf32, #tpu.memory_space<hbm>> -> memref<1x2x8x128xf32, #tpu.memory_space<hbm>>
        %dma_wait3A_1284 = tpu.memref_squeeze %dma_wait3A_1283 : memref<1x2x8x128xf32, #tpu.memory_space<hbm>> -> memref<2x8x128xf32, #tpu.memory_space<hbm>>
        %dma_wait3A_1285 = arith.constant 0 : i32
        %dma_wait3A_1286 = arith.constant 0 : i32
        %dma_wait3A_1287 = arith.constant 0 : i32
        %dma_wait3A_1288 = tpu.memref_slice %arg9[%dma_wait3A_1271, %dma_wait3A_1285, %dma_wait3A_1286, %dma_wait3A_1287] : memref<8x3x8x129xf32, #tpu.memory_space<vmem>> -> memref<1x2x8x128xf32, #tpu.memory_space<vmem>>
        %dma_wait3A_1289 = tpu.memref_squeeze %dma_wait3A_1288 : memref<1x2x8x128xf32, #tpu.memory_space<vmem>> -> memref<2x8x128xf32, #tpu.memory_space<vmem>>
        tpu.wait_dma2 semaphore(%arg14 : memref<!tpu.dma_semaphore, #tpu.memory_space<semaphore_mem>>) src(%dma_wait3A_1289 : memref<2x8x128xf32, #tpu.memory_space<vmem>>) dst(%dma_wait3A_1284 : memref<2x8x128xf32, #tpu.memory_space<hbm>>)
        %mul3A_1290 = arith.constant 8 : i32
        %mul3A_1291 = arith.muli %select_n3A_1202, %mul3A_1290 : i32
        %add3A_1292 = arith.constant 3 : i32
        %add3A_1293 = arith.addi %mul3A_1291, %add3A_1292 : i32
        %dma_wait3A_1294 = arith.constant 3 : i32
        %dma_wait3A_1295 = arith.constant 0 : i32
        %dma_wait3A_1296 = arith.constant 0 : i32
        %dma_wait3A_1297 = arith.constant 0 : i32
        %dma_wait3A_1298 = tpu.memref_slice %arg9[%dma_wait3A_1294, %dma_wait3A_1295, %dma_wait3A_1296, %dma_wait3A_1297] : memref<8x3x8x129xf32, #tpu.memory_space<vmem>> -> memref<1x2x8x128xf32, #tpu.memory_space<vmem>>
        %dma_wait3A_1299 = tpu.memref_squeeze %dma_wait3A_1298 : memref<1x2x8x128xf32, #tpu.memory_space<vmem>> -> memref<2x8x128xf32, #tpu.memory_space<vmem>>
        %dma_wait3A_1300 = arith.constant 0 : i32
        %dma_wait3A_1301 = arith.constant 0 : i32
        %dma_wait3A_1302 = tpu.memref_slice %arg4[%add3A_1293, %mul3A_1220, %dma_wait3A_1300, %dma_wait3A_1301] : memref<1600x128x8x128xf32, #tpu.memory_space<hbm>> -> memref<1x2x8x128xf32, #tpu.memory_space<hbm>>
        %dma_wait3A_1303 = tpu.memref_squeeze %dma_wait3A_1302 : memref<1x2x8x128xf32, #tpu.memory_space<hbm>> -> memref<2x8x128xf32, #tpu.memory_space<hbm>>
        %dma_wait3A_1304 = arith.constant 0 : i32
        %dma_wait3A_1305 = arith.constant 0 : i32
        %dma_wait3A_1306 = tpu.memref_slice %arg4[%add3A_1293, %mul3A_1220, %dma_wait3A_1304, %dma_wait3A_1305] : memref<1600x128x8x128xf32, #tpu.memory_space<hbm>> -> memref<1x2x8x128xf32, #tpu.memory_space<hbm>>
        %dma_wait3A_1307 = tpu.memref_squeeze %dma_wait3A_1306 : memref<1x2x8x128xf32, #tpu.memory_space<hbm>> -> memref<2x8x128xf32, #tpu.memory_space<hbm>>
        %dma_wait3A_1308 = arith.constant 0 : i32
        %dma_wait3A_1309 = arith.constant 0 : i32
        %dma_wait3A_1310 = arith.constant 0 : i32
        %dma_wait3A_1311 = tpu.memref_slice %arg9[%dma_wait3A_1294, %dma_wait3A_1308, %dma_wait3A_1309, %dma_wait3A_1310] : memref<8x3x8x129xf32, #tpu.memory_space<vmem>> -> memref<1x2x8x128xf32, #tpu.memory_space<vmem>>
        %dma_wait3A_1312 = tpu.memref_squeeze %dma_wait3A_1311 : memref<1x2x8x128xf32, #tpu.memory_space<vmem>> -> memref<2x8x128xf32, #tpu.memory_space<vmem>>
        tpu.wait_dma2 semaphore(%arg14 : memref<!tpu.dma_semaphore, #tpu.memory_space<semaphore_mem>>) src(%dma_wait3A_1312 : memref<2x8x128xf32, #tpu.memory_space<vmem>>) dst(%dma_wait3A_1307 : memref<2x8x128xf32, #tpu.memory_space<hbm>>)
        %mul3A_1313 = arith.constant 8 : i32
        %mul3A_1314 = arith.muli %select_n3A_1202, %mul3A_1313 : i32
        %add3A_1315 = arith.constant 4 : i32
        %add3A_1316 = arith.addi %mul3A_1314, %add3A_1315 : i32
        %dma_wait3A_1317 = arith.constant 4 : i32
        %dma_wait3A_1318 = arith.constant 0 : i32
        %dma_wait3A_1319 = arith.constant 0 : i32
        %dma_wait3A_1320 = arith.constant 0 : i32
        %dma_wait3A_1321 = tpu.memref_slice %arg9[%dma_wait3A_1317, %dma_wait3A_1318, %dma_wait3A_1319, %dma_wait3A_1320] : memref<8x3x8x129xf32, #tpu.memory_space<vmem>> -> memref<1x2x8x128xf32, #tpu.memory_space<vmem>>
        %dma_wait3A_1322 = tpu.memref_squeeze %dma_wait3A_1321 : memref<1x2x8x128xf32, #tpu.memory_space<vmem>> -> memref<2x8x128xf32, #tpu.memory_space<vmem>>
        %dma_wait3A_1323 = arith.constant 0 : i32
        %dma_wait3A_1324 = arith.constant 0 : i32
        %dma_wait3A_1325 = tpu.memref_slice %arg4[%add3A_1316, %mul3A_1220, %dma_wait3A_1323, %dma_wait3A_1324] : memref<1600x128x8x128xf32, #tpu.memory_space<hbm>> -> memref<1x2x8x128xf32, #tpu.memory_space<hbm>>
        %dma_wait3A_1326 = tpu.memref_squeeze %dma_wait3A_1325 : memref<1x2x8x128xf32, #tpu.memory_space<hbm>> -> memref<2x8x128xf32, #tpu.memory_space<hbm>>
        %dma_wait3A_1327 = arith.constant 0 : i32
        %dma_wait3A_1328 = arith.constant 0 : i32
        %dma_wait3A_1329 = tpu.memref_slice %arg4[%add3A_1316, %mul3A_1220, %dma_wait3A_1327, %dma_wait3A_1328] : memref<1600x128x8x128xf32, #tpu.memory_space<hbm>> -> memref<1x2x8x128xf32, #tpu.memory_space<hbm>>
        %dma_wait3A_1330 = tpu.memref_squeeze %dma_wait3A_1329 : memref<1x2x8x128xf32, #tpu.memory_space<hbm>> -> memref<2x8x128xf32, #tpu.memory_space<hbm>>
        %dma_wait3A_1331 = arith.constant 0 : i32
        %dma_wait3A_1332 = arith.constant 0 : i32
        %dma_wait3A_1333 = arith.constant 0 : i32
        %dma_wait3A_1334 = tpu.memref_slice %arg9[%dma_wait3A_1317, %dma_wait3A_1331, %dma_wait3A_1332, %dma_wait3A_1333] : memref<8x3x8x129xf32, #tpu.memory_space<vmem>> -> memref<1x2x8x128xf32, #tpu.memory_space<vmem>>
        %dma_wait3A_1335 = tpu.memref_squeeze %dma_wait3A_1334 : memref<1x2x8x128xf32, #tpu.memory_space<vmem>> -> memref<2x8x128xf32, #tpu.memory_space<vmem>>
        tpu.wait_dma2 semaphore(%arg14 : memref<!tpu.dma_semaphore, #tpu.memory_space<semaphore_mem>>) src(%dma_wait3A_1335 : memref<2x8x128xf32, #tpu.memory_space<vmem>>) dst(%dma_wait3A_1330 : memref<2x8x128xf32, #tpu.memory_space<hbm>>)
        %mul3A_1336 = arith.constant 8 : i32
        %mul3A_1337 = arith.muli %select_n3A_1202, %mul3A_1336 : i32
        %add3A_1338 = arith.constant 5 : i32
        %add3A_1339 = arith.addi %mul3A_1337, %add3A_1338 : i32
        %dma_wait3A_1340 = arith.constant 5 : i32
        %dma_wait3A_1341 = arith.constant 0 : i32
        %dma_wait3A_1342 = arith.constant 0 : i32
        %dma_wait3A_1343 = arith.constant 0 : i32
        %dma_wait3A_1344 = tpu.memref_slice %arg9[%dma_wait3A_1340, %dma_wait3A_1341, %dma_wait3A_1342, %dma_wait3A_1343] : memref<8x3x8x129xf32, #tpu.memory_space<vmem>> -> memref<1x2x8x128xf32, #tpu.memory_space<vmem>>
        %dma_wait3A_1345 = tpu.memref_squeeze %dma_wait3A_1344 : memref<1x2x8x128xf32, #tpu.memory_space<vmem>> -> memref<2x8x128xf32, #tpu.memory_space<vmem>>
        %dma_wait3A_1346 = arith.constant 0 : i32
        %dma_wait3A_1347 = arith.constant 0 : i32
        %dma_wait3A_1348 = tpu.memref_slice %arg4[%add3A_1339, %mul3A_1220, %dma_wait3A_1346, %dma_wait3A_1347] : memref<1600x128x8x128xf32, #tpu.memory_space<hbm>> -> memref<1x2x8x128xf32, #tpu.memory_space<hbm>>
        %dma_wait3A_1349 = tpu.memref_squeeze %dma_wait3A_1348 : memref<1x2x8x128xf32, #tpu.memory_space<hbm>> -> memref<2x8x128xf32, #tpu.memory_space<hbm>>
        %dma_wait3A_1350 = arith.constant 0 : i32
        %dma_wait3A_1351 = arith.constant 0 : i32
        %dma_wait3A_1352 = tpu.memref_slice %arg4[%add3A_1339, %mul3A_1220, %dma_wait3A_1350, %dma_wait3A_1351] : memref<1600x128x8x128xf32, #tpu.memory_space<hbm>> -> memref<1x2x8x128xf32, #tpu.memory_space<hbm>>
        %dma_wait3A_1353 = tpu.memref_squeeze %dma_wait3A_1352 : memref<1x2x8x128xf32, #tpu.memory_space<hbm>> -> memref<2x8x128xf32, #tpu.memory_space<hbm>>
        %dma_wait3A_1354 = arith.constant 0 : i32
        %dma_wait3A_1355 = arith.constant 0 : i32
        %dma_wait3A_1356 = arith.constant 0 : i32
        %dma_wait3A_1357 = tpu.memref_slice %arg9[%dma_wait3A_1340, %dma_wait3A_1354, %dma_wait3A_1355, %dma_wait3A_1356] : memref<8x3x8x129xf32, #tpu.memory_space<vmem>> -> memref<1x2x8x128xf32, #tpu.memory_space<vmem>>
        %dma_wait3A_1358 = tpu.memref_squeeze %dma_wait3A_1357 : memref<1x2x8x128xf32, #tpu.memory_space<vmem>> -> memref<2x8x128xf32, #tpu.memory_space<vmem>>
        tpu.wait_dma2 semaphore(%arg14 : memref<!tpu.dma_semaphore, #tpu.memory_space<semaphore_mem>>) src(%dma_wait3A_1358 : memref<2x8x128xf32, #tpu.memory_space<vmem>>) dst(%dma_wait3A_1353 : memref<2x8x128xf32, #tpu.memory_space<hbm>>)
        %mul3A_1359 = arith.constant 8 : i32
        %mul3A_1360 = arith.muli %select_n3A_1202, %mul3A_1359 : i32
        %add3A_1361 = arith.constant 6 : i32
        %add3A_1362 = arith.addi %mul3A_1360, %add3A_1361 : i32
        %dma_wait3A_1363 = arith.constant 6 : i32
        %dma_wait3A_1364 = arith.constant 0 : i32
        %dma_wait3A_1365 = arith.constant 0 : i32
        %dma_wait3A_1366 = arith.constant 0 : i32
        %dma_wait3A_1367 = tpu.memref_slice %arg9[%dma_wait3A_1363, %dma_wait3A_1364, %dma_wait3A_1365, %dma_wait3A_1366] : memref<8x3x8x129xf32, #tpu.memory_space<vmem>> -> memref<1x2x8x128xf32, #tpu.memory_space<vmem>>
        %dma_wait3A_1368 = tpu.memref_squeeze %dma_wait3A_1367 : memref<1x2x8x128xf32, #tpu.memory_space<vmem>> -> memref<2x8x128xf32, #tpu.memory_space<vmem>>
        %dma_wait3A_1369 = arith.constant 0 : i32
        %dma_wait3A_1370 = arith.constant 0 : i32
        %dma_wait3A_1371 = tpu.memref_slice %arg4[%add3A_1362, %mul3A_1220, %dma_wait3A_1369, %dma_wait3A_1370] : memref<1600x128x8x128xf32, #tpu.memory_space<hbm>> -> memref<1x2x8x128xf32, #tpu.memory_space<hbm>>
        %dma_wait3A_1372 = tpu.memref_squeeze %dma_wait3A_1371 : memref<1x2x8x128xf32, #tpu.memory_space<hbm>> -> memref<2x8x128xf32, #tpu.memory_space<hbm>>
        %dma_wait3A_1373 = arith.constant 0 : i32
        %dma_wait3A_1374 = arith.constant 0 : i32
        %dma_wait3A_1375 = tpu.memref_slice %arg4[%add3A_1362, %mul3A_1220, %dma_wait3A_1373, %dma_wait3A_1374] : memref<1600x128x8x128xf32, #tpu.memory_space<hbm>> -> memref<1x2x8x128xf32, #tpu.memory_space<hbm>>
        %dma_wait3A_1376 = tpu.memref_squeeze %dma_wait3A_1375 : memref<1x2x8x128xf32, #tpu.memory_space<hbm>> -> memref<2x8x128xf32, #tpu.memory_space<hbm>>
        %dma_wait3A_1377 = arith.constant 0 : i32
        %dma_wait3A_1378 = arith.constant 0 : i32
        %dma_wait3A_1379 = arith.constant 0 : i32
        %dma_wait3A_1380 = tpu.memref_slice %arg9[%dma_wait3A_1363, %dma_wait3A_1377, %dma_wait3A_1378, %dma_wait3A_1379] : memref<8x3x8x129xf32, #tpu.memory_space<vmem>> -> memref<1x2x8x128xf32, #tpu.memory_space<vmem>>
        %dma_wait3A_1381 = tpu.memref_squeeze %dma_wait3A_1380 : memref<1x2x8x128xf32, #tpu.memory_space<vmem>> -> memref<2x8x128xf32, #tpu.memory_space<vmem>>
        tpu.wait_dma2 semaphore(%arg14 : memref<!tpu.dma_semaphore, #tpu.memory_space<semaphore_mem>>) src(%dma_wait3A_1381 : memref<2x8x128xf32, #tpu.memory_space<vmem>>) dst(%dma_wait3A_1376 : memref<2x8x128xf32, #tpu.memory_space<hbm>>)
        %mul3A_1382 = arith.constant 8 : i32
        %mul3A_1383 = arith.muli %select_n3A_1202, %mul3A_1382 : i32
        %add3A_1384 = arith.constant 7 : i32
        %add3A_1385 = arith.addi %mul3A_1383, %add3A_1384 : i32
        %dma_wait3A_1386 = arith.constant 7 : i32
        %dma_wait3A_1387 = arith.constant 0 : i32
        %dma_wait3A_1388 = arith.constant 0 : i32
        %dma_wait3A_1389 = arith.constant 0 : i32
        %dma_wait3A_1390 = tpu.memref_slice %arg9[%dma_wait3A_1386, %dma_wait3A_1387, %dma_wait3A_1388, %dma_wait3A_1389] : memref<8x3x8x129xf32, #tpu.memory_space<vmem>> -> memref<1x2x8x128xf32, #tpu.memory_space<vmem>>
        %dma_wait3A_1391 = tpu.memref_squeeze %dma_wait3A_1390 : memref<1x2x8x128xf32, #tpu.memory_space<vmem>> -> memref<2x8x128xf32, #tpu.memory_space<vmem>>
        %dma_wait3A_1392 = arith.constant 0 : i32
        %dma_wait3A_1393 = arith.constant 0 : i32
        %dma_wait3A_1394 = tpu.memref_slice %arg4[%add3A_1385, %mul3A_1220, %dma_wait3A_1392, %dma_wait3A_1393] : memref<1600x128x8x128xf32, #tpu.memory_space<hbm>> -> memref<1x2x8x128xf32, #tpu.memory_space<hbm>>
        %dma_wait3A_1395 = tpu.memref_squeeze %dma_wait3A_1394 : memref<1x2x8x128xf32, #tpu.memory_space<hbm>> -> memref<2x8x128xf32, #tpu.memory_space<hbm>>
        %dma_wait3A_1396 = arith.constant 0 : i32
        %dma_wait3A_1397 = arith.constant 0 : i32
        %dma_wait3A_1398 = tpu.memref_slice %arg4[%add3A_1385, %mul3A_1220, %dma_wait3A_1396, %dma_wait3A_1397] : memref<1600x128x8x128xf32, #tpu.memory_space<hbm>> -> memref<1x2x8x128xf32, #tpu.memory_space<hbm>>
        %dma_wait3A_1399 = tpu.memref_squeeze %dma_wait3A_1398 : memref<1x2x8x128xf32, #tpu.memory_space<hbm>> -> memref<2x8x128xf32, #tpu.memory_space<hbm>>
        %dma_wait3A_1400 = arith.constant 0 : i32
        %dma_wait3A_1401 = arith.constant 0 : i32
        %dma_wait3A_1402 = arith.constant 0 : i32
        %dma_wait3A_1403 = tpu.memref_slice %arg9[%dma_wait3A_1386, %dma_wait3A_1400, %dma_wait3A_1401, %dma_wait3A_1402] : memref<8x3x8x129xf32, #tpu.memory_space<vmem>> -> memref<1x2x8x128xf32, #tpu.memory_space<vmem>>
        %dma_wait3A_1404 = tpu.memref_squeeze %dma_wait3A_1403 : memref<1x2x8x128xf32, #tpu.memory_space<vmem>> -> memref<2x8x128xf32, #tpu.memory_space<vmem>>
        tpu.wait_dma2 semaphore(%arg14 : memref<!tpu.dma_semaphore, #tpu.memory_space<semaphore_mem>>) src(%dma_wait3A_1404 : memref<2x8x128xf32, #tpu.memory_space<vmem>>) dst(%dma_wait3A_1399 : memref<2x8x128xf32, #tpu.memory_space<hbm>>)
      } else {
      }
      %parallel_loop3A = arith.constant 0 : i32
      %parallel_loop3A_678 = arith.constant 256 : i32
      %parallel_loop3A_679 = arith.constant 1 : i32
      scf.for %parallel_loop3A_1177 = %parallel_loop3A to %parallel_loop3A_678 step %parallel_loop3A_679  : i32 {
        %parallel_loop3A_1178 = arith.constant 7 : i32
        %parallel_loop3A_1179 = arith.shrsi %parallel_loop3A_1177, %parallel_loop3A_1178 : i32
        %parallel_loop3A_1180 = vector.broadcast %parallel_loop3A_1179 : i32 to vector<16xi32>
        %parallel_loop3A_1181 = arith.constant 127 : i32
        %parallel_loop3A_1182 = arith.andi %parallel_loop3A_1177, %parallel_loop3A_1181 : i32
        %parallel_loop3A_1183 = vector.broadcast %parallel_loop3A_1182 : i32 to vector<16xi32>
        %parallel_loop3A_1184 = arith.index_cast %parallel_loop3A_1177 : i32 to index
        %parallel_loop3A_1185 = arith.constant 0 : index
        %parallel_loop3A_1186 = tpu.vector_load %arg7[%parallel_loop3A_1184, %parallel_loop3A_1185] {strides = array<i32>} : memref<256x64xf32, #tpu.memory_space<vmem>>, vector<16xf32>,
        %parallel_loop3A_1187 = arith.constant 8.000000e+00 : f32
        %parallel_loop3A_1188 = vector.broadcast %parallel_loop3A_1187 : f32 to vector<16xf32>
        %parallel_loop3A_1189 = arith.mulf %parallel_loop3A_1186, %parallel_loop3A_1188 : vector<16xf32>
        tpu.vector_store_idx %arg9[%shift_right_arithmetic3A_7, %parallel_loop3A_1180, %and3A_30, %parallel_loop3A_1183], %parallel_loop3A_1189 : memref<8x3x8x129xf32, #tpu.memory_space<vmem>>[vector<16xi32>, vector<16xi32>, vector<16xi32>, vector<16xi32>], vector<16xf32>,
        %parallel_loop3A_1190 = arith.index_cast %parallel_loop3A_1177 : i32 to index
        %parallel_loop3A_1191 = arith.constant 16 : index
        %parallel_loop3A_1192 = tpu.vector_load %arg7[%parallel_loop3A_1190, %parallel_loop3A_1191] {strides = array<i32>} : memref<256x64xf32, #tpu.memory_space<vmem>>, vector<16xf32>,
        %parallel_loop3A_1193 = arith.constant 8.000000e+00 : f32
        %parallel_loop3A_1194 = vector.broadcast %parallel_loop3A_1193 : f32 to vector<16xf32>
        %parallel_loop3A_1195 = arith.mulf %parallel_loop3A_1192, %parallel_loop3A_1194 : vector<16xf32>
        tpu.vector_store_idx %arg9[%shift_right_arithmetic3A_13, %parallel_loop3A_1180, %and3A_36, %parallel_loop3A_1183], %parallel_loop3A_1195 : memref<8x3x8x129xf32, #tpu.memory_space<vmem>>[vector<16xi32>, vector<16xi32>, vector<16xi32>, vector<16xi32>], vector<16xf32>,
        %parallel_loop3A_1196 = arith.index_cast %parallel_loop3A_1177 : i32 to index
        %parallel_loop3A_1197 = arith.constant 32 : index
        %parallel_loop3A_1198 = tpu.vector_load %arg7[%parallel_loop3A_1196, %parallel_loop3A_1197] {strides = array<i32>} : memref<256x64xf32, #tpu.memory_space<vmem>>, vector<16xf32>,
        %parallel_loop3A_1199 = arith.constant 8.000000e+00 : f32
        %parallel_loop3A_1200 = vector.broadcast %parallel_loop3A_1199 : f32 to vector<16xf32>
        %parallel_loop3A_1201 = arith.mulf %parallel_loop3A_1198, %parallel_loop3A_1200 : vector<16xf32>
        tpu.vector_store_idx %arg9[%shift_right_arithmetic3A_19, %parallel_loop3A_1180, %and3A_42, %parallel_loop3A_1183], %parallel_loop3A_1201 : memref<8x3x8x129xf32, #tpu.memory_space<vmem>>[vector<16xi32>, vector<16xi32>, vector<16xi32>, vector<16xi32>], vector<16xf32>,
        %parallel_loop3A_1202 = arith.index_cast %parallel_loop3A_1177 : i32 to index
        %parallel_loop3A_1203 = arith.constant 48 : index
        %parallel_loop3A_1204 = tpu.vector_load %arg7[%parallel_loop3A_1202, %parallel_loop3A_1203] {strides = array<i32>} : memref<256x64xf32, #tpu.memory_space<vmem>>, vector<16xf32>,
        %parallel_loop3A_1205 = arith.constant 8.000000e+00 : f32
        %parallel_loop3A_1206 = vector.broadcast %parallel_loop3A_1205 : f32 to vector<16xf32>
        %parallel_loop3A_1207 = arith.mulf %parallel_loop3A_1204, %parallel_loop3A_1206 : vector<16xf32>
        tpu.vector_store_idx %arg9[%shift_right_arithmetic3A_25, %parallel_loop3A_1180, %and3A_48, %parallel_loop3A_1183], %parallel_loop3A_1207 : memref<8x3x8x129xf32, #tpu.memory_space<vmem>>[vector<16xi32>, vector<16xi32>, vector<16xi32>, vector<16xi32>], vector<16xf32>,
      } {sc.loop_unroll_factor = 2 : i64, sc.parallel_access}
      %add3A_680 = arith.constant 2 : i32
      %add3A_681 = arith.addi %add3A_654, %add3A_680 : i32
      %lt3A_682 = arith.constant 400 : i32
      %lt3A_683 = arith.cmpi slt, %add3A_681, %lt3A_682 : i32
      %convert_element_type3A_684 = arith.extui %lt3A_683 : i1 to i32
      %cond3A_685 = arith.constant 0 : i32
      %cond3A_686 = arith.cmpi ne, %convert_element_type3A_684, %cond3A_685 : i32
      scf.if %cond3A_686 {
        %add3A_1177 = arith.constant 2 : i32
        %add3A_1178 = arith.addi %add3A_655, %add3A_1177 : i32
        %jit3A_1179 = arith.constant 64 : i32
        %div3A_1180 = arith.divsi %add3A_1178, %jit3A_1179 : i32
        %sign3A_1181 = arith.constant 0 : i32
        %sign3A_1182 = arith.cmpi sgt, %add3A_1178, %sign3A_1181 : i32
        %sign3A_1183 = arith.extui %sign3A_1182 : i1 to i32
        %sign3A_1184 = arith.constant 0 : i32
        %sign3A_1185 = arith.cmpi slt, %add3A_1178, %sign3A_1184 : i32
        %sign3A_1186 = arith.extui %sign3A_1185 : i1 to i32
        %sign3A_1187 = arith.subi %sign3A_1183, %sign3A_1186 : i32
        %sign3A_1188 = arith.constant 0 : i32
        %sign3A_1189 = arith.cmpi sgt, %jit3A_1179, %sign3A_1188 : i32
        %sign3A_1190 = arith.extui %sign3A_1189 : i1 to i32
        %sign3A_1191 = arith.constant 0 : i32
        %sign3A_1192 = arith.cmpi slt, %jit3A_1179, %sign3A_1191 : i32
        %sign3A_1193 = arith.extui %sign3A_1192 : i1 to i32
        %sign3A_1194 = arith.subi %sign3A_1190, %sign3A_1193 : i32
        %ne3A_1195 = arith.cmpi ne, %sign3A_1187, %sign3A_1194 : i32
        %rem3A_1196 = arith.remsi %add3A_1178, %jit3A_1179 : i32
        %ne3A_1197 = arith.constant 0 : i32
        %ne3A_1198 = arith.cmpi ne, %rem3A_1196, %ne3A_1197 : i32
        %and3A_1199 = arith.andi %ne3A_1195, %ne3A_1198 : i1
        %sub3A_1200 = arith.constant 1 : i32
        %sub3A_1201 = arith.subi %div3A_1180, %sub3A_1200 : i32
        %select_n3A_1202 = arith.select %and3A_1199, %sub3A_1201, %div3A_1180 : i32
        %jit3A_1203 = arith.constant 64 : i32
        %eq3A_1204 = arith.constant 0 : i32
        %eq3A_1205 = arith.cmpi eq, %jit3A_1203, %eq3A_1204 : i32
        %jit3A_1206 = arith.constant 1 : i32
        %select_n3A_1207 = arith.select %eq3A_1205, %jit3A_1206, %jit3A_1203 : i32
        %rem3A_1208 = arith.remsi %add3A_1178, %select_n3A_1207 : i32
        %ne3A_1209 = arith.constant 0 : i32
        %ne3A_1210 = arith.cmpi ne, %rem3A_1208, %ne3A_1209 : i32
        %lt3A_1211 = arith.constant 0 : i32
        %lt3A_1212 = arith.cmpi slt, %rem3A_1208, %lt3A_1211 : i32
        %lt3A_1213 = arith.constant 0 : i32
        %lt3A_1214 = arith.cmpi slt, %select_n3A_1207, %lt3A_1213 : i32
        %ne3A_1215 = arith.xori %lt3A_1212, %lt3A_1214 : i1
        %and3A_1216 = arith.andi %ne3A_1215, %ne3A_1210 : i1
        %add3A_1217 = arith.addi %rem3A_1208, %select_n3A_1207 : i32
        %select_n3A_1218 = arith.select %and3A_1216, %add3A_1217, %rem3A_1208 : i32
        %mul3A_1219 = arith.constant 2 : i32
        %mul3A_1220 = arith.muli %select_n3A_1218, %mul3A_1219 : i32
        %mul3A_1221 = arith.constant 128 : i32
        %mul3A_1222 = arith.muli %select_n3A_1202, %mul3A_1221 : i32
        %add3A_1223 = arith.addi %mul3A_1222, %mul3A_1220 : i32
        %dma_start3A_1224 = arith.constant 0 : i32
        %dma_start3A_1225 = tpu.memref_slice %arg2[%add3A_1223, %dma_start3A_1224] : memref<25600x128xi32, #tpu.memory_space<hbm>> -> memref<2x128xi32, #tpu.memory_space<hbm>>
        %dma_start3A_1226 = arith.constant 0 : i32
        %dma_start3A_1227 = tpu.memref_slice %arg2[%add3A_1223, %dma_start3A_1226] : memref<25600x128xi32, #tpu.memory_space<hbm>> -> memref<2x128xi32, #tpu.memory_space<hbm>>
        tpu.enqueue_dma source(%dma_start3A_1227 : memref<2x128xi32, #tpu.memory_space<hbm>>) target(%arg5 : memref<2x128xi32, #tpu.memory_space<vmem>>) target_semaphore(%arg11 : memref<!tpu.dma_semaphore, #tpu.memory_space<semaphore_mem>>)
        %dma_wait3A_1228 = arith.constant 0 : i32
        %dma_wait3A_1229 = tpu.memref_slice %arg2[%add3A_1223, %dma_wait3A_1228] : memref<25600x128xi32, #tpu.memory_space<hbm>> -> memref<2x128xi32, #tpu.memory_space<hbm>>
        %dma_wait3A_1230 = arith.constant 0 : i32
        %dma_wait3A_1231 = tpu.memref_slice %arg2[%add3A_1223, %dma_wait3A_1230] : memref<25600x128xi32, #tpu.memory_space<hbm>> -> memref<2x128xi32, #tpu.memory_space<hbm>>
        tpu.wait_dma2 semaphore(%arg11 : memref<!tpu.dma_semaphore, #tpu.memory_space<semaphore_mem>>) src(%dma_wait3A_1231 : memref<2x128xi32, #tpu.memory_space<hbm>>) dst(%arg5 : memref<2x128xi32, #tpu.memory_space<vmem>>)
        %dma_start3A_1232 = arith.constant 0 : i32
        %dma_start3A_1233 = arith.constant 0 : i32
        %dma_start3A_1234 = arith.constant 0 : i32
        %dma_start3A_1235 = tpu.memref_slice %arg7[%dma_start3A_1233, %dma_start3A_1234] : memref<256x64xf32, #tpu.memory_space<vmem>> -> memref<128x64xf32, #tpu.memory_space<vmem>>
        %dma_start3A_1236 = arith.constant 0 : i32
        %dma_start3A_1237 = tpu.memref_slice %arg5[%dma_start3A_1232, %dma_start3A_1236] : memref<2x128xi32, #tpu.memory_space<vmem>> -> memref<1x128xi32, #tpu.memory_space<vmem>>
        %dma_start3A_1238 = tpu.memref_squeeze %dma_start3A_1237 : memref<1x128xi32, #tpu.memory_space<vmem>> -> memref<128xi32, #tpu.memory_space<vmem>>
        %dma_start3A_1239 = arith.constant 0 : i32
        %dma_start3A_1240 = arith.constant 0 : i32
        %dma_start3A_1241 = tpu.memref_slice %arg3[%dma_start3A_1239, %dma_start3A_1240] : memref<1000000x64xf32, #tpu.memory_space<hbm>> -> memref<1000000x64xf32, #tpu.memory_space<hbm>>
        tpu.enqueue_indirect_dma source(%dma_start3A_1241 : memref<1000000x64xf32, #tpu.memory_space<hbm>>) target(%dma_start3A_1235 : memref<128x64xf32, #tpu.memory_space<vmem>>) offsets(%dma_start3A_1238 : memref<128xi32, #tpu.memory_space<vmem>>) semaphore(%arg12 : memref<!tpu.dma_semaphore, #tpu.memory_space<semaphore_mem>>)
        %dma_start3A_1242 = arith.constant 1 : i32
        %dma_start3A_1243 = arith.constant 128 : i32
        %dma_start3A_1244 = arith.constant 0 : i32
        %dma_start3A_1245 = tpu.memref_slice %arg7[%dma_start3A_1243, %dma_start3A_1244] : memref<256x64xf32, #tpu.memory_space<vmem>> -> memref<128x64xf32, #tpu.memory_space<vmem>>
        %dma_start3A_1246 = arith.constant 0 : i32
        %dma_start3A_1247 = tpu.memref_slice %arg5[%dma_start3A_1242, %dma_start3A_1246] : memref<2x128xi32, #tpu.memory_space<vmem>> -> memref<1x128xi32, #tpu.memory_space<vmem>>
        %dma_start3A_1248 = tpu.memref_squeeze %dma_start3A_1247 : memref<1x128xi32, #tpu.memory_space<vmem>> -> memref<128xi32, #tpu.memory_space<vmem>>
        %dma_start3A_1249 = arith.constant 0 : i32
        %dma_start3A_1250 = arith.constant 0 : i32
        %dma_start3A_1251 = tpu.memref_slice %arg3[%dma_start3A_1249, %dma_start3A_1250] : memref<1000000x64xf32, #tpu.memory_space<hbm>> -> memref<1000000x64xf32, #tpu.memory_space<hbm>>
        tpu.enqueue_indirect_dma source(%dma_start3A_1251 : memref<1000000x64xf32, #tpu.memory_space<hbm>>) target(%dma_start3A_1245 : memref<128x64xf32, #tpu.memory_space<vmem>>) offsets(%dma_start3A_1248 : memref<128xi32, #tpu.memory_space<vmem>>) semaphore(%arg12 : memref<!tpu.dma_semaphore, #tpu.memory_space<semaphore_mem>>)
      } else {
      }
      %jit3A_687 = arith.constant 64 : i32
      %div3A_688 = arith.divsi %add3A_655, %jit3A_687 : i32
      %sign3A_689 = arith.constant 0 : i32
      %sign3A_690 = arith.cmpi sgt, %add3A_655, %sign3A_689 : i32
      %sign3A_691 = arith.extui %sign3A_690 : i1 to i32
      %sign3A_692 = arith.constant 0 : i32
      %sign3A_693 = arith.cmpi slt, %add3A_655, %sign3A_692 : i32
      %sign3A_694 = arith.extui %sign3A_693 : i1 to i32
      %sign3A_695 = arith.subi %sign3A_691, %sign3A_694 : i32
      %sign3A_696 = arith.constant 0 : i32
      %sign3A_697 = arith.cmpi sgt, %jit3A_687, %sign3A_696 : i32
      %sign3A_698 = arith.extui %sign3A_697 : i1 to i32
      %sign3A_699 = arith.constant 0 : i32
      %sign3A_700 = arith.cmpi slt, %jit3A_687, %sign3A_699 : i32
      %sign3A_701 = arith.extui %sign3A_700 : i1 to i32
      %sign3A_702 = arith.subi %sign3A_698, %sign3A_701 : i32
      %ne3A_703 = arith.cmpi ne, %sign3A_695, %sign3A_702 : i32
      %rem3A_704 = arith.remsi %add3A_655, %jit3A_687 : i32
      %ne3A_705 = arith.constant 0 : i32
      %ne3A_706 = arith.cmpi ne, %rem3A_704, %ne3A_705 : i32
      %and3A_707 = arith.andi %ne3A_703, %ne3A_706 : i1
      %sub3A_708 = arith.constant 1 : i32
      %sub3A_709 = arith.subi %div3A_688, %sub3A_708 : i32
      %select_n3A_710 = arith.select %and3A_707, %sub3A_709, %div3A_688 : i32
      %jit3A_711 = arith.constant 64 : i32
      %eq3A_712 = arith.constant 0 : i32
      %eq3A_713 = arith.cmpi eq, %jit3A_711, %eq3A_712 : i32
      %jit3A_714 = arith.constant 1 : i32
      %select_n3A_715 = arith.select %eq3A_713, %jit3A_714, %jit3A_711 : i32
      %rem3A_716 = arith.remsi %add3A_655, %select_n3A_715 : i32
      %ne3A_717 = arith.constant 0 : i32
      %ne3A_718 = arith.cmpi ne, %rem3A_716, %ne3A_717 : i32
      %lt3A_719 = arith.constant 0 : i32
      %lt3A_720 = arith.cmpi slt, %rem3A_716, %lt3A_719 : i32
      %lt3A_721 = arith.constant 0 : i32
      %lt3A_722 = arith.cmpi slt, %select_n3A_715, %lt3A_721 : i32
      %ne3A_723 = arith.xori %lt3A_720, %lt3A_722 : i1
      %and3A_724 = arith.andi %ne3A_723, %ne3A_718 : i1
      %add3A_725 = arith.addi %rem3A_716, %select_n3A_715 : i32
      %select_n3A_726 = arith.select %and3A_724, %add3A_725, %rem3A_716 : i32
      %mul3A_727 = arith.constant 2 : i32
      %mul3A_728 = arith.muli %select_n3A_726, %mul3A_727 : i32
      %mul3A_729 = arith.constant 8 : i32
      %mul3A_730 = arith.muli %select_n3A_710, %mul3A_729 : i32
      %add3A_731 = arith.constant 0 : i32
      %add3A_732 = arith.addi %mul3A_730, %add3A_731 : i32
      %dma_start3A_733 = arith.constant 0 : i32
      %dma_start3A_734 = arith.constant 0 : i32
      %dma_start3A_735 = arith.constant 0 : i32
      %dma_start3A_736 = arith.constant 0 : i32
      %dma_start3A_737 = tpu.memref_slice %arg9[%dma_start3A_733, %dma_start3A_734, %dma_start3A_735, %dma_start3A_736] : memref<8x3x8x129xf32, #tpu.memory_space<vmem>> -> memref<1x2x8x128xf32, #tpu.memory_space<vmem>>
      %dma_start3A_738 = tpu.memref_squeeze %dma_start3A_737 : memref<1x2x8x128xf32, #tpu.memory_space<vmem>> -> memref<2x8x128xf32, #tpu.memory_space<vmem>>
      %dma_start3A_739 = arith.constant 0 : i32
      %dma_start3A_740 = arith.constant 0 : i32
      %dma_start3A_741 = tpu.memref_slice %arg4[%add3A_732, %mul3A_728, %dma_start3A_739, %dma_start3A_740] : memref<1600x128x8x128xf32, #tpu.memory_space<hbm>> -> memref<1x2x8x128xf32, #tpu.memory_space<hbm>>
      %dma_start3A_742 = tpu.memref_squeeze %dma_start3A_741 : memref<1x2x8x128xf32, #tpu.memory_space<hbm>> -> memref<2x8x128xf32, #tpu.memory_space<hbm>>
      %dma_start3A_743 = arith.constant 0 : i32
      %dma_start3A_744 = arith.constant 0 : i32
      %dma_start3A_745 = tpu.memref_slice %arg4[%add3A_732, %mul3A_728, %dma_start3A_743, %dma_start3A_744] : memref<1600x128x8x128xf32, #tpu.memory_space<hbm>> -> memref<1x2x8x128xf32, #tpu.memory_space<hbm>>
      %dma_start3A_746 = tpu.memref_squeeze %dma_start3A_745 : memref<1x2x8x128xf32, #tpu.memory_space<hbm>> -> memref<2x8x128xf32, #tpu.memory_space<hbm>>
      %dma_start3A_747 = arith.constant 0 : i32
      %dma_start3A_748 = arith.constant 0 : i32
      %dma_start3A_749 = arith.constant 0 : i32
      %dma_start3A_750 = tpu.memref_slice %arg9[%dma_start3A_733, %dma_start3A_747, %dma_start3A_748, %dma_start3A_749] : memref<8x3x8x129xf32, #tpu.memory_space<vmem>> -> memref<1x2x8x128xf32, #tpu.memory_space<vmem>>
      %dma_start3A_751 = tpu.memref_squeeze %dma_start3A_750 : memref<1x2x8x128xf32, #tpu.memory_space<vmem>> -> memref<2x8x128xf32, #tpu.memory_space<vmem>>
      tpu.enqueue_dma source(%dma_start3A_751 : memref<2x8x128xf32, #tpu.memory_space<vmem>>) target(%dma_start3A_746 : memref<2x8x128xf32, #tpu.memory_space<hbm>>) target_semaphore(%arg14 : memref<!tpu.dma_semaphore, #tpu.memory_space<semaphore_mem>>)
      %mul3A_752 = arith.constant 8 : i32
      %mul3A_753 = arith.muli %select_n3A_710, %mul3A_752 : i32
      %add3A_754 = arith.constant 1 : i32
      %add3A_755 = arith.addi %mul3A_753, %add3A_754 : i32
      %dma_start3A_756 = arith.constant 1 : i32
      %dma_start3A_757 = arith.constant 0 : i32
      %dma_start3A_758 = arith.constant 0 : i32
      %dma_start3A_759 = arith.constant 0 : i32
      %dma_start3A_760 = tpu.memref_slice %arg9[%dma_start3A_756, %dma_start3A_757, %dma_start3A_758, %dma_start3A_759] : memref<8x3x8x129xf32, #tpu.memory_space<vmem>> -> memref<1x2x8x128xf32, #tpu.memory_space<vmem>>
      %dma_start3A_761 = tpu.memref_squeeze %dma_start3A_760 : memref<1x2x8x128xf32, #tpu.memory_space<vmem>> -> memref<2x8x128xf32, #tpu.memory_space<vmem>>
      %dma_start3A_762 = arith.constant 0 : i32
      %dma_start3A_763 = arith.constant 0 : i32
      %dma_start3A_764 = tpu.memref_slice %arg4[%add3A_755, %mul3A_728, %dma_start3A_762, %dma_start3A_763] : memref<1600x128x8x128xf32, #tpu.memory_space<hbm>> -> memref<1x2x8x128xf32, #tpu.memory_space<hbm>>
      %dma_start3A_765 = tpu.memref_squeeze %dma_start3A_764 : memref<1x2x8x128xf32, #tpu.memory_space<hbm>> -> memref<2x8x128xf32, #tpu.memory_space<hbm>>
      %dma_start3A_766 = arith.constant 0 : i32
      %dma_start3A_767 = arith.constant 0 : i32
      %dma_start3A_768 = tpu.memref_slice %arg4[%add3A_755, %mul3A_728, %dma_start3A_766, %dma_start3A_767] : memref<1600x128x8x128xf32, #tpu.memory_space<hbm>> -> memref<1x2x8x128xf32, #tpu.memory_space<hbm>>
      %dma_start3A_769 = tpu.memref_squeeze %dma_start3A_768 : memref<1x2x8x128xf32, #tpu.memory_space<hbm>> -> memref<2x8x128xf32, #tpu.memory_space<hbm>>
      %dma_start3A_770 = arith.constant 0 : i32
      %dma_start3A_771 = arith.constant 0 : i32
      %dma_start3A_772 = arith.constant 0 : i32
      %dma_start3A_773 = tpu.memref_slice %arg9[%dma_start3A_756, %dma_start3A_770, %dma_start3A_771, %dma_start3A_772] : memref<8x3x8x129xf32, #tpu.memory_space<vmem>> -> memref<1x2x8x128xf32, #tpu.memory_space<vmem>>
      %dma_start3A_774 = tpu.memref_squeeze %dma_start3A_773 : memref<1x2x8x128xf32, #tpu.memory_space<vmem>> -> memref<2x8x128xf32, #tpu.memory_space<vmem>>
      tpu.enqueue_dma source(%dma_start3A_774 : memref<2x8x128xf32, #tpu.memory_space<vmem>>) target(%dma_start3A_769 : memref<2x8x128xf32, #tpu.memory_space<hbm>>) target_semaphore(%arg14 : memref<!tpu.dma_semaphore, #tpu.memory_space<semaphore_mem>>)
      %mul3A_775 = arith.constant 8 : i32
      %mul3A_776 = arith.muli %select_n3A_710, %mul3A_775 : i32
      %add3A_777 = arith.constant 2 : i32
      %add3A_778 = arith.addi %mul3A_776, %add3A_777 : i32
      %dma_start3A_779 = arith.constant 2 : i32
      %dma_start3A_780 = arith.constant 0 : i32
      %dma_start3A_781 = arith.constant 0 : i32
      %dma_start3A_782 = arith.constant 0 : i32
      %dma_start3A_783 = tpu.memref_slice %arg9[%dma_start3A_779, %dma_start3A_780, %dma_start3A_781, %dma_start3A_782] : memref<8x3x8x129xf32, #tpu.memory_space<vmem>> -> memref<1x2x8x128xf32, #tpu.memory_space<vmem>>
      %dma_start3A_784 = tpu.memref_squeeze %dma_start3A_783 : memref<1x2x8x128xf32, #tpu.memory_space<vmem>> -> memref<2x8x128xf32, #tpu.memory_space<vmem>>
      %dma_start3A_785 = arith.constant 0 : i32
      %dma_start3A_786 = arith.constant 0 : i32
      %dma_start3A_787 = tpu.memref_slice %arg4[%add3A_778, %mul3A_728, %dma_start3A_785, %dma_start3A_786] : memref<1600x128x8x128xf32, #tpu.memory_space<hbm>> -> memref<1x2x8x128xf32, #tpu.memory_space<hbm>>
      %dma_start3A_788 = tpu.memref_squeeze %dma_start3A_787 : memref<1x2x8x128xf32, #tpu.memory_space<hbm>> -> memref<2x8x128xf32, #tpu.memory_space<hbm>>
      %dma_start3A_789 = arith.constant 0 : i32
      %dma_start3A_790 = arith.constant 0 : i32
      %dma_start3A_791 = tpu.memref_slice %arg4[%add3A_778, %mul3A_728, %dma_start3A_789, %dma_start3A_790] : memref<1600x128x8x128xf32, #tpu.memory_space<hbm>> -> memref<1x2x8x128xf32, #tpu.memory_space<hbm>>
      %dma_start3A_792 = tpu.memref_squeeze %dma_start3A_791 : memref<1x2x8x128xf32, #tpu.memory_space<hbm>> -> memref<2x8x128xf32, #tpu.memory_space<hbm>>
      %dma_start3A_793 = arith.constant 0 : i32
      %dma_start3A_794 = arith.constant 0 : i32
      %dma_start3A_795 = arith.constant 0 : i32
      %dma_start3A_796 = tpu.memref_slice %arg9[%dma_start3A_779, %dma_start3A_793, %dma_start3A_794, %dma_start3A_795] : memref<8x3x8x129xf32, #tpu.memory_space<vmem>> -> memref<1x2x8x128xf32, #tpu.memory_space<vmem>>
      %dma_start3A_797 = tpu.memref_squeeze %dma_start3A_796 : memref<1x2x8x128xf32, #tpu.memory_space<vmem>> -> memref<2x8x128xf32, #tpu.memory_space<vmem>>
      tpu.enqueue_dma source(%dma_start3A_797 : memref<2x8x128xf32, #tpu.memory_space<vmem>>) target(%dma_start3A_792 : memref<2x8x128xf32, #tpu.memory_space<hbm>>) target_semaphore(%arg14 : memref<!tpu.dma_semaphore, #tpu.memory_space<semaphore_mem>>)
      %mul3A_798 = arith.constant 8 : i32
      %mul3A_799 = arith.muli %select_n3A_710, %mul3A_798 : i32
      %add3A_800 = arith.constant 3 : i32
      %add3A_801 = arith.addi %mul3A_799, %add3A_800 : i32
      %dma_start3A_802 = arith.constant 3 : i32
      %dma_start3A_803 = arith.constant 0 : i32
      %dma_start3A_804 = arith.constant 0 : i32
      %dma_start3A_805 = arith.constant 0 : i32
      %dma_start3A_806 = tpu.memref_slice %arg9[%dma_start3A_802, %dma_start3A_803, %dma_start3A_804, %dma_start3A_805] : memref<8x3x8x129xf32, #tpu.memory_space<vmem>> -> memref<1x2x8x128xf32, #tpu.memory_space<vmem>>
      %dma_start3A_807 = tpu.memref_squeeze %dma_start3A_806 : memref<1x2x8x128xf32, #tpu.memory_space<vmem>> -> memref<2x8x128xf32, #tpu.memory_space<vmem>>
      %dma_start3A_808 = arith.constant 0 : i32
      %dma_start3A_809 = arith.constant 0 : i32
      %dma_start3A_810 = tpu.memref_slice %arg4[%add3A_801, %mul3A_728, %dma_start3A_808, %dma_start3A_809] : memref<1600x128x8x128xf32, #tpu.memory_space<hbm>> -> memref<1x2x8x128xf32, #tpu.memory_space<hbm>>
      %dma_start3A_811 = tpu.memref_squeeze %dma_start3A_810 : memref<1x2x8x128xf32, #tpu.memory_space<hbm>> -> memref<2x8x128xf32, #tpu.memory_space<hbm>>
      %dma_start3A_812 = arith.constant 0 : i32
      %dma_start3A_813 = arith.constant 0 : i32
      %dma_start3A_814 = tpu.memref_slice %arg4[%add3A_801, %mul3A_728, %dma_start3A_812, %dma_start3A_813] : memref<1600x128x8x128xf32, #tpu.memory_space<hbm>> -> memref<1x2x8x128xf32, #tpu.memory_space<hbm>>
      %dma_start3A_815 = tpu.memref_squeeze %dma_start3A_814 : memref<1x2x8x128xf32, #tpu.memory_space<hbm>> -> memref<2x8x128xf32, #tpu.memory_space<hbm>>
      %dma_start3A_816 = arith.constant 0 : i32
      %dma_start3A_817 = arith.constant 0 : i32
      %dma_start3A_818 = arith.constant 0 : i32
      %dma_start3A_819 = tpu.memref_slice %arg9[%dma_start3A_802, %dma_start3A_816, %dma_start3A_817, %dma_start3A_818] : memref<8x3x8x129xf32, #tpu.memory_space<vmem>> -> memref<1x2x8x128xf32, #tpu.memory_space<vmem>>
      %dma_start3A_820 = tpu.memref_squeeze %dma_start3A_819 : memref<1x2x8x128xf32, #tpu.memory_space<vmem>> -> memref<2x8x128xf32, #tpu.memory_space<vmem>>
      tpu.enqueue_dma source(%dma_start3A_820 : memref<2x8x128xf32, #tpu.memory_space<vmem>>) target(%dma_start3A_815 : memref<2x8x128xf32, #tpu.memory_space<hbm>>) target_semaphore(%arg14 : memref<!tpu.dma_semaphore, #tpu.memory_space<semaphore_mem>>)
      %mul3A_821 = arith.constant 8 : i32
      %mul3A_822 = arith.muli %select_n3A_710, %mul3A_821 : i32
      %add3A_823 = arith.constant 4 : i32
      %add3A_824 = arith.addi %mul3A_822, %add3A_823 : i32
      %dma_start3A_825 = arith.constant 4 : i32
      %dma_start3A_826 = arith.constant 0 : i32
      %dma_start3A_827 = arith.constant 0 : i32
      %dma_start3A_828 = arith.constant 0 : i32
      %dma_start3A_829 = tpu.memref_slice %arg9[%dma_start3A_825, %dma_start3A_826, %dma_start3A_827, %dma_start3A_828] : memref<8x3x8x129xf32, #tpu.memory_space<vmem>> -> memref<1x2x8x128xf32, #tpu.memory_space<vmem>>
      %dma_start3A_830 = tpu.memref_squeeze %dma_start3A_829 : memref<1x2x8x128xf32, #tpu.memory_space<vmem>> -> memref<2x8x128xf32, #tpu.memory_space<vmem>>
      %dma_start3A_831 = arith.constant 0 : i32
      %dma_start3A_832 = arith.constant 0 : i32
      %dma_start3A_833 = tpu.memref_slice %arg4[%add3A_824, %mul3A_728, %dma_start3A_831, %dma_start3A_832] : memref<1600x128x8x128xf32, #tpu.memory_space<hbm>> -> memref<1x2x8x128xf32, #tpu.memory_space<hbm>>
      %dma_start3A_834 = tpu.memref_squeeze %dma_start3A_833 : memref<1x2x8x128xf32, #tpu.memory_space<hbm>> -> memref<2x8x128xf32, #tpu.memory_space<hbm>>
      %dma_start3A_835 = arith.constant 0 : i32
      %dma_start3A_836 = arith.constant 0 : i32
      %dma_start3A_837 = tpu.memref_slice %arg4[%add3A_824, %mul3A_728, %dma_start3A_835, %dma_start3A_836] : memref<1600x128x8x128xf32, #tpu.memory_space<hbm>> -> memref<1x2x8x128xf32, #tpu.memory_space<hbm>>
      %dma_start3A_838 = tpu.memref_squeeze %dma_start3A_837 : memref<1x2x8x128xf32, #tpu.memory_space<hbm>> -> memref<2x8x128xf32, #tpu.memory_space<hbm>>
      %dma_start3A_839 = arith.constant 0 : i32
      %dma_start3A_840 = arith.constant 0 : i32
      %dma_start3A_841 = arith.constant 0 : i32
      %dma_start3A_842 = tpu.memref_slice %arg9[%dma_start3A_825, %dma_start3A_839, %dma_start3A_840, %dma_start3A_841] : memref<8x3x8x129xf32, #tpu.memory_space<vmem>> -> memref<1x2x8x128xf32, #tpu.memory_space<vmem>>
      %dma_start3A_843 = tpu.memref_squeeze %dma_start3A_842 : memref<1x2x8x128xf32, #tpu.memory_space<vmem>> -> memref<2x8x128xf32, #tpu.memory_space<vmem>>
      tpu.enqueue_dma source(%dma_start3A_843 : memref<2x8x128xf32, #tpu.memory_space<vmem>>) target(%dma_start3A_838 : memref<2x8x128xf32, #tpu.memory_space<hbm>>) target_semaphore(%arg14 : memref<!tpu.dma_semaphore, #tpu.memory_space<semaphore_mem>>)
      %mul3A_844 = arith.constant 8 : i32
      %mul3A_845 = arith.muli %select_n3A_710, %mul3A_844 : i32
      %add3A_846 = arith.constant 5 : i32
      %add3A_847 = arith.addi %mul3A_845, %add3A_846 : i32
      %dma_start3A_848 = arith.constant 5 : i32
      %dma_start3A_849 = arith.constant 0 : i32
      %dma_start3A_850 = arith.constant 0 : i32
      %dma_start3A_851 = arith.constant 0 : i32
      %dma_start3A_852 = tpu.memref_slice %arg9[%dma_start3A_848, %dma_start3A_849, %dma_start3A_850, %dma_start3A_851] : memref<8x3x8x129xf32, #tpu.memory_space<vmem>> -> memref<1x2x8x128xf32, #tpu.memory_space<vmem>>
      %dma_start3A_853 = tpu.memref_squeeze %dma_start3A_852 : memref<1x2x8x128xf32, #tpu.memory_space<vmem>> -> memref<2x8x128xf32, #tpu.memory_space<vmem>>
      %dma_start3A_854 = arith.constant 0 : i32
      %dma_start3A_855 = arith.constant 0 : i32
      %dma_start3A_856 = tpu.memref_slice %arg4[%add3A_847, %mul3A_728, %dma_start3A_854, %dma_start3A_855] : memref<1600x128x8x128xf32, #tpu.memory_space<hbm>> -> memref<1x2x8x128xf32, #tpu.memory_space<hbm>>
      %dma_start3A_857 = tpu.memref_squeeze %dma_start3A_856 : memref<1x2x8x128xf32, #tpu.memory_space<hbm>> -> memref<2x8x128xf32, #tpu.memory_space<hbm>>
      %dma_start3A_858 = arith.constant 0 : i32
      %dma_start3A_859 = arith.constant 0 : i32
      %dma_start3A_860 = tpu.memref_slice %arg4[%add3A_847, %mul3A_728, %dma_start3A_858, %dma_start3A_859] : memref<1600x128x8x128xf32, #tpu.memory_space<hbm>> -> memref<1x2x8x128xf32, #tpu.memory_space<hbm>>
      %dma_start3A_861 = tpu.memref_squeeze %dma_start3A_860 : memref<1x2x8x128xf32, #tpu.memory_space<hbm>> -> memref<2x8x128xf32, #tpu.memory_space<hbm>>
      %dma_start3A_862 = arith.constant 0 : i32
      %dma_start3A_863 = arith.constant 0 : i32
      %dma_start3A_864 = arith.constant 0 : i32
      %dma_start3A_865 = tpu.memref_slice %arg9[%dma_start3A_848, %dma_start3A_862, %dma_start3A_863, %dma_start3A_864] : memref<8x3x8x129xf32, #tpu.memory_space<vmem>> -> memref<1x2x8x128xf32, #tpu.memory_space<vmem>>
      %dma_start3A_866 = tpu.memref_squeeze %dma_start3A_865 : memref<1x2x8x128xf32, #tpu.memory_space<vmem>> -> memref<2x8x128xf32, #tpu.memory_space<vmem>>
      tpu.enqueue_dma source(%dma_start3A_866 : memref<2x8x128xf32, #tpu.memory_space<vmem>>) target(%dma_start3A_861 : memref<2x8x128xf32, #tpu.memory_space<hbm>>) target_semaphore(%arg14 : memref<!tpu.dma_semaphore, #tpu.memory_space<semaphore_mem>>)
      %mul3A_867 = arith.constant 8 : i32
      %mul3A_868 = arith.muli %select_n3A_710, %mul3A_867 : i32
      %add3A_869 = arith.constant 6 : i32
      %add3A_870 = arith.addi %mul3A_868, %add3A_869 : i32
      %dma_start3A_871 = arith.constant 6 : i32
      %dma_start3A_872 = arith.constant 0 : i32
      %dma_start3A_873 = arith.constant 0 : i32
      %dma_start3A_874 = arith.constant 0 : i32
      %dma_start3A_875 = tpu.memref_slice %arg9[%dma_start3A_871, %dma_start3A_872, %dma_start3A_873, %dma_start3A_874] : memref<8x3x8x129xf32, #tpu.memory_space<vmem>> -> memref<1x2x8x128xf32, #tpu.memory_space<vmem>>
      %dma_start3A_876 = tpu.memref_squeeze %dma_start3A_875 : memref<1x2x8x128xf32, #tpu.memory_space<vmem>> -> memref<2x8x128xf32, #tpu.memory_space<vmem>>
      %dma_start3A_877 = arith.constant 0 : i32
      %dma_start3A_878 = arith.constant 0 : i32
      %dma_start3A_879 = tpu.memref_slice %arg4[%add3A_870, %mul3A_728, %dma_start3A_877, %dma_start3A_878] : memref<1600x128x8x128xf32, #tpu.memory_space<hbm>> -> memref<1x2x8x128xf32, #tpu.memory_space<hbm>>
      %dma_start3A_880 = tpu.memref_squeeze %dma_start3A_879 : memref<1x2x8x128xf32, #tpu.memory_space<hbm>> -> memref<2x8x128xf32, #tpu.memory_space<hbm>>
      %dma_start3A_881 = arith.constant 0 : i32
      %dma_start3A_882 = arith.constant 0 : i32
      %dma_start3A_883 = tpu.memref_slice %arg4[%add3A_870, %mul3A_728, %dma_start3A_881, %dma_start3A_882] : memref<1600x128x8x128xf32, #tpu.memory_space<hbm>> -> memref<1x2x8x128xf32, #tpu.memory_space<hbm>>
      %dma_start3A_884 = tpu.memref_squeeze %dma_start3A_883 : memref<1x2x8x128xf32, #tpu.memory_space<hbm>> -> memref<2x8x128xf32, #tpu.memory_space<hbm>>
      %dma_start3A_885 = arith.constant 0 : i32
      %dma_start3A_886 = arith.constant 0 : i32
      %dma_start3A_887 = arith.constant 0 : i32
      %dma_start3A_888 = tpu.memref_slice %arg9[%dma_start3A_871, %dma_start3A_885, %dma_start3A_886, %dma_start3A_887] : memref<8x3x8x129xf32, #tpu.memory_space<vmem>> -> memref<1x2x8x128xf32, #tpu.memory_space<vmem>>
      %dma_start3A_889 = tpu.memref_squeeze %dma_start3A_888 : memref<1x2x8x128xf32, #tpu.memory_space<vmem>> -> memref<2x8x128xf32, #tpu.memory_space<vmem>>
      tpu.enqueue_dma source(%dma_start3A_889 : memref<2x8x128xf32, #tpu.memory_space<vmem>>) target(%dma_start3A_884 : memref<2x8x128xf32, #tpu.memory_space<hbm>>) target_semaphore(%arg14 : memref<!tpu.dma_semaphore, #tpu.memory_space<semaphore_mem>>)
      %mul3A_890 = arith.constant 8 : i32
      %mul3A_891 = arith.muli %select_n3A_710, %mul3A_890 : i32
      %add3A_892 = arith.constant 7 : i32
      %add3A_893 = arith.addi %mul3A_891, %add3A_892 : i32
      %dma_start3A_894 = arith.constant 7 : i32
      %dma_start3A_895 = arith.constant 0 : i32
      %dma_start3A_896 = arith.constant 0 : i32
      %dma_start3A_897 = arith.constant 0 : i32
      %dma_start3A_898 = tpu.memref_slice %arg9[%dma_start3A_894, %dma_start3A_895, %dma_start3A_896, %dma_start3A_897] : memref<8x3x8x129xf32, #tpu.memory_space<vmem>> -> memref<1x2x8x128xf32, #tpu.memory_space<vmem>>
      %dma_start3A_899 = tpu.memref_squeeze %dma_start3A_898 : memref<1x2x8x128xf32, #tpu.memory_space<vmem>> -> memref<2x8x128xf32, #tpu.memory_space<vmem>>
      %dma_start3A_900 = arith.constant 0 : i32
      %dma_start3A_901 = arith.constant 0 : i32
      %dma_start3A_902 = tpu.memref_slice %arg4[%add3A_893, %mul3A_728, %dma_start3A_900, %dma_start3A_901] : memref<1600x128x8x128xf32, #tpu.memory_space<hbm>> -> memref<1x2x8x128xf32, #tpu.memory_space<hbm>>
      %dma_start3A_903 = tpu.memref_squeeze %dma_start3A_902 : memref<1x2x8x128xf32, #tpu.memory_space<hbm>> -> memref<2x8x128xf32, #tpu.memory_space<hbm>>
      %dma_start3A_904 = arith.constant 0 : i32
      %dma_start3A_905 = arith.constant 0 : i32
      %dma_start3A_906 = tpu.memref_slice %arg4[%add3A_893, %mul3A_728, %dma_start3A_904, %dma_start3A_905] : memref<1600x128x8x128xf32, #tpu.memory_space<hbm>> -> memref<1x2x8x128xf32, #tpu.memory_space<hbm>>
      %dma_start3A_907 = tpu.memref_squeeze %dma_start3A_906 : memref<1x2x8x128xf32, #tpu.memory_space<hbm>> -> memref<2x8x128xf32, #tpu.memory_space<hbm>>
      %dma_start3A_908 = arith.constant 0 : i32
      %dma_start3A_909 = arith.constant 0 : i32
      %dma_start3A_910 = arith.constant 0 : i32
      %dma_start3A_911 = tpu.memref_slice %arg9[%dma_start3A_894, %dma_start3A_908, %dma_start3A_909, %dma_start3A_910] : memref<8x3x8x129xf32, #tpu.memory_space<vmem>> -> memref<1x2x8x128xf32, #tpu.memory_space<vmem>>
      %dma_start3A_912 = tpu.memref_squeeze %dma_start3A_911 : memref<1x2x8x128xf32, #tpu.memory_space<vmem>> -> memref<2x8x128xf32, #tpu.memory_space<vmem>>
      tpu.enqueue_dma source(%dma_start3A_912 : memref<2x8x128xf32, #tpu.memory_space<vmem>>) target(%dma_start3A_907 : memref<2x8x128xf32, #tpu.memory_space<hbm>>) target_semaphore(%arg14 : memref<!tpu.dma_semaphore, #tpu.memory_space<semaphore_mem>>)
      %add3A_913 = arith.constant 1 : i32
      %add3A_914 = arith.addi %add3A_652, %add3A_913 : i32
      %add3A_915 = arith.addi %mul3A_2, %add3A_914 : i32
      %dma_wait3A_916 = arith.constant 0 : i32
      %dma_wait3A_917 = arith.constant 0 : i32
      %dma_wait3A_918 = arith.constant 0 : i32
      %dma_wait3A_919 = tpu.memref_slice %arg8[%dma_wait3A_917, %dma_wait3A_918] : memref<256x64xf32, #tpu.memory_space<vmem>> -> memref<128x64xf32, #tpu.memory_space<vmem>>
      %dma_wait3A_920 = arith.constant 0 : i32
      %dma_wait3A_921 = tpu.memref_slice %arg6[%dma_wait3A_916, %dma_wait3A_920] : memref<2x128xi32, #tpu.memory_space<vmem>> -> memref<1x128xi32, #tpu.memory_space<vmem>>
      %dma_wait3A_922 = tpu.memref_squeeze %dma_wait3A_921 : memref<1x128xi32, #tpu.memory_space<vmem>> -> memref<128xi32, #tpu.memory_space<vmem>>
      %dma_wait3A_923 = arith.constant 0 : i32
      %dma_wait3A_924 = arith.constant 0 : i32
      %dma_wait3A_925 = tpu.memref_slice %arg3[%dma_wait3A_923, %dma_wait3A_924] : memref<1000000x64xf32, #tpu.memory_space<hbm>> -> memref<1000000x64xf32, #tpu.memory_space<hbm>>
      tpu.wait_indirect_dma semaphore(%arg13 : memref<!tpu.dma_semaphore, #tpu.memory_space<semaphore_mem>>) src(%dma_wait3A_925 : memref<1000000x64xf32, #tpu.memory_space<hbm>>) dst(%dma_wait3A_919 : memref<128x64xf32, #tpu.memory_space<vmem>>)
      %dma_wait3A_926 = arith.constant 1 : i32
      %dma_wait3A_927 = arith.constant 128 : i32
      %dma_wait3A_928 = arith.constant 0 : i32
      %dma_wait3A_929 = tpu.memref_slice %arg8[%dma_wait3A_927, %dma_wait3A_928] : memref<256x64xf32, #tpu.memory_space<vmem>> -> memref<128x64xf32, #tpu.memory_space<vmem>>
      %dma_wait3A_930 = arith.constant 0 : i32
      %dma_wait3A_931 = tpu.memref_slice %arg6[%dma_wait3A_926, %dma_wait3A_930] : memref<2x128xi32, #tpu.memory_space<vmem>> -> memref<1x128xi32, #tpu.memory_space<vmem>>
      %dma_wait3A_932 = tpu.memref_squeeze %dma_wait3A_931 : memref<1x128xi32, #tpu.memory_space<vmem>> -> memref<128xi32, #tpu.memory_space<vmem>>
      %dma_wait3A_933 = arith.constant 0 : i32
      %dma_wait3A_934 = arith.constant 0 : i32
      %dma_wait3A_935 = tpu.memref_slice %arg3[%dma_wait3A_933, %dma_wait3A_934] : memref<1000000x64xf32, #tpu.memory_space<hbm>> -> memref<1000000x64xf32, #tpu.memory_space<hbm>>
      tpu.wait_indirect_dma semaphore(%arg13 : memref<!tpu.dma_semaphore, #tpu.memory_space<semaphore_mem>>) src(%dma_wait3A_935 : memref<1000000x64xf32, #tpu.memory_space<hbm>>) dst(%dma_wait3A_929 : memref<128x64xf32, #tpu.memory_space<vmem>>)
      %ge3A_936 = arith.constant 2 : i32
      %ge3A_937 = arith.cmpi sge, %add3A_914, %ge3A_936 : i32
      %convert_element_type3A_938 = arith.extui %ge3A_937 : i1 to i32
      %cond3A_939 = arith.constant 0 : i32
      %cond3A_940 = arith.cmpi ne, %convert_element_type3A_938, %cond3A_939 : i32
      scf.if %cond3A_940 {
        %sub3A_1177 = arith.constant 2 : i32
        %sub3A_1178 = arith.subi %add3A_915, %sub3A_1177 : i32
        %jit3A_1179 = arith.constant 64 : i32
        %div3A_1180 = arith.divsi %sub3A_1178, %jit3A_1179 : i32
        %sign3A_1181 = arith.constant 0 : i32
        %sign3A_1182 = arith.cmpi sgt, %sub3A_1178, %sign3A_1181 : i32
        %sign3A_1183 = arith.extui %sign3A_1182 : i1 to i32
        %sign3A_1184 = arith.constant 0 : i32
        %sign3A_1185 = arith.cmpi slt, %sub3A_1178, %sign3A_1184 : i32
        %sign3A_1186 = arith.extui %sign3A_1185 : i1 to i32
        %sign3A_1187 = arith.subi %sign3A_1183, %sign3A_1186 : i32
        %sign3A_1188 = arith.constant 0 : i32
        %sign3A_1189 = arith.cmpi sgt, %jit3A_1179, %sign3A_1188 : i32
        %sign3A_1190 = arith.extui %sign3A_1189 : i1 to i32
        %sign3A_1191 = arith.constant 0 : i32
        %sign3A_1192 = arith.cmpi slt, %jit3A_1179, %sign3A_1191 : i32
        %sign3A_1193 = arith.extui %sign3A_1192 : i1 to i32
        %sign3A_1194 = arith.subi %sign3A_1190, %sign3A_1193 : i32
        %ne3A_1195 = arith.cmpi ne, %sign3A_1187, %sign3A_1194 : i32
        %rem3A_1196 = arith.remsi %sub3A_1178, %jit3A_1179 : i32
        %ne3A_1197 = arith.constant 0 : i32
        %ne3A_1198 = arith.cmpi ne, %rem3A_1196, %ne3A_1197 : i32
        %and3A_1199 = arith.andi %ne3A_1195, %ne3A_1198 : i1
        %sub3A_1200 = arith.constant 1 : i32
        %sub3A_1201 = arith.subi %div3A_1180, %sub3A_1200 : i32
        %select_n3A_1202 = arith.select %and3A_1199, %sub3A_1201, %div3A_1180 : i32
        %jit3A_1203 = arith.constant 64 : i32
        %eq3A_1204 = arith.constant 0 : i32
        %eq3A_1205 = arith.cmpi eq, %jit3A_1203, %eq3A_1204 : i32
        %jit3A_1206 = arith.constant 1 : i32
        %select_n3A_1207 = arith.select %eq3A_1205, %jit3A_1206, %jit3A_1203 : i32
        %rem3A_1208 = arith.remsi %sub3A_1178, %select_n3A_1207 : i32
        %ne3A_1209 = arith.constant 0 : i32
        %ne3A_1210 = arith.cmpi ne, %rem3A_1208, %ne3A_1209 : i32
        %lt3A_1211 = arith.constant 0 : i32
        %lt3A_1212 = arith.cmpi slt, %rem3A_1208, %lt3A_1211 : i32
        %lt3A_1213 = arith.constant 0 : i32
        %lt3A_1214 = arith.cmpi slt, %select_n3A_1207, %lt3A_1213 : i32
        %ne3A_1215 = arith.xori %lt3A_1212, %lt3A_1214 : i1
        %and3A_1216 = arith.andi %ne3A_1215, %ne3A_1210 : i1
        %add3A_1217 = arith.addi %rem3A_1208, %select_n3A_1207 : i32
        %select_n3A_1218 = arith.select %and3A_1216, %add3A_1217, %rem3A_1208 : i32
        %mul3A_1219 = arith.constant 2 : i32
        %mul3A_1220 = arith.muli %select_n3A_1218, %mul3A_1219 : i32
        %mul3A_1221 = arith.constant 8 : i32
        %mul3A_1222 = arith.muli %select_n3A_1202, %mul3A_1221 : i32
        %add3A_1223 = arith.constant 0 : i32
        %add3A_1224 = arith.addi %mul3A_1222, %add3A_1223 : i32
        %dma_wait3A_1225 = arith.constant 0 : i32
        %dma_wait3A_1226 = arith.constant 0 : i32
        %dma_wait3A_1227 = arith.constant 0 : i32
        %dma_wait3A_1228 = arith.constant 0 : i32
        %dma_wait3A_1229 = tpu.memref_slice %arg10[%dma_wait3A_1225, %dma_wait3A_1226, %dma_wait3A_1227, %dma_wait3A_1228] : memref<8x3x8x129xf32, #tpu.memory_space<vmem>> -> memref<1x2x8x128xf32, #tpu.memory_space<vmem>>
        %dma_wait3A_1230 = tpu.memref_squeeze %dma_wait3A_1229 : memref<1x2x8x128xf32, #tpu.memory_space<vmem>> -> memref<2x8x128xf32, #tpu.memory_space<vmem>>
        %dma_wait3A_1231 = arith.constant 0 : i32
        %dma_wait3A_1232 = arith.constant 0 : i32
        %dma_wait3A_1233 = tpu.memref_slice %arg4[%add3A_1224, %mul3A_1220, %dma_wait3A_1231, %dma_wait3A_1232] : memref<1600x128x8x128xf32, #tpu.memory_space<hbm>> -> memref<1x2x8x128xf32, #tpu.memory_space<hbm>>
        %dma_wait3A_1234 = tpu.memref_squeeze %dma_wait3A_1233 : memref<1x2x8x128xf32, #tpu.memory_space<hbm>> -> memref<2x8x128xf32, #tpu.memory_space<hbm>>
        %dma_wait3A_1235 = arith.constant 0 : i32
        %dma_wait3A_1236 = arith.constant 0 : i32
        %dma_wait3A_1237 = tpu.memref_slice %arg4[%add3A_1224, %mul3A_1220, %dma_wait3A_1235, %dma_wait3A_1236] : memref<1600x128x8x128xf32, #tpu.memory_space<hbm>> -> memref<1x2x8x128xf32, #tpu.memory_space<hbm>>
        %dma_wait3A_1238 = tpu.memref_squeeze %dma_wait3A_1237 : memref<1x2x8x128xf32, #tpu.memory_space<hbm>> -> memref<2x8x128xf32, #tpu.memory_space<hbm>>
        %dma_wait3A_1239 = arith.constant 0 : i32
        %dma_wait3A_1240 = arith.constant 0 : i32
        %dma_wait3A_1241 = arith.constant 0 : i32
        %dma_wait3A_1242 = tpu.memref_slice %arg10[%dma_wait3A_1225, %dma_wait3A_1239, %dma_wait3A_1240, %dma_wait3A_1241] : memref<8x3x8x129xf32, #tpu.memory_space<vmem>> -> memref<1x2x8x128xf32, #tpu.memory_space<vmem>>
        %dma_wait3A_1243 = tpu.memref_squeeze %dma_wait3A_1242 : memref<1x2x8x128xf32, #tpu.memory_space<vmem>> -> memref<2x8x128xf32, #tpu.memory_space<vmem>>
        tpu.wait_dma2 semaphore(%arg15 : memref<!tpu.dma_semaphore, #tpu.memory_space<semaphore_mem>>) src(%dma_wait3A_1243 : memref<2x8x128xf32, #tpu.memory_space<vmem>>) dst(%dma_wait3A_1238 : memref<2x8x128xf32, #tpu.memory_space<hbm>>)
        %mul3A_1244 = arith.constant 8 : i32
        %mul3A_1245 = arith.muli %select_n3A_1202, %mul3A_1244 : i32
        %add3A_1246 = arith.constant 1 : i32
        %add3A_1247 = arith.addi %mul3A_1245, %add3A_1246 : i32
        %dma_wait3A_1248 = arith.constant 1 : i32
        %dma_wait3A_1249 = arith.constant 0 : i32
        %dma_wait3A_1250 = arith.constant 0 : i32
        %dma_wait3A_1251 = arith.constant 0 : i32
        %dma_wait3A_1252 = tpu.memref_slice %arg10[%dma_wait3A_1248, %dma_wait3A_1249, %dma_wait3A_1250, %dma_wait3A_1251] : memref<8x3x8x129xf32, #tpu.memory_space<vmem>> -> memref<1x2x8x128xf32, #tpu.memory_space<vmem>>
        %dma_wait3A_1253 = tpu.memref_squeeze %dma_wait3A_1252 : memref<1x2x8x128xf32, #tpu.memory_space<vmem>> -> memref<2x8x128xf32, #tpu.memory_space<vmem>>
        %dma_wait3A_1254 = arith.constant 0 : i32
        %dma_wait3A_1255 = arith.constant 0 : i32
        %dma_wait3A_1256 = tpu.memref_slice %arg4[%add3A_1247, %mul3A_1220, %dma_wait3A_1254, %dma_wait3A_1255] : memref<1600x128x8x128xf32, #tpu.memory_space<hbm>> -> memref<1x2x8x128xf32, #tpu.memory_space<hbm>>
        %dma_wait3A_1257 = tpu.memref_squeeze %dma_wait3A_1256 : memref<1x2x8x128xf32, #tpu.memory_space<hbm>> -> memref<2x8x128xf32, #tpu.memory_space<hbm>>
        %dma_wait3A_1258 = arith.constant 0 : i32
        %dma_wait3A_1259 = arith.constant 0 : i32
        %dma_wait3A_1260 = tpu.memref_slice %arg4[%add3A_1247, %mul3A_1220, %dma_wait3A_1258, %dma_wait3A_1259] : memref<1600x128x8x128xf32, #tpu.memory_space<hbm>> -> memref<1x2x8x128xf32, #tpu.memory_space<hbm>>
        %dma_wait3A_1261 = tpu.memref_squeeze %dma_wait3A_1260 : memref<1x2x8x128xf32, #tpu.memory_space<hbm>> -> memref<2x8x128xf32, #tpu.memory_space<hbm>>
        %dma_wait3A_1262 = arith.constant 0 : i32
        %dma_wait3A_1263 = arith.constant 0 : i32
        %dma_wait3A_1264 = arith.constant 0 : i32
        %dma_wait3A_1265 = tpu.memref_slice %arg10[%dma_wait3A_1248, %dma_wait3A_1262, %dma_wait3A_1263, %dma_wait3A_1264] : memref<8x3x8x129xf32, #tpu.memory_space<vmem>> -> memref<1x2x8x128xf32, #tpu.memory_space<vmem>>
        %dma_wait3A_1266 = tpu.memref_squeeze %dma_wait3A_1265 : memref<1x2x8x128xf32, #tpu.memory_space<vmem>> -> memref<2x8x128xf32, #tpu.memory_space<vmem>>
        tpu.wait_dma2 semaphore(%arg15 : memref<!tpu.dma_semaphore, #tpu.memory_space<semaphore_mem>>) src(%dma_wait3A_1266 : memref<2x8x128xf32, #tpu.memory_space<vmem>>) dst(%dma_wait3A_1261 : memref<2x8x128xf32, #tpu.memory_space<hbm>>)
        %mul3A_1267 = arith.constant 8 : i32
        %mul3A_1268 = arith.muli %select_n3A_1202, %mul3A_1267 : i32
        %add3A_1269 = arith.constant 2 : i32
        %add3A_1270 = arith.addi %mul3A_1268, %add3A_1269 : i32
        %dma_wait3A_1271 = arith.constant 2 : i32
        %dma_wait3A_1272 = arith.constant 0 : i32
        %dma_wait3A_1273 = arith.constant 0 : i32
        %dma_wait3A_1274 = arith.constant 0 : i32
        %dma_wait3A_1275 = tpu.memref_slice %arg10[%dma_wait3A_1271, %dma_wait3A_1272, %dma_wait3A_1273, %dma_wait3A_1274] : memref<8x3x8x129xf32, #tpu.memory_space<vmem>> -> memref<1x2x8x128xf32, #tpu.memory_space<vmem>>
        %dma_wait3A_1276 = tpu.memref_squeeze %dma_wait3A_1275 : memref<1x2x8x128xf32, #tpu.memory_space<vmem>> -> memref<2x8x128xf32, #tpu.memory_space<vmem>>
        %dma_wait3A_1277 = arith.constant 0 : i32
        %dma_wait3A_1278 = arith.constant 0 : i32
        %dma_wait3A_1279 = tpu.memref_slice %arg4[%add3A_1270, %mul3A_1220, %dma_wait3A_1277, %dma_wait3A_1278] : memref<1600x128x8x128xf32, #tpu.memory_space<hbm>> -> memref<1x2x8x128xf32, #tpu.memory_space<hbm>>
        %dma_wait3A_1280 = tpu.memref_squeeze %dma_wait3A_1279 : memref<1x2x8x128xf32, #tpu.memory_space<hbm>> -> memref<2x8x128xf32, #tpu.memory_space<hbm>>
        %dma_wait3A_1281 = arith.constant 0 : i32
        %dma_wait3A_1282 = arith.constant 0 : i32
        %dma_wait3A_1283 = tpu.memref_slice %arg4[%add3A_1270, %mul3A_1220, %dma_wait3A_1281, %dma_wait3A_1282] : memref<1600x128x8x128xf32, #tpu.memory_space<hbm>> -> memref<1x2x8x128xf32, #tpu.memory_space<hbm>>
        %dma_wait3A_1284 = tpu.memref_squeeze %dma_wait3A_1283 : memref<1x2x8x128xf32, #tpu.memory_space<hbm>> -> memref<2x8x128xf32, #tpu.memory_space<hbm>>
        %dma_wait3A_1285 = arith.constant 0 : i32
        %dma_wait3A_1286 = arith.constant 0 : i32
        %dma_wait3A_1287 = arith.constant 0 : i32
        %dma_wait3A_1288 = tpu.memref_slice %arg10[%dma_wait3A_1271, %dma_wait3A_1285, %dma_wait3A_1286, %dma_wait3A_1287] : memref<8x3x8x129xf32, #tpu.memory_space<vmem>> -> memref<1x2x8x128xf32, #tpu.memory_space<vmem>>
        %dma_wait3A_1289 = tpu.memref_squeeze %dma_wait3A_1288 : memref<1x2x8x128xf32, #tpu.memory_space<vmem>> -> memref<2x8x128xf32, #tpu.memory_space<vmem>>
        tpu.wait_dma2 semaphore(%arg15 : memref<!tpu.dma_semaphore, #tpu.memory_space<semaphore_mem>>) src(%dma_wait3A_1289 : memref<2x8x128xf32, #tpu.memory_space<vmem>>) dst(%dma_wait3A_1284 : memref<2x8x128xf32, #tpu.memory_space<hbm>>)
        %mul3A_1290 = arith.constant 8 : i32
        %mul3A_1291 = arith.muli %select_n3A_1202, %mul3A_1290 : i32
        %add3A_1292 = arith.constant 3 : i32
        %add3A_1293 = arith.addi %mul3A_1291, %add3A_1292 : i32
        %dma_wait3A_1294 = arith.constant 3 : i32
        %dma_wait3A_1295 = arith.constant 0 : i32
        %dma_wait3A_1296 = arith.constant 0 : i32
        %dma_wait3A_1297 = arith.constant 0 : i32
        %dma_wait3A_1298 = tpu.memref_slice %arg10[%dma_wait3A_1294, %dma_wait3A_1295, %dma_wait3A_1296, %dma_wait3A_1297] : memref<8x3x8x129xf32, #tpu.memory_space<vmem>> -> memref<1x2x8x128xf32, #tpu.memory_space<vmem>>
        %dma_wait3A_1299 = tpu.memref_squeeze %dma_wait3A_1298 : memref<1x2x8x128xf32, #tpu.memory_space<vmem>> -> memref<2x8x128xf32, #tpu.memory_space<vmem>>
        %dma_wait3A_1300 = arith.constant 0 : i32
        %dma_wait3A_1301 = arith.constant 0 : i32
        %dma_wait3A_1302 = tpu.memref_slice %arg4[%add3A_1293, %mul3A_1220, %dma_wait3A_1300, %dma_wait3A_1301] : memref<1600x128x8x128xf32, #tpu.memory_space<hbm>> -> memref<1x2x8x128xf32, #tpu.memory_space<hbm>>
        %dma_wait3A_1303 = tpu.memref_squeeze %dma_wait3A_1302 : memref<1x2x8x128xf32, #tpu.memory_space<hbm>> -> memref<2x8x128xf32, #tpu.memory_space<hbm>>
        %dma_wait3A_1304 = arith.constant 0 : i32
        %dma_wait3A_1305 = arith.constant 0 : i32
        %dma_wait3A_1306 = tpu.memref_slice %arg4[%add3A_1293, %mul3A_1220, %dma_wait3A_1304, %dma_wait3A_1305] : memref<1600x128x8x128xf32, #tpu.memory_space<hbm>> -> memref<1x2x8x128xf32, #tpu.memory_space<hbm>>
        %dma_wait3A_1307 = tpu.memref_squeeze %dma_wait3A_1306 : memref<1x2x8x128xf32, #tpu.memory_space<hbm>> -> memref<2x8x128xf32, #tpu.memory_space<hbm>>
        %dma_wait3A_1308 = arith.constant 0 : i32
        %dma_wait3A_1309 = arith.constant 0 : i32
        %dma_wait3A_1310 = arith.constant 0 : i32
        %dma_wait3A_1311 = tpu.memref_slice %arg10[%dma_wait3A_1294, %dma_wait3A_1308, %dma_wait3A_1309, %dma_wait3A_1310] : memref<8x3x8x129xf32, #tpu.memory_space<vmem>> -> memref<1x2x8x128xf32, #tpu.memory_space<vmem>>
        %dma_wait3A_1312 = tpu.memref_squeeze %dma_wait3A_1311 : memref<1x2x8x128xf32, #tpu.memory_space<vmem>> -> memref<2x8x128xf32, #tpu.memory_space<vmem>>
        tpu.wait_dma2 semaphore(%arg15 : memref<!tpu.dma_semaphore, #tpu.memory_space<semaphore_mem>>) src(%dma_wait3A_1312 : memref<2x8x128xf32, #tpu.memory_space<vmem>>) dst(%dma_wait3A_1307 : memref<2x8x128xf32, #tpu.memory_space<hbm>>)
        %mul3A_1313 = arith.constant 8 : i32
        %mul3A_1314 = arith.muli %select_n3A_1202, %mul3A_1313 : i32
        %add3A_1315 = arith.constant 4 : i32
        %add3A_1316 = arith.addi %mul3A_1314, %add3A_1315 : i32
        %dma_wait3A_1317 = arith.constant 4 : i32
        %dma_wait3A_1318 = arith.constant 0 : i32
        %dma_wait3A_1319 = arith.constant 0 : i32
        %dma_wait3A_1320 = arith.constant 0 : i32
        %dma_wait3A_1321 = tpu.memref_slice %arg10[%dma_wait3A_1317, %dma_wait3A_1318, %dma_wait3A_1319, %dma_wait3A_1320] : memref<8x3x8x129xf32, #tpu.memory_space<vmem>> -> memref<1x2x8x128xf32, #tpu.memory_space<vmem>>
        %dma_wait3A_1322 = tpu.memref_squeeze %dma_wait3A_1321 : memref<1x2x8x128xf32, #tpu.memory_space<vmem>> -> memref<2x8x128xf32, #tpu.memory_space<vmem>>
        %dma_wait3A_1323 = arith.constant 0 : i32
        %dma_wait3A_1324 = arith.constant 0 : i32
        %dma_wait3A_1325 = tpu.memref_slice %arg4[%add3A_1316, %mul3A_1220, %dma_wait3A_1323, %dma_wait3A_1324] : memref<1600x128x8x128xf32, #tpu.memory_space<hbm>> -> memref<1x2x8x128xf32, #tpu.memory_space<hbm>>
        %dma_wait3A_1326 = tpu.memref_squeeze %dma_wait3A_1325 : memref<1x2x8x128xf32, #tpu.memory_space<hbm>> -> memref<2x8x128xf32, #tpu.memory_space<hbm>>
        %dma_wait3A_1327 = arith.constant 0 : i32
        %dma_wait3A_1328 = arith.constant 0 : i32
        %dma_wait3A_1329 = tpu.memref_slice %arg4[%add3A_1316, %mul3A_1220, %dma_wait3A_1327, %dma_wait3A_1328] : memref<1600x128x8x128xf32, #tpu.memory_space<hbm>> -> memref<1x2x8x128xf32, #tpu.memory_space<hbm>>
        %dma_wait3A_1330 = tpu.memref_squeeze %dma_wait3A_1329 : memref<1x2x8x128xf32, #tpu.memory_space<hbm>> -> memref<2x8x128xf32, #tpu.memory_space<hbm>>
        %dma_wait3A_1331 = arith.constant 0 : i32
        %dma_wait3A_1332 = arith.constant 0 : i32
        %dma_wait3A_1333 = arith.constant 0 : i32
        %dma_wait3A_1334 = tpu.memref_slice %arg10[%dma_wait3A_1317, %dma_wait3A_1331, %dma_wait3A_1332, %dma_wait3A_1333] : memref<8x3x8x129xf32, #tpu.memory_space<vmem>> -> memref<1x2x8x128xf32, #tpu.memory_space<vmem>>
        %dma_wait3A_1335 = tpu.memref_squeeze %dma_wait3A_1334 : memref<1x2x8x128xf32, #tpu.memory_space<vmem>> -> memref<2x8x128xf32, #tpu.memory_space<vmem>>
        tpu.wait_dma2 semaphore(%arg15 : memref<!tpu.dma_semaphore, #tpu.memory_space<semaphore_mem>>) src(%dma_wait3A_1335 : memref<2x8x128xf32, #tpu.memory_space<vmem>>) dst(%dma_wait3A_1330 : memref<2x8x128xf32, #tpu.memory_space<hbm>>)
        %mul3A_1336 = arith.constant 8 : i32
        %mul3A_1337 = arith.muli %select_n3A_1202, %mul3A_1336 : i32
        %add3A_1338 = arith.constant 5 : i32
        %add3A_1339 = arith.addi %mul3A_1337, %add3A_1338 : i32
        %dma_wait3A_1340 = arith.constant 5 : i32
        %dma_wait3A_1341 = arith.constant 0 : i32
        %dma_wait3A_1342 = arith.constant 0 : i32
        %dma_wait3A_1343 = arith.constant 0 : i32
        %dma_wait3A_1344 = tpu.memref_slice %arg10[%dma_wait3A_1340, %dma_wait3A_1341, %dma_wait3A_1342, %dma_wait3A_1343] : memref<8x3x8x129xf32, #tpu.memory_space<vmem>> -> memref<1x2x8x128xf32, #tpu.memory_space<vmem>>
        %dma_wait3A_1345 = tpu.memref_squeeze %dma_wait3A_1344 : memref<1x2x8x128xf32, #tpu.memory_space<vmem>> -> memref<2x8x128xf32, #tpu.memory_space<vmem>>
        %dma_wait3A_1346 = arith.constant 0 : i32
        %dma_wait3A_1347 = arith.constant 0 : i32
        %dma_wait3A_1348 = tpu.memref_slice %arg4[%add3A_1339, %mul3A_1220, %dma_wait3A_1346, %dma_wait3A_1347] : memref<1600x128x8x128xf32, #tpu.memory_space<hbm>> -> memref<1x2x8x128xf32, #tpu.memory_space<hbm>>
        %dma_wait3A_1349 = tpu.memref_squeeze %dma_wait3A_1348 : memref<1x2x8x128xf32, #tpu.memory_space<hbm>> -> memref<2x8x128xf32, #tpu.memory_space<hbm>>
        %dma_wait3A_1350 = arith.constant 0 : i32
        %dma_wait3A_1351 = arith.constant 0 : i32
        %dma_wait3A_1352 = tpu.memref_slice %arg4[%add3A_1339, %mul3A_1220, %dma_wait3A_1350, %dma_wait3A_1351] : memref<1600x128x8x128xf32, #tpu.memory_space<hbm>> -> memref<1x2x8x128xf32, #tpu.memory_space<hbm>>
        %dma_wait3A_1353 = tpu.memref_squeeze %dma_wait3A_1352 : memref<1x2x8x128xf32, #tpu.memory_space<hbm>> -> memref<2x8x128xf32, #tpu.memory_space<hbm>>
        %dma_wait3A_1354 = arith.constant 0 : i32
        %dma_wait3A_1355 = arith.constant 0 : i32
        %dma_wait3A_1356 = arith.constant 0 : i32
        %dma_wait3A_1357 = tpu.memref_slice %arg10[%dma_wait3A_1340, %dma_wait3A_1354, %dma_wait3A_1355, %dma_wait3A_1356] : memref<8x3x8x129xf32, #tpu.memory_space<vmem>> -> memref<1x2x8x128xf32, #tpu.memory_space<vmem>>
        %dma_wait3A_1358 = tpu.memref_squeeze %dma_wait3A_1357 : memref<1x2x8x128xf32, #tpu.memory_space<vmem>> -> memref<2x8x128xf32, #tpu.memory_space<vmem>>
        tpu.wait_dma2 semaphore(%arg15 : memref<!tpu.dma_semaphore, #tpu.memory_space<semaphore_mem>>) src(%dma_wait3A_1358 : memref<2x8x128xf32, #tpu.memory_space<vmem>>) dst(%dma_wait3A_1353 : memref<2x8x128xf32, #tpu.memory_space<hbm>>)
        %mul3A_1359 = arith.constant 8 : i32
        %mul3A_1360 = arith.muli %select_n3A_1202, %mul3A_1359 : i32
        %add3A_1361 = arith.constant 6 : i32
        %add3A_1362 = arith.addi %mul3A_1360, %add3A_1361 : i32
        %dma_wait3A_1363 = arith.constant 6 : i32
        %dma_wait3A_1364 = arith.constant 0 : i32
        %dma_wait3A_1365 = arith.constant 0 : i32
        %dma_wait3A_1366 = arith.constant 0 : i32
        %dma_wait3A_1367 = tpu.memref_slice %arg10[%dma_wait3A_1363, %dma_wait3A_1364, %dma_wait3A_1365, %dma_wait3A_1366] : memref<8x3x8x129xf32, #tpu.memory_space<vmem>> -> memref<1x2x8x128xf32, #tpu.memory_space<vmem>>
        %dma_wait3A_1368 = tpu.memref_squeeze %dma_wait3A_1367 : memref<1x2x8x128xf32, #tpu.memory_space<vmem>> -> memref<2x8x128xf32, #tpu.memory_space<vmem>>
        %dma_wait3A_1369 = arith.constant 0 : i32
        %dma_wait3A_1370 = arith.constant 0 : i32
        %dma_wait3A_1371 = tpu.memref_slice %arg4[%add3A_1362, %mul3A_1220, %dma_wait3A_1369, %dma_wait3A_1370] : memref<1600x128x8x128xf32, #tpu.memory_space<hbm>> -> memref<1x2x8x128xf32, #tpu.memory_space<hbm>>
        %dma_wait3A_1372 = tpu.memref_squeeze %dma_wait3A_1371 : memref<1x2x8x128xf32, #tpu.memory_space<hbm>> -> memref<2x8x128xf32, #tpu.memory_space<hbm>>
        %dma_wait3A_1373 = arith.constant 0 : i32
        %dma_wait3A_1374 = arith.constant 0 : i32
        %dma_wait3A_1375 = tpu.memref_slice %arg4[%add3A_1362, %mul3A_1220, %dma_wait3A_1373, %dma_wait3A_1374] : memref<1600x128x8x128xf32, #tpu.memory_space<hbm>> -> memref<1x2x8x128xf32, #tpu.memory_space<hbm>>
        %dma_wait3A_1376 = tpu.memref_squeeze %dma_wait3A_1375 : memref<1x2x8x128xf32, #tpu.memory_space<hbm>> -> memref<2x8x128xf32, #tpu.memory_space<hbm>>
        %dma_wait3A_1377 = arith.constant 0 : i32
        %dma_wait3A_1378 = arith.constant 0 : i32
        %dma_wait3A_1379 = arith.constant 0 : i32
        %dma_wait3A_1380 = tpu.memref_slice %arg10[%dma_wait3A_1363, %dma_wait3A_1377, %dma_wait3A_1378, %dma_wait3A_1379] : memref<8x3x8x129xf32, #tpu.memory_space<vmem>> -> memref<1x2x8x128xf32, #tpu.memory_space<vmem>>
        %dma_wait3A_1381 = tpu.memref_squeeze %dma_wait3A_1380 : memref<1x2x8x128xf32, #tpu.memory_space<vmem>> -> memref<2x8x128xf32, #tpu.memory_space<vmem>>
        tpu.wait_dma2 semaphore(%arg15 : memref<!tpu.dma_semaphore, #tpu.memory_space<semaphore_mem>>) src(%dma_wait3A_1381 : memref<2x8x128xf32, #tpu.memory_space<vmem>>) dst(%dma_wait3A_1376 : memref<2x8x128xf32, #tpu.memory_space<hbm>>)
        %mul3A_1382 = arith.constant 8 : i32
        %mul3A_1383 = arith.muli %select_n3A_1202, %mul3A_1382 : i32
        %add3A_1384 = arith.constant 7 : i32
        %add3A_1385 = arith.addi %mul3A_1383, %add3A_1384 : i32
        %dma_wait3A_1386 = arith.constant 7 : i32
        %dma_wait3A_1387 = arith.constant 0 : i32
        %dma_wait3A_1388 = arith.constant 0 : i32
        %dma_wait3A_1389 = arith.constant 0 : i32
        %dma_wait3A_1390 = tpu.memref_slice %arg10[%dma_wait3A_1386, %dma_wait3A_1387, %dma_wait3A_1388, %dma_wait3A_1389] : memref<8x3x8x129xf32, #tpu.memory_space<vmem>> -> memref<1x2x8x128xf32, #tpu.memory_space<vmem>>
        %dma_wait3A_1391 = tpu.memref_squeeze %dma_wait3A_1390 : memref<1x2x8x128xf32, #tpu.memory_space<vmem>> -> memref<2x8x128xf32, #tpu.memory_space<vmem>>
        %dma_wait3A_1392 = arith.constant 0 : i32
        %dma_wait3A_1393 = arith.constant 0 : i32
        %dma_wait3A_1394 = tpu.memref_slice %arg4[%add3A_1385, %mul3A_1220, %dma_wait3A_1392, %dma_wait3A_1393] : memref<1600x128x8x128xf32, #tpu.memory_space<hbm>> -> memref<1x2x8x128xf32, #tpu.memory_space<hbm>>
        %dma_wait3A_1395 = tpu.memref_squeeze %dma_wait3A_1394 : memref<1x2x8x128xf32, #tpu.memory_space<hbm>> -> memref<2x8x128xf32, #tpu.memory_space<hbm>>
        %dma_wait3A_1396 = arith.constant 0 : i32
        %dma_wait3A_1397 = arith.constant 0 : i32
        %dma_wait3A_1398 = tpu.memref_slice %arg4[%add3A_1385, %mul3A_1220, %dma_wait3A_1396, %dma_wait3A_1397] : memref<1600x128x8x128xf32, #tpu.memory_space<hbm>> -> memref<1x2x8x128xf32, #tpu.memory_space<hbm>>
        %dma_wait3A_1399 = tpu.memref_squeeze %dma_wait3A_1398 : memref<1x2x8x128xf32, #tpu.memory_space<hbm>> -> memref<2x8x128xf32, #tpu.memory_space<hbm>>
        %dma_wait3A_1400 = arith.constant 0 : i32
        %dma_wait3A_1401 = arith.constant 0 : i32
        %dma_wait3A_1402 = arith.constant 0 : i32
        %dma_wait3A_1403 = tpu.memref_slice %arg10[%dma_wait3A_1386, %dma_wait3A_1400, %dma_wait3A_1401, %dma_wait3A_1402] : memref<8x3x8x129xf32, #tpu.memory_space<vmem>> -> memref<1x2x8x128xf32, #tpu.memory_space<vmem>>
        %dma_wait3A_1404 = tpu.memref_squeeze %dma_wait3A_1403 : memref<1x2x8x128xf32, #tpu.memory_space<vmem>> -> memref<2x8x128xf32, #tpu.memory_space<vmem>>
        tpu.wait_dma2 semaphore(%arg15 : memref<!tpu.dma_semaphore, #tpu.memory_space<semaphore_mem>>) src(%dma_wait3A_1404 : memref<2x8x128xf32, #tpu.memory_space<vmem>>) dst(%dma_wait3A_1399 : memref<2x8x128xf32, #tpu.memory_space<hbm>>)
      } else {
      }
      %parallel_loop3A_941 = arith.constant 0 : i32
      %parallel_loop3A_942 = arith.constant 256 : i32
      %parallel_loop3A_943 = arith.constant 1 : i32
      scf.for %parallel_loop3A_1177 = %parallel_loop3A_941 to %parallel_loop3A_942 step %parallel_loop3A_943  : i32 {
        %parallel_loop3A_1178 = arith.constant 7 : i32
        %parallel_loop3A_1179 = arith.shrsi %parallel_loop3A_1177, %parallel_loop3A_1178 : i32
        %parallel_loop3A_1180 = vector.broadcast %parallel_loop3A_1179 : i32 to vector<16xi32>
        %parallel_loop3A_1181 = arith.constant 127 : i32
        %parallel_loop3A_1182 = arith.andi %parallel_loop3A_1177, %parallel_loop3A_1181 : i32
        %parallel_loop3A_1183 = vector.broadcast %parallel_loop3A_1182 : i32 to vector<16xi32>
        %parallel_loop3A_1184 = arith.index_cast %parallel_loop3A_1177 : i32 to index
        %parallel_loop3A_1185 = arith.constant 0 : index
        %parallel_loop3A_1186 = tpu.vector_load %arg8[%parallel_loop3A_1184, %parallel_loop3A_1185] {strides = array<i32>} : memref<256x64xf32, #tpu.memory_space<vmem>>, vector<16xf32>,
        %parallel_loop3A_1187 = arith.constant 8.000000e+00 : f32
        %parallel_loop3A_1188 = vector.broadcast %parallel_loop3A_1187 : f32 to vector<16xf32>
        %parallel_loop3A_1189 = arith.mulf %parallel_loop3A_1186, %parallel_loop3A_1188 : vector<16xf32>
        tpu.vector_store_idx %arg10[%shift_right_arithmetic3A_7, %parallel_loop3A_1180, %and3A_30, %parallel_loop3A_1183], %parallel_loop3A_1189 : memref<8x3x8x129xf32, #tpu.memory_space<vmem>>[vector<16xi32>, vector<16xi32>, vector<16xi32>, vector<16xi32>], vector<16xf32>,
        %parallel_loop3A_1190 = arith.index_cast %parallel_loop3A_1177 : i32 to index
        %parallel_loop3A_1191 = arith.constant 16 : index
        %parallel_loop3A_1192 = tpu.vector_load %arg8[%parallel_loop3A_1190, %parallel_loop3A_1191] {strides = array<i32>} : memref<256x64xf32, #tpu.memory_space<vmem>>, vector<16xf32>,
        %parallel_loop3A_1193 = arith.constant 8.000000e+00 : f32
        %parallel_loop3A_1194 = vector.broadcast %parallel_loop3A_1193 : f32 to vector<16xf32>
        %parallel_loop3A_1195 = arith.mulf %parallel_loop3A_1192, %parallel_loop3A_1194 : vector<16xf32>
        tpu.vector_store_idx %arg10[%shift_right_arithmetic3A_13, %parallel_loop3A_1180, %and3A_36, %parallel_loop3A_1183], %parallel_loop3A_1195 : memref<8x3x8x129xf32, #tpu.memory_space<vmem>>[vector<16xi32>, vector<16xi32>, vector<16xi32>, vector<16xi32>], vector<16xf32>,
        %parallel_loop3A_1196 = arith.index_cast %parallel_loop3A_1177 : i32 to index
        %parallel_loop3A_1197 = arith.constant 32 : index
        %parallel_loop3A_1198 = tpu.vector_load %arg8[%parallel_loop3A_1196, %parallel_loop3A_1197] {strides = array<i32>} : memref<256x64xf32, #tpu.memory_space<vmem>>, vector<16xf32>,
        %parallel_loop3A_1199 = arith.constant 8.000000e+00 : f32
        %parallel_loop3A_1200 = vector.broadcast %parallel_loop3A_1199 : f32 to vector<16xf32>
        %parallel_loop3A_1201 = arith.mulf %parallel_loop3A_1198, %parallel_loop3A_1200 : vector<16xf32>
        tpu.vector_store_idx %arg10[%shift_right_arithmetic3A_19, %parallel_loop3A_1180, %and3A_42, %parallel_loop3A_1183], %parallel_loop3A_1201 : memref<8x3x8x129xf32, #tpu.memory_space<vmem>>[vector<16xi32>, vector<16xi32>, vector<16xi32>, vector<16xi32>], vector<16xf32>,
        %parallel_loop3A_1202 = arith.index_cast %parallel_loop3A_1177 : i32 to index
        %parallel_loop3A_1203 = arith.constant 48 : index
        %parallel_loop3A_1204 = tpu.vector_load %arg8[%parallel_loop3A_1202, %parallel_loop3A_1203] {strides = array<i32>} : memref<256x64xf32, #tpu.memory_space<vmem>>, vector<16xf32>,
        %parallel_loop3A_1205 = arith.constant 8.000000e+00 : f32
        %parallel_loop3A_1206 = vector.broadcast %parallel_loop3A_1205 : f32 to vector<16xf32>
        %parallel_loop3A_1207 = arith.mulf %parallel_loop3A_1204, %parallel_loop3A_1206 : vector<16xf32>
        tpu.vector_store_idx %arg10[%shift_right_arithmetic3A_25, %parallel_loop3A_1180, %and3A_48, %parallel_loop3A_1183], %parallel_loop3A_1207 : memref<8x3x8x129xf32, #tpu.memory_space<vmem>>[vector<16xi32>, vector<16xi32>, vector<16xi32>, vector<16xi32>], vector<16xf32>,
      } {sc.loop_unroll_factor = 2 : i64, sc.parallel_access}
      %add3A_944 = arith.constant 2 : i32
      %add3A_945 = arith.addi %add3A_914, %add3A_944 : i32
      %lt3A_946 = arith.constant 400 : i32
      %lt3A_947 = arith.cmpi slt, %add3A_945, %lt3A_946 : i32
      %convert_element_type3A_948 = arith.extui %lt3A_947 : i1 to i32
      %cond3A_949 = arith.constant 0 : i32
      %cond3A_950 = arith.cmpi ne, %convert_element_type3A_948, %cond3A_949 : i32
      scf.if %cond3A_950 {
        %add3A_1177 = arith.constant 2 : i32
        %add3A_1178 = arith.addi %add3A_915, %add3A_1177 : i32
        %jit3A_1179 = arith.constant 64 : i32
        %div3A_1180 = arith.divsi %add3A_1178, %jit3A_1179 : i32
        %sign3A_1181 = arith.constant 0 : i32
        %sign3A_1182 = arith.cmpi sgt, %add3A_1178, %sign3A_1181 : i32
        %sign3A_1183 = arith.extui %sign3A_1182 : i1 to i32
        %sign3A_1184 = arith.constant 0 : i32
        %sign3A_1185 = arith.cmpi slt, %add3A_1178, %sign3A_1184 : i32
        %sign3A_1186 = arith.extui %sign3A_1185 : i1 to i32
        %sign3A_1187 = arith.subi %sign3A_1183, %sign3A_1186 : i32
        %sign3A_1188 = arith.constant 0 : i32
        %sign3A_1189 = arith.cmpi sgt, %jit3A_1179, %sign3A_1188 : i32
        %sign3A_1190 = arith.extui %sign3A_1189 : i1 to i32
        %sign3A_1191 = arith.constant 0 : i32
        %sign3A_1192 = arith.cmpi slt, %jit3A_1179, %sign3A_1191 : i32
        %sign3A_1193 = arith.extui %sign3A_1192 : i1 to i32
        %sign3A_1194 = arith.subi %sign3A_1190, %sign3A_1193 : i32
        %ne3A_1195 = arith.cmpi ne, %sign3A_1187, %sign3A_1194 : i32
        %rem3A_1196 = arith.remsi %add3A_1178, %jit3A_1179 : i32
        %ne3A_1197 = arith.constant 0 : i32
        %ne3A_1198 = arith.cmpi ne, %rem3A_1196, %ne3A_1197 : i32
        %and3A_1199 = arith.andi %ne3A_1195, %ne3A_1198 : i1
        %sub3A_1200 = arith.constant 1 : i32
        %sub3A_1201 = arith.subi %div3A_1180, %sub3A_1200 : i32
        %select_n3A_1202 = arith.select %and3A_1199, %sub3A_1201, %div3A_1180 : i32
        %jit3A_1203 = arith.constant 64 : i32
        %eq3A_1204 = arith.constant 0 : i32
        %eq3A_1205 = arith.cmpi eq, %jit3A_1203, %eq3A_1204 : i32
        %jit3A_1206 = arith.constant 1 : i32
        %select_n3A_1207 = arith.select %eq3A_1205, %jit3A_1206, %jit3A_1203 : i32
        %rem3A_1208 = arith.remsi %add3A_1178, %select_n3A_1207 : i32
        %ne3A_1209 = arith.constant 0 : i32
        %ne3A_1210 = arith.cmpi ne, %rem3A_1208, %ne3A_1209 : i32
        %lt3A_1211 = arith.constant 0 : i32
        %lt3A_1212 = arith.cmpi slt, %rem3A_1208, %lt3A_1211 : i32
        %lt3A_1213 = arith.constant 0 : i32
        %lt3A_1214 = arith.cmpi slt, %select_n3A_1207, %lt3A_1213 : i32
        %ne3A_1215 = arith.xori %lt3A_1212, %lt3A_1214 : i1
        %and3A_1216 = arith.andi %ne3A_1215, %ne3A_1210 : i1
        %add3A_1217 = arith.addi %rem3A_1208, %select_n3A_1207 : i32
        %select_n3A_1218 = arith.select %and3A_1216, %add3A_1217, %rem3A_1208 : i32
        %mul3A_1219 = arith.constant 2 : i32
        %mul3A_1220 = arith.muli %select_n3A_1218, %mul3A_1219 : i32
        %mul3A_1221 = arith.constant 128 : i32
        %mul3A_1222 = arith.muli %select_n3A_1202, %mul3A_1221 : i32
        %add3A_1223 = arith.addi %mul3A_1222, %mul3A_1220 : i32
        %dma_start3A_1224 = arith.constant 0 : i32
        %dma_start3A_1225 = tpu.memref_slice %arg2[%add3A_1223, %dma_start3A_1224] : memref<25600x128xi32, #tpu.memory_space<hbm>> -> memref<2x128xi32, #tpu.memory_space<hbm>>
        %dma_start3A_1226 = arith.constant 0 : i32
        %dma_start3A_1227 = tpu.memref_slice %arg2[%add3A_1223, %dma_start3A_1226] : memref<25600x128xi32, #tpu.memory_space<hbm>> -> memref<2x128xi32, #tpu.memory_space<hbm>>
        tpu.enqueue_dma source(%dma_start3A_1227 : memref<2x128xi32, #tpu.memory_space<hbm>>) target(%arg6 : memref<2x128xi32, #tpu.memory_space<vmem>>) target_semaphore(%arg11 : memref<!tpu.dma_semaphore, #tpu.memory_space<semaphore_mem>>)
        %dma_wait3A_1228 = arith.constant 0 : i32
        %dma_wait3A_1229 = tpu.memref_slice %arg2[%add3A_1223, %dma_wait3A_1228] : memref<25600x128xi32, #tpu.memory_space<hbm>> -> memref<2x128xi32, #tpu.memory_space<hbm>>
        %dma_wait3A_1230 = arith.constant 0 : i32
        %dma_wait3A_1231 = tpu.memref_slice %arg2[%add3A_1223, %dma_wait3A_1230] : memref<25600x128xi32, #tpu.memory_space<hbm>> -> memref<2x128xi32, #tpu.memory_space<hbm>>
        tpu.wait_dma2 semaphore(%arg11 : memref<!tpu.dma_semaphore, #tpu.memory_space<semaphore_mem>>) src(%dma_wait3A_1231 : memref<2x128xi32, #tpu.memory_space<hbm>>) dst(%arg6 : memref<2x128xi32, #tpu.memory_space<vmem>>)
        %dma_start3A_1232 = arith.constant 0 : i32
        %dma_start3A_1233 = arith.constant 0 : i32
        %dma_start3A_1234 = arith.constant 0 : i32
        %dma_start3A_1235 = tpu.memref_slice %arg8[%dma_start3A_1233, %dma_start3A_1234] : memref<256x64xf32, #tpu.memory_space<vmem>> -> memref<128x64xf32, #tpu.memory_space<vmem>>
        %dma_start3A_1236 = arith.constant 0 : i32
        %dma_start3A_1237 = tpu.memref_slice %arg6[%dma_start3A_1232, %dma_start3A_1236] : memref<2x128xi32, #tpu.memory_space<vmem>> -> memref<1x128xi32, #tpu.memory_space<vmem>>
        %dma_start3A_1238 = tpu.memref_squeeze %dma_start3A_1237 : memref<1x128xi32, #tpu.memory_space<vmem>> -> memref<128xi32, #tpu.memory_space<vmem>>
        %dma_start3A_1239 = arith.constant 0 : i32
        %dma_start3A_1240 = arith.constant 0 : i32
        %dma_start3A_1241 = tpu.memref_slice %arg3[%dma_start3A_1239, %dma_start3A_1240] : memref<1000000x64xf32, #tpu.memory_space<hbm>> -> memref<1000000x64xf32, #tpu.memory_space<hbm>>
        tpu.enqueue_indirect_dma source(%dma_start3A_1241 : memref<1000000x64xf32, #tpu.memory_space<hbm>>) target(%dma_start3A_1235 : memref<128x64xf32, #tpu.memory_space<vmem>>) offsets(%dma_start3A_1238 : memref<128xi32, #tpu.memory_space<vmem>>) semaphore(%arg13 : memref<!tpu.dma_semaphore, #tpu.memory_space<semaphore_mem>>)
        %dma_start3A_1242 = arith.constant 1 : i32
        %dma_start3A_1243 = arith.constant 128 : i32
        %dma_start3A_1244 = arith.constant 0 : i32
        %dma_start3A_1245 = tpu.memref_slice %arg8[%dma_start3A_1243, %dma_start3A_1244] : memref<256x64xf32, #tpu.memory_space<vmem>> -> memref<128x64xf32, #tpu.memory_space<vmem>>
        %dma_start3A_1246 = arith.constant 0 : i32
        %dma_start3A_1247 = tpu.memref_slice %arg6[%dma_start3A_1242, %dma_start3A_1246] : memref<2x128xi32, #tpu.memory_space<vmem>> -> memref<1x128xi32, #tpu.memory_space<vmem>>
        %dma_start3A_1248 = tpu.memref_squeeze %dma_start3A_1247 : memref<1x128xi32, #tpu.memory_space<vmem>> -> memref<128xi32, #tpu.memory_space<vmem>>
        %dma_start3A_1249 = arith.constant 0 : i32
        %dma_start3A_1250 = arith.constant 0 : i32
        %dma_start3A_1251 = tpu.memref_slice %arg3[%dma_start3A_1249, %dma_start3A_1250] : memref<1000000x64xf32, #tpu.memory_space<hbm>> -> memref<1000000x64xf32, #tpu.memory_space<hbm>>
        tpu.enqueue_indirect_dma source(%dma_start3A_1251 : memref<1000000x64xf32, #tpu.memory_space<hbm>>) target(%dma_start3A_1245 : memref<128x64xf32, #tpu.memory_space<vmem>>) offsets(%dma_start3A_1248 : memref<128xi32, #tpu.memory_space<vmem>>) semaphore(%arg13 : memref<!tpu.dma_semaphore, #tpu.memory_space<semaphore_mem>>)
      } else {
      }
      %jit3A_951 = arith.constant 64 : i32
      %div3A_952 = arith.divsi %add3A_915, %jit3A_951 : i32
      %sign3A_953 = arith.constant 0 : i32
      %sign3A_954 = arith.cmpi sgt, %add3A_915, %sign3A_953 : i32
      %sign3A_955 = arith.extui %sign3A_954 : i1 to i32
      %sign3A_956 = arith.constant 0 : i32
      %sign3A_957 = arith.cmpi slt, %add3A_915, %sign3A_956 : i32
      %sign3A_958 = arith.extui %sign3A_957 : i1 to i32
      %sign3A_959 = arith.subi %sign3A_955, %sign3A_958 : i32
      %sign3A_960 = arith.constant 0 : i32
      %sign3A_961 = arith.cmpi sgt, %jit3A_951, %sign3A_960 : i32
      %sign3A_962 = arith.extui %sign3A_961 : i1 to i32
      %sign3A_963 = arith.constant 0 : i32
      %sign3A_964 = arith.cmpi slt, %jit3A_951, %sign3A_963 : i32
      %sign3A_965 = arith.extui %sign3A_964 : i1 to i32
      %sign3A_966 = arith.subi %sign3A_962, %sign3A_965 : i32
      %ne3A_967 = arith.cmpi ne, %sign3A_959, %sign3A_966 : i32
      %rem3A_968 = arith.remsi %add3A_915, %jit3A_951 : i32
      %ne3A_969 = arith.constant 0 : i32
      %ne3A_970 = arith.cmpi ne, %rem3A_968, %ne3A_969 : i32
      %and3A_971 = arith.andi %ne3A_967, %ne3A_970 : i1
      %sub3A_972 = arith.constant 1 : i32
      %sub3A_973 = arith.subi %div3A_952, %sub3A_972 : i32
      %select_n3A_974 = arith.select %and3A_971, %sub3A_973, %div3A_952 : i32
      %jit3A_975 = arith.constant 64 : i32
      %eq3A_976 = arith.constant 0 : i32
      %eq3A_977 = arith.cmpi eq, %jit3A_975, %eq3A_976 : i32
      %jit3A_978 = arith.constant 1 : i32
      %select_n3A_979 = arith.select %eq3A_977, %jit3A_978, %jit3A_975 : i32
      %rem3A_980 = arith.remsi %add3A_915, %select_n3A_979 : i32
      %ne3A_981 = arith.constant 0 : i32
      %ne3A_982 = arith.cmpi ne, %rem3A_980, %ne3A_981 : i32
      %lt3A_983 = arith.constant 0 : i32
      %lt3A_984 = arith.cmpi slt, %rem3A_980, %lt3A_983 : i32
      %lt3A_985 = arith.constant 0 : i32
      %lt3A_986 = arith.cmpi slt, %select_n3A_979, %lt3A_985 : i32
      %ne3A_987 = arith.xori %lt3A_984, %lt3A_986 : i1
      %and3A_988 = arith.andi %ne3A_987, %ne3A_982 : i1
      %add3A_989 = arith.addi %rem3A_980, %select_n3A_979 : i32
      %select_n3A_990 = arith.select %and3A_988, %add3A_989, %rem3A_980 : i32
      %mul3A_991 = arith.constant 2 : i32
      %mul3A_992 = arith.muli %select_n3A_990, %mul3A_991 : i32
      %mul3A_993 = arith.constant 8 : i32
      %mul3A_994 = arith.muli %select_n3A_974, %mul3A_993 : i32
      %add3A_995 = arith.constant 0 : i32
      %add3A_996 = arith.addi %mul3A_994, %add3A_995 : i32
      %dma_start3A_997 = arith.constant 0 : i32
      %dma_start3A_998 = arith.constant 0 : i32
      %dma_start3A_999 = arith.constant 0 : i32
      %dma_start3A_1000 = arith.constant 0 : i32
      %dma_start3A_1001 = tpu.memref_slice %arg10[%dma_start3A_997, %dma_start3A_998, %dma_start3A_999, %dma_start3A_1000] : memref<8x3x8x129xf32, #tpu.memory_space<vmem>> -> memref<1x2x8x128xf32, #tpu.memory_space<vmem>>
      %dma_start3A_1002 = tpu.memref_squeeze %dma_start3A_1001 : memref<1x2x8x128xf32, #tpu.memory_space<vmem>> -> memref<2x8x128xf32, #tpu.memory_space<vmem>>
      %dma_start3A_1003 = arith.constant 0 : i32
      %dma_start3A_1004 = arith.constant 0 : i32
      %dma_start3A_1005 = tpu.memref_slice %arg4[%add3A_996, %mul3A_992, %dma_start3A_1003, %dma_start3A_1004] : memref<1600x128x8x128xf32, #tpu.memory_space<hbm>> -> memref<1x2x8x128xf32, #tpu.memory_space<hbm>>
      %dma_start3A_1006 = tpu.memref_squeeze %dma_start3A_1005 : memref<1x2x8x128xf32, #tpu.memory_space<hbm>> -> memref<2x8x128xf32, #tpu.memory_space<hbm>>
      %dma_start3A_1007 = arith.constant 0 : i32
      %dma_start3A_1008 = arith.constant 0 : i32
      %dma_start3A_1009 = tpu.memref_slice %arg4[%add3A_996, %mul3A_992, %dma_start3A_1007, %dma_start3A_1008] : memref<1600x128x8x128xf32, #tpu.memory_space<hbm>> -> memref<1x2x8x128xf32, #tpu.memory_space<hbm>>
      %dma_start3A_1010 = tpu.memref_squeeze %dma_start3A_1009 : memref<1x2x8x128xf32, #tpu.memory_space<hbm>> -> memref<2x8x128xf32, #tpu.memory_space<hbm>>
      %dma_start3A_1011 = arith.constant 0 : i32
      %dma_start3A_1012 = arith.constant 0 : i32
      %dma_start3A_1013 = arith.constant 0 : i32
      %dma_start3A_1014 = tpu.memref_slice %arg10[%dma_start3A_997, %dma_start3A_1011, %dma_start3A_1012, %dma_start3A_1013] : memref<8x3x8x129xf32, #tpu.memory_space<vmem>> -> memref<1x2x8x128xf32, #tpu.memory_space<vmem>>
      %dma_start3A_1015 = tpu.memref_squeeze %dma_start3A_1014 : memref<1x2x8x128xf32, #tpu.memory_space<vmem>> -> memref<2x8x128xf32, #tpu.memory_space<vmem>>
      tpu.enqueue_dma source(%dma_start3A_1015 : memref<2x8x128xf32, #tpu.memory_space<vmem>>) target(%dma_start3A_1010 : memref<2x8x128xf32, #tpu.memory_space<hbm>>) target_semaphore(%arg15 : memref<!tpu.dma_semaphore, #tpu.memory_space<semaphore_mem>>)
      %mul3A_1016 = arith.constant 8 : i32
      %mul3A_1017 = arith.muli %select_n3A_974, %mul3A_1016 : i32
      %add3A_1018 = arith.constant 1 : i32
      %add3A_1019 = arith.addi %mul3A_1017, %add3A_1018 : i32
      %dma_start3A_1020 = arith.constant 1 : i32
      %dma_start3A_1021 = arith.constant 0 : i32
      %dma_start3A_1022 = arith.constant 0 : i32
      %dma_start3A_1023 = arith.constant 0 : i32
      %dma_start3A_1024 = tpu.memref_slice %arg10[%dma_start3A_1020, %dma_start3A_1021, %dma_start3A_1022, %dma_start3A_1023] : memref<8x3x8x129xf32, #tpu.memory_space<vmem>> -> memref<1x2x8x128xf32, #tpu.memory_space<vmem>>
      %dma_start3A_1025 = tpu.memref_squeeze %dma_start3A_1024 : memref<1x2x8x128xf32, #tpu.memory_space<vmem>> -> memref<2x8x128xf32, #tpu.memory_space<vmem>>
      %dma_start3A_1026 = arith.constant 0 : i32
      %dma_start3A_1027 = arith.constant 0 : i32
      %dma_start3A_1028 = tpu.memref_slice %arg4[%add3A_1019, %mul3A_992, %dma_start3A_1026, %dma_start3A_1027] : memref<1600x128x8x128xf32, #tpu.memory_space<hbm>> -> memref<1x2x8x128xf32, #tpu.memory_space<hbm>>
      %dma_start3A_1029 = tpu.memref_squeeze %dma_start3A_1028 : memref<1x2x8x128xf32, #tpu.memory_space<hbm>> -> memref<2x8x128xf32, #tpu.memory_space<hbm>>
      %dma_start3A_1030 = arith.constant 0 : i32
      %dma_start3A_1031 = arith.constant 0 : i32
      %dma_start3A_1032 = tpu.memref_slice %arg4[%add3A_1019, %mul3A_992, %dma_start3A_1030, %dma_start3A_1031] : memref<1600x128x8x128xf32, #tpu.memory_space<hbm>> -> memref<1x2x8x128xf32, #tpu.memory_space<hbm>>
      %dma_start3A_1033 = tpu.memref_squeeze %dma_start3A_1032 : memref<1x2x8x128xf32, #tpu.memory_space<hbm>> -> memref<2x8x128xf32, #tpu.memory_space<hbm>>
      %dma_start3A_1034 = arith.constant 0 : i32
      %dma_start3A_1035 = arith.constant 0 : i32
      %dma_start3A_1036 = arith.constant 0 : i32
      %dma_start3A_1037 = tpu.memref_slice %arg10[%dma_start3A_1020, %dma_start3A_1034, %dma_start3A_1035, %dma_start3A_1036] : memref<8x3x8x129xf32, #tpu.memory_space<vmem>> -> memref<1x2x8x128xf32, #tpu.memory_space<vmem>>
      %dma_start3A_1038 = tpu.memref_squeeze %dma_start3A_1037 : memref<1x2x8x128xf32, #tpu.memory_space<vmem>> -> memref<2x8x128xf32, #tpu.memory_space<vmem>>
      tpu.enqueue_dma source(%dma_start3A_1038 : memref<2x8x128xf32, #tpu.memory_space<vmem>>) target(%dma_start3A_1033 : memref<2x8x128xf32, #tpu.memory_space<hbm>>) target_semaphore(%arg15 : memref<!tpu.dma_semaphore, #tpu.memory_space<semaphore_mem>>)
      %mul3A_1039 = arith.constant 8 : i32
      %mul3A_1040 = arith.muli %select_n3A_974, %mul3A_1039 : i32
      %add3A_1041 = arith.constant 2 : i32
      %add3A_1042 = arith.addi %mul3A_1040, %add3A_1041 : i32
      %dma_start3A_1043 = arith.constant 2 : i32
      %dma_start3A_1044 = arith.constant 0 : i32
      %dma_start3A_1045 = arith.constant 0 : i32
      %dma_start3A_1046 = arith.constant 0 : i32
      %dma_start3A_1047 = tpu.memref_slice %arg10[%dma_start3A_1043, %dma_start3A_1044, %dma_start3A_1045, %dma_start3A_1046] : memref<8x3x8x129xf32, #tpu.memory_space<vmem>> -> memref<1x2x8x128xf32, #tpu.memory_space<vmem>>
      %dma_start3A_1048 = tpu.memref_squeeze %dma_start3A_1047 : memref<1x2x8x128xf32, #tpu.memory_space<vmem>> -> memref<2x8x128xf32, #tpu.memory_space<vmem>>
      %dma_start3A_1049 = arith.constant 0 : i32
      %dma_start3A_1050 = arith.constant 0 : i32
      %dma_start3A_1051 = tpu.memref_slice %arg4[%add3A_1042, %mul3A_992, %dma_start3A_1049, %dma_start3A_1050] : memref<1600x128x8x128xf32, #tpu.memory_space<hbm>> -> memref<1x2x8x128xf32, #tpu.memory_space<hbm>>
      %dma_start3A_1052 = tpu.memref_squeeze %dma_start3A_1051 : memref<1x2x8x128xf32, #tpu.memory_space<hbm>> -> memref<2x8x128xf32, #tpu.memory_space<hbm>>
      %dma_start3A_1053 = arith.constant 0 : i32
      %dma_start3A_1054 = arith.constant 0 : i32
      %dma_start3A_1055 = tpu.memref_slice %arg4[%add3A_1042, %mul3A_992, %dma_start3A_1053, %dma_start3A_1054] : memref<1600x128x8x128xf32, #tpu.memory_space<hbm>> -> memref<1x2x8x128xf32, #tpu.memory_space<hbm>>
      %dma_start3A_1056 = tpu.memref_squeeze %dma_start3A_1055 : memref<1x2x8x128xf32, #tpu.memory_space<hbm>> -> memref<2x8x128xf32, #tpu.memory_space<hbm>>
      %dma_start3A_1057 = arith.constant 0 : i32
      %dma_start3A_1058 = arith.constant 0 : i32
      %dma_start3A_1059 = arith.constant 0 : i32
      %dma_start3A_1060 = tpu.memref_slice %arg10[%dma_start3A_1043, %dma_start3A_1057, %dma_start3A_1058, %dma_start3A_1059] : memref<8x3x8x129xf32, #tpu.memory_space<vmem>> -> memref<1x2x8x128xf32, #tpu.memory_space<vmem>>
      %dma_start3A_1061 = tpu.memref_squeeze %dma_start3A_1060 : memref<1x2x8x128xf32, #tpu.memory_space<vmem>> -> memref<2x8x128xf32, #tpu.memory_space<vmem>>
      tpu.enqueue_dma source(%dma_start3A_1061 : memref<2x8x128xf32, #tpu.memory_space<vmem>>) target(%dma_start3A_1056 : memref<2x8x128xf32, #tpu.memory_space<hbm>>) target_semaphore(%arg15 : memref<!tpu.dma_semaphore, #tpu.memory_space<semaphore_mem>>)
      %mul3A_1062 = arith.constant 8 : i32
      %mul3A_1063 = arith.muli %select_n3A_974, %mul3A_1062 : i32
      %add3A_1064 = arith.constant 3 : i32
      %add3A_1065 = arith.addi %mul3A_1063, %add3A_1064 : i32
      %dma_start3A_1066 = arith.constant 3 : i32
      %dma_start3A_1067 = arith.constant 0 : i32
      %dma_start3A_1068 = arith.constant 0 : i32
      %dma_start3A_1069 = arith.constant 0 : i32
      %dma_start3A_1070 = tpu.memref_slice %arg10[%dma_start3A_1066, %dma_start3A_1067, %dma_start3A_1068, %dma_start3A_1069] : memref<8x3x8x129xf32, #tpu.memory_space<vmem>> -> memref<1x2x8x128xf32, #tpu.memory_space<vmem>>
      %dma_start3A_1071 = tpu.memref_squeeze %dma_start3A_1070 : memref<1x2x8x128xf32, #tpu.memory_space<vmem>> -> memref<2x8x128xf32, #tpu.memory_space<vmem>>
      %dma_start3A_1072 = arith.constant 0 : i32
      %dma_start3A_1073 = arith.constant 0 : i32
      %dma_start3A_1074 = tpu.memref_slice %arg4[%add3A_1065, %mul3A_992, %dma_start3A_1072, %dma_start3A_1073] : memref<1600x128x8x128xf32, #tpu.memory_space<hbm>> -> memref<1x2x8x128xf32, #tpu.memory_space<hbm>>
      %dma_start3A_1075 = tpu.memref_squeeze %dma_start3A_1074 : memref<1x2x8x128xf32, #tpu.memory_space<hbm>> -> memref<2x8x128xf32, #tpu.memory_space<hbm>>
      %dma_start3A_1076 = arith.constant 0 : i32
      %dma_start3A_1077 = arith.constant 0 : i32
      %dma_start3A_1078 = tpu.memref_slice %arg4[%add3A_1065, %mul3A_992, %dma_start3A_1076, %dma_start3A_1077] : memref<1600x128x8x128xf32, #tpu.memory_space<hbm>> -> memref<1x2x8x128xf32, #tpu.memory_space<hbm>>
      %dma_start3A_1079 = tpu.memref_squeeze %dma_start3A_1078 : memref<1x2x8x128xf32, #tpu.memory_space<hbm>> -> memref<2x8x128xf32, #tpu.memory_space<hbm>>
      %dma_start3A_1080 = arith.constant 0 : i32
      %dma_start3A_1081 = arith.constant 0 : i32
      %dma_start3A_1082 = arith.constant 0 : i32
      %dma_start3A_1083 = tpu.memref_slice %arg10[%dma_start3A_1066, %dma_start3A_1080, %dma_start3A_1081, %dma_start3A_1082] : memref<8x3x8x129xf32, #tpu.memory_space<vmem>> -> memref<1x2x8x128xf32, #tpu.memory_space<vmem>>
      %dma_start3A_1084 = tpu.memref_squeeze %dma_start3A_1083 : memref<1x2x8x128xf32, #tpu.memory_space<vmem>> -> memref<2x8x128xf32, #tpu.memory_space<vmem>>
      tpu.enqueue_dma source(%dma_start3A_1084 : memref<2x8x128xf32, #tpu.memory_space<vmem>>) target(%dma_start3A_1079 : memref<2x8x128xf32, #tpu.memory_space<hbm>>) target_semaphore(%arg15 : memref<!tpu.dma_semaphore, #tpu.memory_space<semaphore_mem>>)
      %mul3A_1085 = arith.constant 8 : i32
      %mul3A_1086 = arith.muli %select_n3A_974, %mul3A_1085 : i32
      %add3A_1087 = arith.constant 4 : i32
      %add3A_1088 = arith.addi %mul3A_1086, %add3A_1087 : i32
      %dma_start3A_1089 = arith.constant 4 : i32
      %dma_start3A_1090 = arith.constant 0 : i32
      %dma_start3A_1091 = arith.constant 0 : i32
      %dma_start3A_1092 = arith.constant 0 : i32
      %dma_start3A_1093 = tpu.memref_slice %arg10[%dma_start3A_1089, %dma_start3A_1090, %dma_start3A_1091, %dma_start3A_1092] : memref<8x3x8x129xf32, #tpu.memory_space<vmem>> -> memref<1x2x8x128xf32, #tpu.memory_space<vmem>>
      %dma_start3A_1094 = tpu.memref_squeeze %dma_start3A_1093 : memref<1x2x8x128xf32, #tpu.memory_space<vmem>> -> memref<2x8x128xf32, #tpu.memory_space<vmem>>
      %dma_start3A_1095 = arith.constant 0 : i32
      %dma_start3A_1096 = arith.constant 0 : i32
      %dma_start3A_1097 = tpu.memref_slice %arg4[%add3A_1088, %mul3A_992, %dma_start3A_1095, %dma_start3A_1096] : memref<1600x128x8x128xf32, #tpu.memory_space<hbm>> -> memref<1x2x8x128xf32, #tpu.memory_space<hbm>>
      %dma_start3A_1098 = tpu.memref_squeeze %dma_start3A_1097 : memref<1x2x8x128xf32, #tpu.memory_space<hbm>> -> memref<2x8x128xf32, #tpu.memory_space<hbm>>
      %dma_start3A_1099 = arith.constant 0 : i32
      %dma_start3A_1100 = arith.constant 0 : i32
      %dma_start3A_1101 = tpu.memref_slice %arg4[%add3A_1088, %mul3A_992, %dma_start3A_1099, %dma_start3A_1100] : memref<1600x128x8x128xf32, #tpu.memory_space<hbm>> -> memref<1x2x8x128xf32, #tpu.memory_space<hbm>>
      %dma_start3A_1102 = tpu.memref_squeeze %dma_start3A_1101 : memref<1x2x8x128xf32, #tpu.memory_space<hbm>> -> memref<2x8x128xf32, #tpu.memory_space<hbm>>
      %dma_start3A_1103 = arith.constant 0 : i32
      %dma_start3A_1104 = arith.constant 0 : i32
      %dma_start3A_1105 = arith.constant 0 : i32
      %dma_start3A_1106 = tpu.memref_slice %arg10[%dma_start3A_1089, %dma_start3A_1103, %dma_start3A_1104, %dma_start3A_1105] : memref<8x3x8x129xf32, #tpu.memory_space<vmem>> -> memref<1x2x8x128xf32, #tpu.memory_space<vmem>>
      %dma_start3A_1107 = tpu.memref_squeeze %dma_start3A_1106 : memref<1x2x8x128xf32, #tpu.memory_space<vmem>> -> memref<2x8x128xf32, #tpu.memory_space<vmem>>
      tpu.enqueue_dma source(%dma_start3A_1107 : memref<2x8x128xf32, #tpu.memory_space<vmem>>) target(%dma_start3A_1102 : memref<2x8x128xf32, #tpu.memory_space<hbm>>) target_semaphore(%arg15 : memref<!tpu.dma_semaphore, #tpu.memory_space<semaphore_mem>>)
      %mul3A_1108 = arith.constant 8 : i32
      %mul3A_1109 = arith.muli %select_n3A_974, %mul3A_1108 : i32
      %add3A_1110 = arith.constant 5 : i32
      %add3A_1111 = arith.addi %mul3A_1109, %add3A_1110 : i32
      %dma_start3A_1112 = arith.constant 5 : i32
      %dma_start3A_1113 = arith.constant 0 : i32
      %dma_start3A_1114 = arith.constant 0 : i32
      %dma_start3A_1115 = arith.constant 0 : i32
      %dma_start3A_1116 = tpu.memref_slice %arg10[%dma_start3A_1112, %dma_start3A_1113, %dma_start3A_1114, %dma_start3A_1115] : memref<8x3x8x129xf32, #tpu.memory_space<vmem>> -> memref<1x2x8x128xf32, #tpu.memory_space<vmem>>
      %dma_start3A_1117 = tpu.memref_squeeze %dma_start3A_1116 : memref<1x2x8x128xf32, #tpu.memory_space<vmem>> -> memref<2x8x128xf32, #tpu.memory_space<vmem>>
      %dma_start3A_1118 = arith.constant 0 : i32
      %dma_start3A_1119 = arith.constant 0 : i32
      %dma_start3A_1120 = tpu.memref_slice %arg4[%add3A_1111, %mul3A_992, %dma_start3A_1118, %dma_start3A_1119] : memref<1600x128x8x128xf32, #tpu.memory_space<hbm>> -> memref<1x2x8x128xf32, #tpu.memory_space<hbm>>
      %dma_start3A_1121 = tpu.memref_squeeze %dma_start3A_1120 : memref<1x2x8x128xf32, #tpu.memory_space<hbm>> -> memref<2x8x128xf32, #tpu.memory_space<hbm>>
      %dma_start3A_1122 = arith.constant 0 : i32
      %dma_start3A_1123 = arith.constant 0 : i32
      %dma_start3A_1124 = tpu.memref_slice %arg4[%add3A_1111, %mul3A_992, %dma_start3A_1122, %dma_start3A_1123] : memref<1600x128x8x128xf32, #tpu.memory_space<hbm>> -> memref<1x2x8x128xf32, #tpu.memory_space<hbm>>
      %dma_start3A_1125 = tpu.memref_squeeze %dma_start3A_1124 : memref<1x2x8x128xf32, #tpu.memory_space<hbm>> -> memref<2x8x128xf32, #tpu.memory_space<hbm>>
      %dma_start3A_1126 = arith.constant 0 : i32
      %dma_start3A_1127 = arith.constant 0 : i32
      %dma_start3A_1128 = arith.constant 0 : i32
      %dma_start3A_1129 = tpu.memref_slice %arg10[%dma_start3A_1112, %dma_start3A_1126, %dma_start3A_1127, %dma_start3A_1128] : memref<8x3x8x129xf32, #tpu.memory_space<vmem>> -> memref<1x2x8x128xf32, #tpu.memory_space<vmem>>
      %dma_start3A_1130 = tpu.memref_squeeze %dma_start3A_1129 : memref<1x2x8x128xf32, #tpu.memory_space<vmem>> -> memref<2x8x128xf32, #tpu.memory_space<vmem>>
      tpu.enqueue_dma source(%dma_start3A_1130 : memref<2x8x128xf32, #tpu.memory_space<vmem>>) target(%dma_start3A_1125 : memref<2x8x128xf32, #tpu.memory_space<hbm>>) target_semaphore(%arg15 : memref<!tpu.dma_semaphore, #tpu.memory_space<semaphore_mem>>)
      %mul3A_1131 = arith.constant 8 : i32
      %mul3A_1132 = arith.muli %select_n3A_974, %mul3A_1131 : i32
      %add3A_1133 = arith.constant 6 : i32
      %add3A_1134 = arith.addi %mul3A_1132, %add3A_1133 : i32
      %dma_start3A_1135 = arith.constant 6 : i32
      %dma_start3A_1136 = arith.constant 0 : i32
      %dma_start3A_1137 = arith.constant 0 : i32
      %dma_start3A_1138 = arith.constant 0 : i32
      %dma_start3A_1139 = tpu.memref_slice %arg10[%dma_start3A_1135, %dma_start3A_1136, %dma_start3A_1137, %dma_start3A_1138] : memref<8x3x8x129xf32, #tpu.memory_space<vmem>> -> memref<1x2x8x128xf32, #tpu.memory_space<vmem>>
      %dma_start3A_1140 = tpu.memref_squeeze %dma_start3A_1139 : memref<1x2x8x128xf32, #tpu.memory_space<vmem>> -> memref<2x8x128xf32, #tpu.memory_space<vmem>>
      %dma_start3A_1141 = arith.constant 0 : i32
      %dma_start3A_1142 = arith.constant 0 : i32
      %dma_start3A_1143 = tpu.memref_slice %arg4[%add3A_1134, %mul3A_992, %dma_start3A_1141, %dma_start3A_1142] : memref<1600x128x8x128xf32, #tpu.memory_space<hbm>> -> memref<1x2x8x128xf32, #tpu.memory_space<hbm>>
      %dma_start3A_1144 = tpu.memref_squeeze %dma_start3A_1143 : memref<1x2x8x128xf32, #tpu.memory_space<hbm>> -> memref<2x8x128xf32, #tpu.memory_space<hbm>>
      %dma_start3A_1145 = arith.constant 0 : i32
      %dma_start3A_1146 = arith.constant 0 : i32
      %dma_start3A_1147 = tpu.memref_slice %arg4[%add3A_1134, %mul3A_992, %dma_start3A_1145, %dma_start3A_1146] : memref<1600x128x8x128xf32, #tpu.memory_space<hbm>> -> memref<1x2x8x128xf32, #tpu.memory_space<hbm>>
      %dma_start3A_1148 = tpu.memref_squeeze %dma_start3A_1147 : memref<1x2x8x128xf32, #tpu.memory_space<hbm>> -> memref<2x8x128xf32, #tpu.memory_space<hbm>>
      %dma_start3A_1149 = arith.constant 0 : i32
      %dma_start3A_1150 = arith.constant 0 : i32
      %dma_start3A_1151 = arith.constant 0 : i32
      %dma_start3A_1152 = tpu.memref_slice %arg10[%dma_start3A_1135, %dma_start3A_1149, %dma_start3A_1150, %dma_start3A_1151] : memref<8x3x8x129xf32, #tpu.memory_space<vmem>> -> memref<1x2x8x128xf32, #tpu.memory_space<vmem>>
      %dma_start3A_1153 = tpu.memref_squeeze %dma_start3A_1152 : memref<1x2x8x128xf32, #tpu.memory_space<vmem>> -> memref<2x8x128xf32, #tpu.memory_space<vmem>>
      tpu.enqueue_dma source(%dma_start3A_1153 : memref<2x8x128xf32, #tpu.memory_space<vmem>>) target(%dma_start3A_1148 : memref<2x8x128xf32, #tpu.memory_space<hbm>>) target_semaphore(%arg15 : memref<!tpu.dma_semaphore, #tpu.memory_space<semaphore_mem>>)
      %mul3A_1154 = arith.constant 8 : i32
      %mul3A_1155 = arith.muli %select_n3A_974, %mul3A_1154 : i32
      %add3A_1156 = arith.constant 7 : i32
      %add3A_1157 = arith.addi %mul3A_1155, %add3A_1156 : i32
      %dma_start3A_1158 = arith.constant 7 : i32
      %dma_start3A_1159 = arith.constant 0 : i32
      %dma_start3A_1160 = arith.constant 0 : i32
      %dma_start3A_1161 = arith.constant 0 : i32
      %dma_start3A_1162 = tpu.memref_slice %arg10[%dma_start3A_1158, %dma_start3A_1159, %dma_start3A_1160, %dma_start3A_1161] : memref<8x3x8x129xf32, #tpu.memory_space<vmem>> -> memref<1x2x8x128xf32, #tpu.memory_space<vmem>>
      %dma_start3A_1163 = tpu.memref_squeeze %dma_start3A_1162 : memref<1x2x8x128xf32, #tpu.memory_space<vmem>> -> memref<2x8x128xf32, #tpu.memory_space<vmem>>
      %dma_start3A_1164 = arith.constant 0 : i32
      %dma_start3A_1165 = arith.constant 0 : i32
      %dma_start3A_1166 = tpu.memref_slice %arg4[%add3A_1157, %mul3A_992, %dma_start3A_1164, %dma_start3A_1165] : memref<1600x128x8x128xf32, #tpu.memory_space<hbm>> -> memref<1x2x8x128xf32, #tpu.memory_space<hbm>>
      %dma_start3A_1167 = tpu.memref_squeeze %dma_start3A_1166 : memref<1x2x8x128xf32, #tpu.memory_space<hbm>> -> memref<2x8x128xf32, #tpu.memory_space<hbm>>
      %dma_start3A_1168 = arith.constant 0 : i32
      %dma_start3A_1169 = arith.constant 0 : i32
      %dma_start3A_1170 = tpu.memref_slice %arg4[%add3A_1157, %mul3A_992, %dma_start3A_1168, %dma_start3A_1169] : memref<1600x128x8x128xf32, #tpu.memory_space<hbm>> -> memref<1x2x8x128xf32, #tpu.memory_space<hbm>>
      %dma_start3A_1171 = tpu.memref_squeeze %dma_start3A_1170 : memref<1x2x8x128xf32, #tpu.memory_space<hbm>> -> memref<2x8x128xf32, #tpu.memory_space<hbm>>
      %dma_start3A_1172 = arith.constant 0 : i32
      %dma_start3A_1173 = arith.constant 0 : i32
      %dma_start3A_1174 = arith.constant 0 : i32
      %dma_start3A_1175 = tpu.memref_slice %arg10[%dma_start3A_1158, %dma_start3A_1172, %dma_start3A_1173, %dma_start3A_1174] : memref<8x3x8x129xf32, #tpu.memory_space<vmem>> -> memref<1x2x8x128xf32, #tpu.memory_space<vmem>>
      %dma_start3A_1176 = tpu.memref_squeeze %dma_start3A_1175 : memref<1x2x8x128xf32, #tpu.memory_space<vmem>> -> memref<2x8x128xf32, #tpu.memory_space<vmem>>
      tpu.enqueue_dma source(%dma_start3A_1176 : memref<2x8x128xf32, #tpu.memory_space<vmem>>) target(%dma_start3A_1171 : memref<2x8x128xf32, #tpu.memory_space<hbm>>) target_semaphore(%arg15 : memref<!tpu.dma_semaphore, #tpu.memory_space<semaphore_mem>>)
    }
    %scan3A_191 = arith.constant 200 : i32
    %add3A_192 = arith.constant 398 : i32
    %add3A_193 = arith.addi %mul3A_2, %add3A_192 : i32
    %jit3A_194 = arith.constant 64 : i32
    %div3A_195 = arith.divsi %add3A_193, %jit3A_194 : i32
    %sign3A_196 = arith.constant 0 : i32
    %sign3A_197 = arith.cmpi sgt, %add3A_193, %sign3A_196 : i32
    %sign3A_198 = arith.extui %sign3A_197 : i1 to i32
    %sign3A_199 = arith.constant 0 : i32
    %sign3A_200 = arith.cmpi slt, %add3A_193, %sign3A_199 : i32
    %sign3A_201 = arith.extui %sign3A_200 : i1 to i32
    %sign3A_202 = arith.subi %sign3A_198, %sign3A_201 : i32
    %sign3A_203 = arith.constant 0 : i32
    %sign3A_204 = arith.cmpi sgt, %jit3A_194, %sign3A_203 : i32
    %sign3A_205 = arith.extui %sign3A_204 : i1 to i32
    %sign3A_206 = arith.constant 0 : i32
    %sign3A_207 = arith.cmpi slt, %jit3A_194, %sign3A_206 : i32
    %sign3A_208 = arith.extui %sign3A_207 : i1 to i32
    %sign3A_209 = arith.subi %sign3A_205, %sign3A_208 : i32
    %ne3A_210 = arith.cmpi ne, %sign3A_202, %sign3A_209 : i32
    %rem3A_211 = arith.remsi %add3A_193, %jit3A_194 : i32
    %ne3A_212 = arith.constant 0 : i32
    %ne3A_213 = arith.cmpi ne, %rem3A_211, %ne3A_212 : i32
    %and3A_214 = arith.andi %ne3A_210, %ne3A_213 : i1
    %sub3A_215 = arith.constant 1 : i32
    %sub3A_216 = arith.subi %div3A_195, %sub3A_215 : i32
    %select_n3A_217 = arith.select %and3A_214, %sub3A_216, %div3A_195 : i32
    %jit3A_218 = arith.constant 64 : i32
    %eq3A_219 = arith.constant 0 : i32
    %eq3A_220 = arith.cmpi eq, %jit3A_218, %eq3A_219 : i32
    %jit3A_221 = arith.constant 1 : i32
    %select_n3A_222 = arith.select %eq3A_220, %jit3A_221, %jit3A_218 : i32
    %rem3A_223 = arith.remsi %add3A_193, %select_n3A_222 : i32
    %ne3A_224 = arith.constant 0 : i32
    %ne3A_225 = arith.cmpi ne, %rem3A_223, %ne3A_224 : i32
    %lt3A_226 = arith.constant 0 : i32
    %lt3A_227 = arith.cmpi slt, %rem3A_223, %lt3A_226 : i32
    %lt3A_228 = arith.constant 0 : i32
    %lt3A_229 = arith.cmpi slt, %select_n3A_222, %lt3A_228 : i32
    %ne3A_230 = arith.xori %lt3A_227, %lt3A_229 : i1
    %and3A_231 = arith.andi %ne3A_230, %ne3A_225 : i1
    %add3A_232 = arith.addi %rem3A_223, %select_n3A_222 : i32
    %select_n3A_233 = arith.select %and3A_231, %add3A_232, %rem3A_223 : i32
    %mul3A_234 = arith.constant 2 : i32
    %mul3A_235 = arith.muli %select_n3A_233, %mul3A_234 : i32
    %mul3A_236 = arith.constant 8 : i32
    %mul3A_237 = arith.muli %select_n3A_217, %mul3A_236 : i32
    %add3A_238 = arith.constant 0 : i32
    %add3A_239 = arith.addi %mul3A_237, %add3A_238 : i32
    %dma_wait3A_240 = arith.constant 0 : i32
    %dma_wait3A_241 = arith.constant 0 : i32
    %dma_wait3A_242 = arith.constant 0 : i32
    %dma_wait3A_243 = arith.constant 0 : i32
    %dma_wait3A_244 = tpu.memref_slice %arg9[%dma_wait3A_240, %dma_wait3A_241, %dma_wait3A_242, %dma_wait3A_243] : memref<8x3x8x129xf32, #tpu.memory_space<vmem>> -> memref<1x2x8x128xf32, #tpu.memory_space<vmem>>
    %dma_wait3A_245 = tpu.memref_squeeze %dma_wait3A_244 : memref<1x2x8x128xf32, #tpu.memory_space<vmem>> -> memref<2x8x128xf32, #tpu.memory_space<vmem>>
    %dma_wait3A_246 = arith.constant 0 : i32
    %dma_wait3A_247 = arith.constant 0 : i32
    %dma_wait3A_248 = tpu.memref_slice %arg4[%add3A_239, %mul3A_235, %dma_wait3A_246, %dma_wait3A_247] : memref<1600x128x8x128xf32, #tpu.memory_space<hbm>> -> memref<1x2x8x128xf32, #tpu.memory_space<hbm>>
    %dma_wait3A_249 = tpu.memref_squeeze %dma_wait3A_248 : memref<1x2x8x128xf32, #tpu.memory_space<hbm>> -> memref<2x8x128xf32, #tpu.memory_space<hbm>>
    %dma_wait3A_250 = arith.constant 0 : i32
    %dma_wait3A_251 = arith.constant 0 : i32
    %dma_wait3A_252 = tpu.memref_slice %arg4[%add3A_239, %mul3A_235, %dma_wait3A_250, %dma_wait3A_251] : memref<1600x128x8x128xf32, #tpu.memory_space<hbm>> -> memref<1x2x8x128xf32, #tpu.memory_space<hbm>>
    %dma_wait3A_253 = tpu.memref_squeeze %dma_wait3A_252 : memref<1x2x8x128xf32, #tpu.memory_space<hbm>> -> memref<2x8x128xf32, #tpu.memory_space<hbm>>
    %dma_wait3A_254 = arith.constant 0 : i32
    %dma_wait3A_255 = arith.constant 0 : i32
    %dma_wait3A_256 = arith.constant 0 : i32
    %dma_wait3A_257 = tpu.memref_slice %arg9[%dma_wait3A_240, %dma_wait3A_254, %dma_wait3A_255, %dma_wait3A_256] : memref<8x3x8x129xf32, #tpu.memory_space<vmem>> -> memref<1x2x8x128xf32, #tpu.memory_space<vmem>>
    %dma_wait3A_258 = tpu.memref_squeeze %dma_wait3A_257 : memref<1x2x8x128xf32, #tpu.memory_space<vmem>> -> memref<2x8x128xf32, #tpu.memory_space<vmem>>
    tpu.wait_dma2 semaphore(%arg14 : memref<!tpu.dma_semaphore, #tpu.memory_space<semaphore_mem>>) src(%dma_wait3A_258 : memref<2x8x128xf32, #tpu.memory_space<vmem>>) dst(%dma_wait3A_253 : memref<2x8x128xf32, #tpu.memory_space<hbm>>)
    %mul3A_259 = arith.constant 8 : i32
    %mul3A_260 = arith.muli %select_n3A_217, %mul3A_259 : i32
    %add3A_261 = arith.constant 1 : i32
    %add3A_262 = arith.addi %mul3A_260, %add3A_261 : i32
    %dma_wait3A_263 = arith.constant 1 : i32
    %dma_wait3A_264 = arith.constant 0 : i32
    %dma_wait3A_265 = arith.constant 0 : i32
    %dma_wait3A_266 = arith.constant 0 : i32
    %dma_wait3A_267 = tpu.memref_slice %arg9[%dma_wait3A_263, %dma_wait3A_264, %dma_wait3A_265, %dma_wait3A_266] : memref<8x3x8x129xf32, #tpu.memory_space<vmem>> -> memref<1x2x8x128xf32, #tpu.memory_space<vmem>>
    %dma_wait3A_268 = tpu.memref_squeeze %dma_wait3A_267 : memref<1x2x8x128xf32, #tpu.memory_space<vmem>> -> memref<2x8x128xf32, #tpu.memory_space<vmem>>
    %dma_wait3A_269 = arith.constant 0 : i32
    %dma_wait3A_270 = arith.constant 0 : i32
    %dma_wait3A_271 = tpu.memref_slice %arg4[%add3A_262, %mul3A_235, %dma_wait3A_269, %dma_wait3A_270] : memref<1600x128x8x128xf32, #tpu.memory_space<hbm>> -> memref<1x2x8x128xf32, #tpu.memory_space<hbm>>
    %dma_wait3A_272 = tpu.memref_squeeze %dma_wait3A_271 : memref<1x2x8x128xf32, #tpu.memory_space<hbm>> -> memref<2x8x128xf32, #tpu.memory_space<hbm>>
    %dma_wait3A_273 = arith.constant 0 : i32
    %dma_wait3A_274 = arith.constant 0 : i32
    %dma_wait3A_275 = tpu.memref_slice %arg4[%add3A_262, %mul3A_235, %dma_wait3A_273, %dma_wait3A_274] : memref<1600x128x8x128xf32, #tpu.memory_space<hbm>> -> memref<1x2x8x128xf32, #tpu.memory_space<hbm>>
    %dma_wait3A_276 = tpu.memref_squeeze %dma_wait3A_275 : memref<1x2x8x128xf32, #tpu.memory_space<hbm>> -> memref<2x8x128xf32, #tpu.memory_space<hbm>>
    %dma_wait3A_277 = arith.constant 0 : i32
    %dma_wait3A_278 = arith.constant 0 : i32
    %dma_wait3A_279 = arith.constant 0 : i32
    %dma_wait3A_280 = tpu.memref_slice %arg9[%dma_wait3A_263, %dma_wait3A_277, %dma_wait3A_278, %dma_wait3A_279] : memref<8x3x8x129xf32, #tpu.memory_space<vmem>> -> memref<1x2x8x128xf32, #tpu.memory_space<vmem>>
    %dma_wait3A_281 = tpu.memref_squeeze %dma_wait3A_280 : memref<1x2x8x128xf32, #tpu.memory_space<vmem>> -> memref<2x8x128xf32, #tpu.memory_space<vmem>>
    tpu.wait_dma2 semaphore(%arg14 : memref<!tpu.dma_semaphore, #tpu.memory_space<semaphore_mem>>) src(%dma_wait3A_281 : memref<2x8x128xf32, #tpu.memory_space<vmem>>) dst(%dma_wait3A_276 : memref<2x8x128xf32, #tpu.memory_space<hbm>>)
    %mul3A_282 = arith.constant 8 : i32
    %mul3A_283 = arith.muli %select_n3A_217, %mul3A_282 : i32
    %add3A_284 = arith.constant 2 : i32
    %add3A_285 = arith.addi %mul3A_283, %add3A_284 : i32
    %dma_wait3A_286 = arith.constant 2 : i32
    %dma_wait3A_287 = arith.constant 0 : i32
    %dma_wait3A_288 = arith.constant 0 : i32
    %dma_wait3A_289 = arith.constant 0 : i32
    %dma_wait3A_290 = tpu.memref_slice %arg9[%dma_wait3A_286, %dma_wait3A_287, %dma_wait3A_288, %dma_wait3A_289] : memref<8x3x8x129xf32, #tpu.memory_space<vmem>> -> memref<1x2x8x128xf32, #tpu.memory_space<vmem>>
    %dma_wait3A_291 = tpu.memref_squeeze %dma_wait3A_290 : memref<1x2x8x128xf32, #tpu.memory_space<vmem>> -> memref<2x8x128xf32, #tpu.memory_space<vmem>>
    %dma_wait3A_292 = arith.constant 0 : i32
    %dma_wait3A_293 = arith.constant 0 : i32
    %dma_wait3A_294 = tpu.memref_slice %arg4[%add3A_285, %mul3A_235, %dma_wait3A_292, %dma_wait3A_293] : memref<1600x128x8x128xf32, #tpu.memory_space<hbm>> -> memref<1x2x8x128xf32, #tpu.memory_space<hbm>>
    %dma_wait3A_295 = tpu.memref_squeeze %dma_wait3A_294 : memref<1x2x8x128xf32, #tpu.memory_space<hbm>> -> memref<2x8x128xf32, #tpu.memory_space<hbm>>
    %dma_wait3A_296 = arith.constant 0 : i32
    %dma_wait3A_297 = arith.constant 0 : i32
    %dma_wait3A_298 = tpu.memref_slice %arg4[%add3A_285, %mul3A_235, %dma_wait3A_296, %dma_wait3A_297] : memref<1600x128x8x128xf32, #tpu.memory_space<hbm>> -> memref<1x2x8x128xf32, #tpu.memory_space<hbm>>
    %dma_wait3A_299 = tpu.memref_squeeze %dma_wait3A_298 : memref<1x2x8x128xf32, #tpu.memory_space<hbm>> -> memref<2x8x128xf32, #tpu.memory_space<hbm>>
    %dma_wait3A_300 = arith.constant 0 : i32
    %dma_wait3A_301 = arith.constant 0 : i32
    %dma_wait3A_302 = arith.constant 0 : i32
    %dma_wait3A_303 = tpu.memref_slice %arg9[%dma_wait3A_286, %dma_wait3A_300, %dma_wait3A_301, %dma_wait3A_302] : memref<8x3x8x129xf32, #tpu.memory_space<vmem>> -> memref<1x2x8x128xf32, #tpu.memory_space<vmem>>
    %dma_wait3A_304 = tpu.memref_squeeze %dma_wait3A_303 : memref<1x2x8x128xf32, #tpu.memory_space<vmem>> -> memref<2x8x128xf32, #tpu.memory_space<vmem>>
    tpu.wait_dma2 semaphore(%arg14 : memref<!tpu.dma_semaphore, #tpu.memory_space<semaphore_mem>>) src(%dma_wait3A_304 : memref<2x8x128xf32, #tpu.memory_space<vmem>>) dst(%dma_wait3A_299 : memref<2x8x128xf32, #tpu.memory_space<hbm>>)
    %mul3A_305 = arith.constant 8 : i32
    %mul3A_306 = arith.muli %select_n3A_217, %mul3A_305 : i32
    %add3A_307 = arith.constant 3 : i32
    %add3A_308 = arith.addi %mul3A_306, %add3A_307 : i32
    %dma_wait3A_309 = arith.constant 3 : i32
    %dma_wait3A_310 = arith.constant 0 : i32
    %dma_wait3A_311 = arith.constant 0 : i32
    %dma_wait3A_312 = arith.constant 0 : i32
    %dma_wait3A_313 = tpu.memref_slice %arg9[%dma_wait3A_309, %dma_wait3A_310, %dma_wait3A_311, %dma_wait3A_312] : memref<8x3x8x129xf32, #tpu.memory_space<vmem>> -> memref<1x2x8x128xf32, #tpu.memory_space<vmem>>
    %dma_wait3A_314 = tpu.memref_squeeze %dma_wait3A_313 : memref<1x2x8x128xf32, #tpu.memory_space<vmem>> -> memref<2x8x128xf32, #tpu.memory_space<vmem>>
    %dma_wait3A_315 = arith.constant 0 : i32
    %dma_wait3A_316 = arith.constant 0 : i32
    %dma_wait3A_317 = tpu.memref_slice %arg4[%add3A_308, %mul3A_235, %dma_wait3A_315, %dma_wait3A_316] : memref<1600x128x8x128xf32, #tpu.memory_space<hbm>> -> memref<1x2x8x128xf32, #tpu.memory_space<hbm>>
    %dma_wait3A_318 = tpu.memref_squeeze %dma_wait3A_317 : memref<1x2x8x128xf32, #tpu.memory_space<hbm>> -> memref<2x8x128xf32, #tpu.memory_space<hbm>>
    %dma_wait3A_319 = arith.constant 0 : i32
    %dma_wait3A_320 = arith.constant 0 : i32
    %dma_wait3A_321 = tpu.memref_slice %arg4[%add3A_308, %mul3A_235, %dma_wait3A_319, %dma_wait3A_320] : memref<1600x128x8x128xf32, #tpu.memory_space<hbm>> -> memref<1x2x8x128xf32, #tpu.memory_space<hbm>>
    %dma_wait3A_322 = tpu.memref_squeeze %dma_wait3A_321 : memref<1x2x8x128xf32, #tpu.memory_space<hbm>> -> memref<2x8x128xf32, #tpu.memory_space<hbm>>
    %dma_wait3A_323 = arith.constant 0 : i32
    %dma_wait3A_324 = arith.constant 0 : i32
    %dma_wait3A_325 = arith.constant 0 : i32
    %dma_wait3A_326 = tpu.memref_slice %arg9[%dma_wait3A_309, %dma_wait3A_323, %dma_wait3A_324, %dma_wait3A_325] : memref<8x3x8x129xf32, #tpu.memory_space<vmem>> -> memref<1x2x8x128xf32, #tpu.memory_space<vmem>>
    %dma_wait3A_327 = tpu.memref_squeeze %dma_wait3A_326 : memref<1x2x8x128xf32, #tpu.memory_space<vmem>> -> memref<2x8x128xf32, #tpu.memory_space<vmem>>
    tpu.wait_dma2 semaphore(%arg14 : memref<!tpu.dma_semaphore, #tpu.memory_space<semaphore_mem>>) src(%dma_wait3A_327 : memref<2x8x128xf32, #tpu.memory_space<vmem>>) dst(%dma_wait3A_322 : memref<2x8x128xf32, #tpu.memory_space<hbm>>)
    %mul3A_328 = arith.constant 8 : i32
    %mul3A_329 = arith.muli %select_n3A_217, %mul3A_328 : i32
    %add3A_330 = arith.constant 4 : i32
    %add3A_331 = arith.addi %mul3A_329, %add3A_330 : i32
    %dma_wait3A_332 = arith.constant 4 : i32
    %dma_wait3A_333 = arith.constant 0 : i32
    %dma_wait3A_334 = arith.constant 0 : i32
    %dma_wait3A_335 = arith.constant 0 : i32
    %dma_wait3A_336 = tpu.memref_slice %arg9[%dma_wait3A_332, %dma_wait3A_333, %dma_wait3A_334, %dma_wait3A_335] : memref<8x3x8x129xf32, #tpu.memory_space<vmem>> -> memref<1x2x8x128xf32, #tpu.memory_space<vmem>>
    %dma_wait3A_337 = tpu.memref_squeeze %dma_wait3A_336 : memref<1x2x8x128xf32, #tpu.memory_space<vmem>> -> memref<2x8x128xf32, #tpu.memory_space<vmem>>
    %dma_wait3A_338 = arith.constant 0 : i32
    %dma_wait3A_339 = arith.constant 0 : i32
    %dma_wait3A_340 = tpu.memref_slice %arg4[%add3A_331, %mul3A_235, %dma_wait3A_338, %dma_wait3A_339] : memref<1600x128x8x128xf32, #tpu.memory_space<hbm>> -> memref<1x2x8x128xf32, #tpu.memory_space<hbm>>
    %dma_wait3A_341 = tpu.memref_squeeze %dma_wait3A_340 : memref<1x2x8x128xf32, #tpu.memory_space<hbm>> -> memref<2x8x128xf32, #tpu.memory_space<hbm>>
    %dma_wait3A_342 = arith.constant 0 : i32
    %dma_wait3A_343 = arith.constant 0 : i32
    %dma_wait3A_344 = tpu.memref_slice %arg4[%add3A_331, %mul3A_235, %dma_wait3A_342, %dma_wait3A_343] : memref<1600x128x8x128xf32, #tpu.memory_space<hbm>> -> memref<1x2x8x128xf32, #tpu.memory_space<hbm>>
    %dma_wait3A_345 = tpu.memref_squeeze %dma_wait3A_344 : memref<1x2x8x128xf32, #tpu.memory_space<hbm>> -> memref<2x8x128xf32, #tpu.memory_space<hbm>>
    %dma_wait3A_346 = arith.constant 0 : i32
    %dma_wait3A_347 = arith.constant 0 : i32
    %dma_wait3A_348 = arith.constant 0 : i32
    %dma_wait3A_349 = tpu.memref_slice %arg9[%dma_wait3A_332, %dma_wait3A_346, %dma_wait3A_347, %dma_wait3A_348] : memref<8x3x8x129xf32, #tpu.memory_space<vmem>> -> memref<1x2x8x128xf32, #tpu.memory_space<vmem>>
    %dma_wait3A_350 = tpu.memref_squeeze %dma_wait3A_349 : memref<1x2x8x128xf32, #tpu.memory_space<vmem>> -> memref<2x8x128xf32, #tpu.memory_space<vmem>>
    tpu.wait_dma2 semaphore(%arg14 : memref<!tpu.dma_semaphore, #tpu.memory_space<semaphore_mem>>) src(%dma_wait3A_350 : memref<2x8x128xf32, #tpu.memory_space<vmem>>) dst(%dma_wait3A_345 : memref<2x8x128xf32, #tpu.memory_space<hbm>>)
    %mul3A_351 = arith.constant 8 : i32
    %mul3A_352 = arith.muli %select_n3A_217, %mul3A_351 : i32
    %add3A_353 = arith.constant 5 : i32
    %add3A_354 = arith.addi %mul3A_352, %add3A_353 : i32
    %dma_wait3A_355 = arith.constant 5 : i32
    %dma_wait3A_356 = arith.constant 0 : i32
    %dma_wait3A_357 = arith.constant 0 : i32
    %dma_wait3A_358 = arith.constant 0 : i32
    %dma_wait3A_359 = tpu.memref_slice %arg9[%dma_wait3A_355, %dma_wait3A_356, %dma_wait3A_357, %dma_wait3A_358] : memref<8x3x8x129xf32, #tpu.memory_space<vmem>> -> memref<1x2x8x128xf32, #tpu.memory_space<vmem>>
    %dma_wait3A_360 = tpu.memref_squeeze %dma_wait3A_359 : memref<1x2x8x128xf32, #tpu.memory_space<vmem>> -> memref<2x8x128xf32, #tpu.memory_space<vmem>>
    %dma_wait3A_361 = arith.constant 0 : i32
    %dma_wait3A_362 = arith.constant 0 : i32
    %dma_wait3A_363 = tpu.memref_slice %arg4[%add3A_354, %mul3A_235, %dma_wait3A_361, %dma_wait3A_362] : memref<1600x128x8x128xf32, #tpu.memory_space<hbm>> -> memref<1x2x8x128xf32, #tpu.memory_space<hbm>>
    %dma_wait3A_364 = tpu.memref_squeeze %dma_wait3A_363 : memref<1x2x8x128xf32, #tpu.memory_space<hbm>> -> memref<2x8x128xf32, #tpu.memory_space<hbm>>
    %dma_wait3A_365 = arith.constant 0 : i32
    %dma_wait3A_366 = arith.constant 0 : i32
    %dma_wait3A_367 = tpu.memref_slice %arg4[%add3A_354, %mul3A_235, %dma_wait3A_365, %dma_wait3A_366] : memref<1600x128x8x128xf32, #tpu.memory_space<hbm>> -> memref<1x2x8x128xf32, #tpu.memory_space<hbm>>
    %dma_wait3A_368 = tpu.memref_squeeze %dma_wait3A_367 : memref<1x2x8x128xf32, #tpu.memory_space<hbm>> -> memref<2x8x128xf32, #tpu.memory_space<hbm>>
    %dma_wait3A_369 = arith.constant 0 : i32
    %dma_wait3A_370 = arith.constant 0 : i32
    %dma_wait3A_371 = arith.constant 0 : i32
    %dma_wait3A_372 = tpu.memref_slice %arg9[%dma_wait3A_355, %dma_wait3A_369, %dma_wait3A_370, %dma_wait3A_371] : memref<8x3x8x129xf32, #tpu.memory_space<vmem>> -> memref<1x2x8x128xf32, #tpu.memory_space<vmem>>
    %dma_wait3A_373 = tpu.memref_squeeze %dma_wait3A_372 : memref<1x2x8x128xf32, #tpu.memory_space<vmem>> -> memref<2x8x128xf32, #tpu.memory_space<vmem>>
    tpu.wait_dma2 semaphore(%arg14 : memref<!tpu.dma_semaphore, #tpu.memory_space<semaphore_mem>>) src(%dma_wait3A_373 : memref<2x8x128xf32, #tpu.memory_space<vmem>>) dst(%dma_wait3A_368 : memref<2x8x128xf32, #tpu.memory_space<hbm>>)
    %mul3A_374 = arith.constant 8 : i32
    %mul3A_375 = arith.muli %select_n3A_217, %mul3A_374 : i32
    %add3A_376 = arith.constant 6 : i32
    %add3A_377 = arith.addi %mul3A_375, %add3A_376 : i32
    %dma_wait3A_378 = arith.constant 6 : i32
    %dma_wait3A_379 = arith.constant 0 : i32
    %dma_wait3A_380 = arith.constant 0 : i32
    %dma_wait3A_381 = arith.constant 0 : i32
    %dma_wait3A_382 = tpu.memref_slice %arg9[%dma_wait3A_378, %dma_wait3A_379, %dma_wait3A_380, %dma_wait3A_381] : memref<8x3x8x129xf32, #tpu.memory_space<vmem>> -> memref<1x2x8x128xf32, #tpu.memory_space<vmem>>
    %dma_wait3A_383 = tpu.memref_squeeze %dma_wait3A_382 : memref<1x2x8x128xf32, #tpu.memory_space<vmem>> -> memref<2x8x128xf32, #tpu.memory_space<vmem>>
    %dma_wait3A_384 = arith.constant 0 : i32
    %dma_wait3A_385 = arith.constant 0 : i32
    %dma_wait3A_386 = tpu.memref_slice %arg4[%add3A_377, %mul3A_235, %dma_wait3A_384, %dma_wait3A_385] : memref<1600x128x8x128xf32, #tpu.memory_space<hbm>> -> memref<1x2x8x128xf32, #tpu.memory_space<hbm>>
    %dma_wait3A_387 = tpu.memref_squeeze %dma_wait3A_386 : memref<1x2x8x128xf32, #tpu.memory_space<hbm>> -> memref<2x8x128xf32, #tpu.memory_space<hbm>>
    %dma_wait3A_388 = arith.constant 0 : i32
    %dma_wait3A_389 = arith.constant 0 : i32
    %dma_wait3A_390 = tpu.memref_slice %arg4[%add3A_377, %mul3A_235, %dma_wait3A_388, %dma_wait3A_389] : memref<1600x128x8x128xf32, #tpu.memory_space<hbm>> -> memref<1x2x8x128xf32, #tpu.memory_space<hbm>>
    %dma_wait3A_391 = tpu.memref_squeeze %dma_wait3A_390 : memref<1x2x8x128xf32, #tpu.memory_space<hbm>> -> memref<2x8x128xf32, #tpu.memory_space<hbm>>
    %dma_wait3A_392 = arith.constant 0 : i32
    %dma_wait3A_393 = arith.constant 0 : i32
    %dma_wait3A_394 = arith.constant 0 : i32
    %dma_wait3A_395 = tpu.memref_slice %arg9[%dma_wait3A_378, %dma_wait3A_392, %dma_wait3A_393, %dma_wait3A_394] : memref<8x3x8x129xf32, #tpu.memory_space<vmem>> -> memref<1x2x8x128xf32, #tpu.memory_space<vmem>>
    %dma_wait3A_396 = tpu.memref_squeeze %dma_wait3A_395 : memref<1x2x8x128xf32, #tpu.memory_space<vmem>> -> memref<2x8x128xf32, #tpu.memory_space<vmem>>
    tpu.wait_dma2 semaphore(%arg14 : memref<!tpu.dma_semaphore, #tpu.memory_space<semaphore_mem>>) src(%dma_wait3A_396 : memref<2x8x128xf32, #tpu.memory_space<vmem>>) dst(%dma_wait3A_391 : memref<2x8x128xf32, #tpu.memory_space<hbm>>)
    %mul3A_397 = arith.constant 8 : i32
    %mul3A_398 = arith.muli %select_n3A_217, %mul3A_397 : i32
    %add3A_399 = arith.constant 7 : i32
    %add3A_400 = arith.addi %mul3A_398, %add3A_399 : i32
    %dma_wait3A_401 = arith.constant 7 : i32
    %dma_wait3A_402 = arith.constant 0 : i32
    %dma_wait3A_403 = arith.constant 0 : i32
    %dma_wait3A_404 = arith.constant 0 : i32
    %dma_wait3A_405 = tpu.memref_slice %arg9[%dma_wait3A_401, %dma_wait3A_402, %dma_wait3A_403, %dma_wait3A_404] : memref<8x3x8x129xf32, #tpu.memory_space<vmem>> -> memref<1x2x8x128xf32, #tpu.memory_space<vmem>>
    %dma_wait3A_406 = tpu.memref_squeeze %dma_wait3A_405 : memref<1x2x8x128xf32, #tpu.memory_space<vmem>> -> memref<2x8x128xf32, #tpu.memory_space<vmem>>
    %dma_wait3A_407 = arith.constant 0 : i32
    %dma_wait3A_408 = arith.constant 0 : i32
    %dma_wait3A_409 = tpu.memref_slice %arg4[%add3A_400, %mul3A_235, %dma_wait3A_407, %dma_wait3A_408] : memref<1600x128x8x128xf32, #tpu.memory_space<hbm>> -> memref<1x2x8x128xf32, #tpu.memory_space<hbm>>
    %dma_wait3A_410 = tpu.memref_squeeze %dma_wait3A_409 : memref<1x2x8x128xf32, #tpu.memory_space<hbm>> -> memref<2x8x128xf32, #tpu.memory_space<hbm>>
    %dma_wait3A_411 = arith.constant 0 : i32
    %dma_wait3A_412 = arith.constant 0 : i32
    %dma_wait3A_413 = tpu.memref_slice %arg4[%add3A_400, %mul3A_235, %dma_wait3A_411, %dma_wait3A_412] : memref<1600x128x8x128xf32, #tpu.memory_space<hbm>> -> memref<1x2x8x128xf32, #tpu.memory_space<hbm>>
    %dma_wait3A_414 = tpu.memref_squeeze %dma_wait3A_413 : memref<1x2x8x128xf32, #tpu.memory_space<hbm>> -> memref<2x8x128xf32, #tpu.memory_space<hbm>>
    %dma_wait3A_415 = arith.constant 0 : i32
    %dma_wait3A_416 = arith.constant 0 : i32
    %dma_wait3A_417 = arith.constant 0 : i32
    %dma_wait3A_418 = tpu.memref_slice %arg9[%dma_wait3A_401, %dma_wait3A_415, %dma_wait3A_416, %dma_wait3A_417] : memref<8x3x8x129xf32, #tpu.memory_space<vmem>> -> memref<1x2x8x128xf32, #tpu.memory_space<vmem>>
    %dma_wait3A_419 = tpu.memref_squeeze %dma_wait3A_418 : memref<1x2x8x128xf32, #tpu.memory_space<vmem>> -> memref<2x8x128xf32, #tpu.memory_space<vmem>>
    tpu.wait_dma2 semaphore(%arg14 : memref<!tpu.dma_semaphore, #tpu.memory_space<semaphore_mem>>) src(%dma_wait3A_419 : memref<2x8x128xf32, #tpu.memory_space<vmem>>) dst(%dma_wait3A_414 : memref<2x8x128xf32, #tpu.memory_space<hbm>>)
    %add3A_420 = arith.constant 399 : i32
    %add3A_421 = arith.addi %mul3A_2, %add3A_420 : i32
    %jit3A_422 = arith.constant 64 : i32
    %div3A_423 = arith.divsi %add3A_421, %jit3A_422 : i32
    %sign3A_424 = arith.constant 0 : i32
    %sign3A_425 = arith.cmpi sgt, %add3A_421, %sign3A_424 : i32
    %sign3A_426 = arith.extui %sign3A_425 : i1 to i32
    %sign3A_427 = arith.constant 0 : i32
    %sign3A_428 = arith.cmpi slt, %add3A_421, %sign3A_427 : i32
    %sign3A_429 = arith.extui %sign3A_428 : i1 to i32
    %sign3A_430 = arith.subi %sign3A_426, %sign3A_429 : i32
    %sign3A_431 = arith.constant 0 : i32
    %sign3A_432 = arith.cmpi sgt, %jit3A_422, %sign3A_431 : i32
    %sign3A_433 = arith.extui %sign3A_432 : i1 to i32
    %sign3A_434 = arith.constant 0 : i32
    %sign3A_435 = arith.cmpi slt, %jit3A_422, %sign3A_434 : i32
    %sign3A_436 = arith.extui %sign3A_435 : i1 to i32
    %sign3A_437 = arith.subi %sign3A_433, %sign3A_436 : i32
    %ne3A_438 = arith.cmpi ne, %sign3A_430, %sign3A_437 : i32
    %rem3A_439 = arith.remsi %add3A_421, %jit3A_422 : i32
    %ne3A_440 = arith.constant 0 : i32
    %ne3A_441 = arith.cmpi ne, %rem3A_439, %ne3A_440 : i32
    %and3A_442 = arith.andi %ne3A_438, %ne3A_441 : i1
    %sub3A_443 = arith.constant 1 : i32
    %sub3A_444 = arith.subi %div3A_423, %sub3A_443 : i32
    %select_n3A_445 = arith.select %and3A_442, %sub3A_444, %div3A_423 : i32
    %jit3A_446 = arith.constant 64 : i32
    %eq3A_447 = arith.constant 0 : i32
    %eq3A_448 = arith.cmpi eq, %jit3A_446, %eq3A_447 : i32
    %jit3A_449 = arith.constant 1 : i32
    %select_n3A_450 = arith.select %eq3A_448, %jit3A_449, %jit3A_446 : i32
    %rem3A_451 = arith.remsi %add3A_421, %select_n3A_450 : i32
    %ne3A_452 = arith.constant 0 : i32
    %ne3A_453 = arith.cmpi ne, %rem3A_451, %ne3A_452 : i32
    %lt3A_454 = arith.constant 0 : i32
    %lt3A_455 = arith.cmpi slt, %rem3A_451, %lt3A_454 : i32
    %lt3A_456 = arith.constant 0 : i32
    %lt3A_457 = arith.cmpi slt, %select_n3A_450, %lt3A_456 : i32
    %ne3A_458 = arith.xori %lt3A_455, %lt3A_457 : i1
    %and3A_459 = arith.andi %ne3A_458, %ne3A_453 : i1
    %add3A_460 = arith.addi %rem3A_451, %select_n3A_450 : i32
    %select_n3A_461 = arith.select %and3A_459, %add3A_460, %rem3A_451 : i32
    %mul3A_462 = arith.constant 2 : i32
    %mul3A_463 = arith.muli %select_n3A_461, %mul3A_462 : i32
    %mul3A_464 = arith.constant 8 : i32
    %mul3A_465 = arith.muli %select_n3A_445, %mul3A_464 : i32
    %add3A_466 = arith.constant 0 : i32
    %add3A_467 = arith.addi %mul3A_465, %add3A_466 : i32
    %dma_wait3A_468 = arith.constant 0 : i32
    %dma_wait3A_469 = arith.constant 0 : i32
    %dma_wait3A_470 = arith.constant 0 : i32
    %dma_wait3A_471 = arith.constant 0 : i32
    %dma_wait3A_472 = tpu.memref_slice %arg10[%dma_wait3A_468, %dma_wait3A_469, %dma_wait3A_470, %dma_wait3A_471] : memref<8x3x8x129xf32, #tpu.memory_space<vmem>> -> memref<1x2x8x128xf32, #tpu.memory_space<vmem>>
    %dma_wait3A_473 = tpu.memref_squeeze %dma_wait3A_472 : memref<1x2x8x128xf32, #tpu.memory_space<vmem>> -> memref<2x8x128xf32, #tpu.memory_space<vmem>>
    %dma_wait3A_474 = arith.constant 0 : i32
    %dma_wait3A_475 = arith.constant 0 : i32
    %dma_wait3A_476 = tpu.memref_slice %arg4[%add3A_467, %mul3A_463, %dma_wait3A_474, %dma_wait3A_475] : memref<1600x128x8x128xf32, #tpu.memory_space<hbm>> -> memref<1x2x8x128xf32, #tpu.memory_space<hbm>>
    %dma_wait3A_477 = tpu.memref_squeeze %dma_wait3A_476 : memref<1x2x8x128xf32, #tpu.memory_space<hbm>> -> memref<2x8x128xf32, #tpu.memory_space<hbm>>
    %dma_wait3A_478 = arith.constant 0 : i32
    %dma_wait3A_479 = arith.constant 0 : i32
    %dma_wait3A_480 = tpu.memref_slice %arg4[%add3A_467, %mul3A_463, %dma_wait3A_478, %dma_wait3A_479] : memref<1600x128x8x128xf32, #tpu.memory_space<hbm>> -> memref<1x2x8x128xf32, #tpu.memory_space<hbm>>
    %dma_wait3A_481 = tpu.memref_squeeze %dma_wait3A_480 : memref<1x2x8x128xf32, #tpu.memory_space<hbm>> -> memref<2x8x128xf32, #tpu.memory_space<hbm>>
    %dma_wait3A_482 = arith.constant 0 : i32
    %dma_wait3A_483 = arith.constant 0 : i32
    %dma_wait3A_484 = arith.constant 0 : i32
    %dma_wait3A_485 = tpu.memref_slice %arg10[%dma_wait3A_468, %dma_wait3A_482, %dma_wait3A_483, %dma_wait3A_484] : memref<8x3x8x129xf32, #tpu.memory_space<vmem>> -> memref<1x2x8x128xf32, #tpu.memory_space<vmem>>
    %dma_wait3A_486 = tpu.memref_squeeze %dma_wait3A_485 : memref<1x2x8x128xf32, #tpu.memory_space<vmem>> -> memref<2x8x128xf32, #tpu.memory_space<vmem>>
    tpu.wait_dma2 semaphore(%arg15 : memref<!tpu.dma_semaphore, #tpu.memory_space<semaphore_mem>>) src(%dma_wait3A_486 : memref<2x8x128xf32, #tpu.memory_space<vmem>>) dst(%dma_wait3A_481 : memref<2x8x128xf32, #tpu.memory_space<hbm>>)
    %mul3A_487 = arith.constant 8 : i32
    %mul3A_488 = arith.muli %select_n3A_445, %mul3A_487 : i32
    %add3A_489 = arith.constant 1 : i32
    %add3A_490 = arith.addi %mul3A_488, %add3A_489 : i32
    %dma_wait3A_491 = arith.constant 1 : i32
    %dma_wait3A_492 = arith.constant 0 : i32
    %dma_wait3A_493 = arith.constant 0 : i32
    %dma_wait3A_494 = arith.constant 0 : i32
    %dma_wait3A_495 = tpu.memref_slice %arg10[%dma_wait3A_491, %dma_wait3A_492, %dma_wait3A_493, %dma_wait3A_494] : memref<8x3x8x129xf32, #tpu.memory_space<vmem>> -> memref<1x2x8x128xf32, #tpu.memory_space<vmem>>
    %dma_wait3A_496 = tpu.memref_squeeze %dma_wait3A_495 : memref<1x2x8x128xf32, #tpu.memory_space<vmem>> -> memref<2x8x128xf32, #tpu.memory_space<vmem>>
    %dma_wait3A_497 = arith.constant 0 : i32
    %dma_wait3A_498 = arith.constant 0 : i32
    %dma_wait3A_499 = tpu.memref_slice %arg4[%add3A_490, %mul3A_463, %dma_wait3A_497, %dma_wait3A_498] : memref<1600x128x8x128xf32, #tpu.memory_space<hbm>> -> memref<1x2x8x128xf32, #tpu.memory_space<hbm>>
    %dma_wait3A_500 = tpu.memref_squeeze %dma_wait3A_499 : memref<1x2x8x128xf32, #tpu.memory_space<hbm>> -> memref<2x8x128xf32, #tpu.memory_space<hbm>>
    %dma_wait3A_501 = arith.constant 0 : i32
    %dma_wait3A_502 = arith.constant 0 : i32
    %dma_wait3A_503 = tpu.memref_slice %arg4[%add3A_490, %mul3A_463, %dma_wait3A_501, %dma_wait3A_502] : memref<1600x128x8x128xf32, #tpu.memory_space<hbm>> -> memref<1x2x8x128xf32, #tpu.memory_space<hbm>>
    %dma_wait3A_504 = tpu.memref_squeeze %dma_wait3A_503 : memref<1x2x8x128xf32, #tpu.memory_space<hbm>> -> memref<2x8x128xf32, #tpu.memory_space<hbm>>
    %dma_wait3A_505 = arith.constant 0 : i32
    %dma_wait3A_506 = arith.constant 0 : i32
    %dma_wait3A_507 = arith.constant 0 : i32
    %dma_wait3A_508 = tpu.memref_slice %arg10[%dma_wait3A_491, %dma_wait3A_505, %dma_wait3A_506, %dma_wait3A_507] : memref<8x3x8x129xf32, #tpu.memory_space<vmem>> -> memref<1x2x8x128xf32, #tpu.memory_space<vmem>>
    %dma_wait3A_509 = tpu.memref_squeeze %dma_wait3A_508 : memref<1x2x8x128xf32, #tpu.memory_space<vmem>> -> memref<2x8x128xf32, #tpu.memory_space<vmem>>
    tpu.wait_dma2 semaphore(%arg15 : memref<!tpu.dma_semaphore, #tpu.memory_space<semaphore_mem>>) src(%dma_wait3A_509 : memref<2x8x128xf32, #tpu.memory_space<vmem>>) dst(%dma_wait3A_504 : memref<2x8x128xf32, #tpu.memory_space<hbm>>)
    %mul3A_510 = arith.constant 8 : i32
    %mul3A_511 = arith.muli %select_n3A_445, %mul3A_510 : i32
    %add3A_512 = arith.constant 2 : i32
    %add3A_513 = arith.addi %mul3A_511, %add3A_512 : i32
    %dma_wait3A_514 = arith.constant 2 : i32
    %dma_wait3A_515 = arith.constant 0 : i32
    %dma_wait3A_516 = arith.constant 0 : i32
    %dma_wait3A_517 = arith.constant 0 : i32
    %dma_wait3A_518 = tpu.memref_slice %arg10[%dma_wait3A_514, %dma_wait3A_515, %dma_wait3A_516, %dma_wait3A_517] : memref<8x3x8x129xf32, #tpu.memory_space<vmem>> -> memref<1x2x8x128xf32, #tpu.memory_space<vmem>>
    %dma_wait3A_519 = tpu.memref_squeeze %dma_wait3A_518 : memref<1x2x8x128xf32, #tpu.memory_space<vmem>> -> memref<2x8x128xf32, #tpu.memory_space<vmem>>
    %dma_wait3A_520 = arith.constant 0 : i32
    %dma_wait3A_521 = arith.constant 0 : i32
    %dma_wait3A_522 = tpu.memref_slice %arg4[%add3A_513, %mul3A_463, %dma_wait3A_520, %dma_wait3A_521] : memref<1600x128x8x128xf32, #tpu.memory_space<hbm>> -> memref<1x2x8x128xf32, #tpu.memory_space<hbm>>
    %dma_wait3A_523 = tpu.memref_squeeze %dma_wait3A_522 : memref<1x2x8x128xf32, #tpu.memory_space<hbm>> -> memref<2x8x128xf32, #tpu.memory_space<hbm>>
    %dma_wait3A_524 = arith.constant 0 : i32
    %dma_wait3A_525 = arith.constant 0 : i32
    %dma_wait3A_526 = tpu.memref_slice %arg4[%add3A_513, %mul3A_463, %dma_wait3A_524, %dma_wait3A_525] : memref<1600x128x8x128xf32, #tpu.memory_space<hbm>> -> memref<1x2x8x128xf32, #tpu.memory_space<hbm>>
    %dma_wait3A_527 = tpu.memref_squeeze %dma_wait3A_526 : memref<1x2x8x128xf32, #tpu.memory_space<hbm>> -> memref<2x8x128xf32, #tpu.memory_space<hbm>>
    %dma_wait3A_528 = arith.constant 0 : i32
    %dma_wait3A_529 = arith.constant 0 : i32
    %dma_wait3A_530 = arith.constant 0 : i32
    %dma_wait3A_531 = tpu.memref_slice %arg10[%dma_wait3A_514, %dma_wait3A_528, %dma_wait3A_529, %dma_wait3A_530] : memref<8x3x8x129xf32, #tpu.memory_space<vmem>> -> memref<1x2x8x128xf32, #tpu.memory_space<vmem>>
    %dma_wait3A_532 = tpu.memref_squeeze %dma_wait3A_531 : memref<1x2x8x128xf32, #tpu.memory_space<vmem>> -> memref<2x8x128xf32, #tpu.memory_space<vmem>>
    tpu.wait_dma2 semaphore(%arg15 : memref<!tpu.dma_semaphore, #tpu.memory_space<semaphore_mem>>) src(%dma_wait3A_532 : memref<2x8x128xf32, #tpu.memory_space<vmem>>) dst(%dma_wait3A_527 : memref<2x8x128xf32, #tpu.memory_space<hbm>>)
    %mul3A_533 = arith.constant 8 : i32
    %mul3A_534 = arith.muli %select_n3A_445, %mul3A_533 : i32
    %add3A_535 = arith.constant 3 : i32
    %add3A_536 = arith.addi %mul3A_534, %add3A_535 : i32
    %dma_wait3A_537 = arith.constant 3 : i32
    %dma_wait3A_538 = arith.constant 0 : i32
    %dma_wait3A_539 = arith.constant 0 : i32
    %dma_wait3A_540 = arith.constant 0 : i32
    %dma_wait3A_541 = tpu.memref_slice %arg10[%dma_wait3A_537, %dma_wait3A_538, %dma_wait3A_539, %dma_wait3A_540] : memref<8x3x8x129xf32, #tpu.memory_space<vmem>> -> memref<1x2x8x128xf32, #tpu.memory_space<vmem>>
    %dma_wait3A_542 = tpu.memref_squeeze %dma_wait3A_541 : memref<1x2x8x128xf32, #tpu.memory_space<vmem>> -> memref<2x8x128xf32, #tpu.memory_space<vmem>>
    %dma_wait3A_543 = arith.constant 0 : i32
    %dma_wait3A_544 = arith.constant 0 : i32
    %dma_wait3A_545 = tpu.memref_slice %arg4[%add3A_536, %mul3A_463, %dma_wait3A_543, %dma_wait3A_544] : memref<1600x128x8x128xf32, #tpu.memory_space<hbm>> -> memref<1x2x8x128xf32, #tpu.memory_space<hbm>>
    %dma_wait3A_546 = tpu.memref_squeeze %dma_wait3A_545 : memref<1x2x8x128xf32, #tpu.memory_space<hbm>> -> memref<2x8x128xf32, #tpu.memory_space<hbm>>
    %dma_wait3A_547 = arith.constant 0 : i32
    %dma_wait3A_548 = arith.constant 0 : i32
    %dma_wait3A_549 = tpu.memref_slice %arg4[%add3A_536, %mul3A_463, %dma_wait3A_547, %dma_wait3A_548] : memref<1600x128x8x128xf32, #tpu.memory_space<hbm>> -> memref<1x2x8x128xf32, #tpu.memory_space<hbm>>
    %dma_wait3A_550 = tpu.memref_squeeze %dma_wait3A_549 : memref<1x2x8x128xf32, #tpu.memory_space<hbm>> -> memref<2x8x128xf32, #tpu.memory_space<hbm>>
    %dma_wait3A_551 = arith.constant 0 : i32
    %dma_wait3A_552 = arith.constant 0 : i32
    %dma_wait3A_553 = arith.constant 0 : i32
    %dma_wait3A_554 = tpu.memref_slice %arg10[%dma_wait3A_537, %dma_wait3A_551, %dma_wait3A_552, %dma_wait3A_553] : memref<8x3x8x129xf32, #tpu.memory_space<vmem>> -> memref<1x2x8x128xf32, #tpu.memory_space<vmem>>
    %dma_wait3A_555 = tpu.memref_squeeze %dma_wait3A_554 : memref<1x2x8x128xf32, #tpu.memory_space<vmem>> -> memref<2x8x128xf32, #tpu.memory_space<vmem>>
    tpu.wait_dma2 semaphore(%arg15 : memref<!tpu.dma_semaphore, #tpu.memory_space<semaphore_mem>>) src(%dma_wait3A_555 : memref<2x8x128xf32, #tpu.memory_space<vmem>>) dst(%dma_wait3A_550 : memref<2x8x128xf32, #tpu.memory_space<hbm>>)
    %mul3A_556 = arith.constant 8 : i32
    %mul3A_557 = arith.muli %select_n3A_445, %mul3A_556 : i32
    %add3A_558 = arith.constant 4 : i32
    %add3A_559 = arith.addi %mul3A_557, %add3A_558 : i32
    %dma_wait3A_560 = arith.constant 4 : i32
    %dma_wait3A_561 = arith.constant 0 : i32
    %dma_wait3A_562 = arith.constant 0 : i32
    %dma_wait3A_563 = arith.constant 0 : i32
    %dma_wait3A_564 = tpu.memref_slice %arg10[%dma_wait3A_560, %dma_wait3A_561, %dma_wait3A_562, %dma_wait3A_563] : memref<8x3x8x129xf32, #tpu.memory_space<vmem>> -> memref<1x2x8x128xf32, #tpu.memory_space<vmem>>
    %dma_wait3A_565 = tpu.memref_squeeze %dma_wait3A_564 : memref<1x2x8x128xf32, #tpu.memory_space<vmem>> -> memref<2x8x128xf32, #tpu.memory_space<vmem>>
    %dma_wait3A_566 = arith.constant 0 : i32
    %dma_wait3A_567 = arith.constant 0 : i32
    %dma_wait3A_568 = tpu.memref_slice %arg4[%add3A_559, %mul3A_463, %dma_wait3A_566, %dma_wait3A_567] : memref<1600x128x8x128xf32, #tpu.memory_space<hbm>> -> memref<1x2x8x128xf32, #tpu.memory_space<hbm>>
    %dma_wait3A_569 = tpu.memref_squeeze %dma_wait3A_568 : memref<1x2x8x128xf32, #tpu.memory_space<hbm>> -> memref<2x8x128xf32, #tpu.memory_space<hbm>>
    %dma_wait3A_570 = arith.constant 0 : i32
    %dma_wait3A_571 = arith.constant 0 : i32
    %dma_wait3A_572 = tpu.memref_slice %arg4[%add3A_559, %mul3A_463, %dma_wait3A_570, %dma_wait3A_571] : memref<1600x128x8x128xf32, #tpu.memory_space<hbm>> -> memref<1x2x8x128xf32, #tpu.memory_space<hbm>>
    %dma_wait3A_573 = tpu.memref_squeeze %dma_wait3A_572 : memref<1x2x8x128xf32, #tpu.memory_space<hbm>> -> memref<2x8x128xf32, #tpu.memory_space<hbm>>
    %dma_wait3A_574 = arith.constant 0 : i32
    %dma_wait3A_575 = arith.constant 0 : i32
    %dma_wait3A_576 = arith.constant 0 : i32
    %dma_wait3A_577 = tpu.memref_slice %arg10[%dma_wait3A_560, %dma_wait3A_574, %dma_wait3A_575, %dma_wait3A_576] : memref<8x3x8x129xf32, #tpu.memory_space<vmem>> -> memref<1x2x8x128xf32, #tpu.memory_space<vmem>>
    %dma_wait3A_578 = tpu.memref_squeeze %dma_wait3A_577 : memref<1x2x8x128xf32, #tpu.memory_space<vmem>> -> memref<2x8x128xf32, #tpu.memory_space<vmem>>
    tpu.wait_dma2 semaphore(%arg15 : memref<!tpu.dma_semaphore, #tpu.memory_space<semaphore_mem>>) src(%dma_wait3A_578 : memref<2x8x128xf32, #tpu.memory_space<vmem>>) dst(%dma_wait3A_573 : memref<2x8x128xf32, #tpu.memory_space<hbm>>)
    %mul3A_579 = arith.constant 8 : i32
    %mul3A_580 = arith.muli %select_n3A_445, %mul3A_579 : i32
    %add3A_581 = arith.constant 5 : i32
    %add3A_582 = arith.addi %mul3A_580, %add3A_581 : i32
    %dma_wait3A_583 = arith.constant 5 : i32
    %dma_wait3A_584 = arith.constant 0 : i32
    %dma_wait3A_585 = arith.constant 0 : i32
    %dma_wait3A_586 = arith.constant 0 : i32
    %dma_wait3A_587 = tpu.memref_slice %arg10[%dma_wait3A_583, %dma_wait3A_584, %dma_wait3A_585, %dma_wait3A_586] : memref<8x3x8x129xf32, #tpu.memory_space<vmem>> -> memref<1x2x8x128xf32, #tpu.memory_space<vmem>>
    %dma_wait3A_588 = tpu.memref_squeeze %dma_wait3A_587 : memref<1x2x8x128xf32, #tpu.memory_space<vmem>> -> memref<2x8x128xf32, #tpu.memory_space<vmem>>
    %dma_wait3A_589 = arith.constant 0 : i32
    %dma_wait3A_590 = arith.constant 0 : i32
    %dma_wait3A_591 = tpu.memref_slice %arg4[%add3A_582, %mul3A_463, %dma_wait3A_589, %dma_wait3A_590] : memref<1600x128x8x128xf32, #tpu.memory_space<hbm>> -> memref<1x2x8x128xf32, #tpu.memory_space<hbm>>
    %dma_wait3A_592 = tpu.memref_squeeze %dma_wait3A_591 : memref<1x2x8x128xf32, #tpu.memory_space<hbm>> -> memref<2x8x128xf32, #tpu.memory_space<hbm>>
    %dma_wait3A_593 = arith.constant 0 : i32
    %dma_wait3A_594 = arith.constant 0 : i32
    %dma_wait3A_595 = tpu.memref_slice %arg4[%add3A_582, %mul3A_463, %dma_wait3A_593, %dma_wait3A_594] : memref<1600x128x8x128xf32, #tpu.memory_space<hbm>> -> memref<1x2x8x128xf32, #tpu.memory_space<hbm>>
    %dma_wait3A_596 = tpu.memref_squeeze %dma_wait3A_595 : memref<1x2x8x128xf32, #tpu.memory_space<hbm>> -> memref<2x8x128xf32, #tpu.memory_space<hbm>>
    %dma_wait3A_597 = arith.constant 0 : i32
    %dma_wait3A_598 = arith.constant 0 : i32
    %dma_wait3A_599 = arith.constant 0 : i32
    %dma_wait3A_600 = tpu.memref_slice %arg10[%dma_wait3A_583, %dma_wait3A_597, %dma_wait3A_598, %dma_wait3A_599] : memref<8x3x8x129xf32, #tpu.memory_space<vmem>> -> memref<1x2x8x128xf32, #tpu.memory_space<vmem>>
    %dma_wait3A_601 = tpu.memref_squeeze %dma_wait3A_600 : memref<1x2x8x128xf32, #tpu.memory_space<vmem>> -> memref<2x8x128xf32, #tpu.memory_space<vmem>>
    tpu.wait_dma2 semaphore(%arg15 : memref<!tpu.dma_semaphore, #tpu.memory_space<semaphore_mem>>) src(%dma_wait3A_601 : memref<2x8x128xf32, #tpu.memory_space<vmem>>) dst(%dma_wait3A_596 : memref<2x8x128xf32, #tpu.memory_space<hbm>>)
    %mul3A_602 = arith.constant 8 : i32
    %mul3A_603 = arith.muli %select_n3A_445, %mul3A_602 : i32
    %add3A_604 = arith.constant 6 : i32
    %add3A_605 = arith.addi %mul3A_603, %add3A_604 : i32
    %dma_wait3A_606 = arith.constant 6 : i32
    %dma_wait3A_607 = arith.constant 0 : i32
    %dma_wait3A_608 = arith.constant 0 : i32
    %dma_wait3A_609 = arith.constant 0 : i32
    %dma_wait3A_610 = tpu.memref_slice %arg10[%dma_wait3A_606, %dma_wait3A_607, %dma_wait3A_608, %dma_wait3A_609] : memref<8x3x8x129xf32, #tpu.memory_space<vmem>> -> memref<1x2x8x128xf32, #tpu.memory_space<vmem>>
    %dma_wait3A_611 = tpu.memref_squeeze %dma_wait3A_610 : memref<1x2x8x128xf32, #tpu.memory_space<vmem>> -> memref<2x8x128xf32, #tpu.memory_space<vmem>>
    %dma_wait3A_612 = arith.constant 0 : i32
    %dma_wait3A_613 = arith.constant 0 : i32
    %dma_wait3A_614 = tpu.memref_slice %arg4[%add3A_605, %mul3A_463, %dma_wait3A_612, %dma_wait3A_613] : memref<1600x128x8x128xf32, #tpu.memory_space<hbm>> -> memref<1x2x8x128xf32, #tpu.memory_space<hbm>>
    %dma_wait3A_615 = tpu.memref_squeeze %dma_wait3A_614 : memref<1x2x8x128xf32, #tpu.memory_space<hbm>> -> memref<2x8x128xf32, #tpu.memory_space<hbm>>
    %dma_wait3A_616 = arith.constant 0 : i32
    %dma_wait3A_617 = arith.constant 0 : i32
    %dma_wait3A_618 = tpu.memref_slice %arg4[%add3A_605, %mul3A_463, %dma_wait3A_616, %dma_wait3A_617] : memref<1600x128x8x128xf32, #tpu.memory_space<hbm>> -> memref<1x2x8x128xf32, #tpu.memory_space<hbm>>
    %dma_wait3A_619 = tpu.memref_squeeze %dma_wait3A_618 : memref<1x2x8x128xf32, #tpu.memory_space<hbm>> -> memref<2x8x128xf32, #tpu.memory_space<hbm>>
    %dma_wait3A_620 = arith.constant 0 : i32
    %dma_wait3A_621 = arith.constant 0 : i32
    %dma_wait3A_622 = arith.constant 0 : i32
    %dma_wait3A_623 = tpu.memref_slice %arg10[%dma_wait3A_606, %dma_wait3A_620, %dma_wait3A_621, %dma_wait3A_622] : memref<8x3x8x129xf32, #tpu.memory_space<vmem>> -> memref<1x2x8x128xf32, #tpu.memory_space<vmem>>
    %dma_wait3A_624 = tpu.memref_squeeze %dma_wait3A_623 : memref<1x2x8x128xf32, #tpu.memory_space<vmem>> -> memref<2x8x128xf32, #tpu.memory_space<vmem>>
    tpu.wait_dma2 semaphore(%arg15 : memref<!tpu.dma_semaphore, #tpu.memory_space<semaphore_mem>>) src(%dma_wait3A_624 : memref<2x8x128xf32, #tpu.memory_space<vmem>>) dst(%dma_wait3A_619 : memref<2x8x128xf32, #tpu.memory_space<hbm>>)
    %mul3A_625 = arith.constant 8 : i32
    %mul3A_626 = arith.muli %select_n3A_445, %mul3A_625 : i32
    %add3A_627 = arith.constant 7 : i32
    %add3A_628 = arith.addi %mul3A_626, %add3A_627 : i32
    %dma_wait3A_629 = arith.constant 7 : i32
    %dma_wait3A_630 = arith.constant 0 : i32
    %dma_wait3A_631 = arith.constant 0 : i32
    %dma_wait3A_632 = arith.constant 0 : i32
    %dma_wait3A_633 = tpu.memref_slice %arg10[%dma_wait3A_629, %dma_wait3A_630, %dma_wait3A_631, %dma_wait3A_632] : memref<8x3x8x129xf32, #tpu.memory_space<vmem>> -> memref<1x2x8x128xf32, #tpu.memory_space<vmem>>
    %dma_wait3A_634 = tpu.memref_squeeze %dma_wait3A_633 : memref<1x2x8x128xf32, #tpu.memory_space<vmem>> -> memref<2x8x128xf32, #tpu.memory_space<vmem>>
    %dma_wait3A_635 = arith.constant 0 : i32
    %dma_wait3A_636 = arith.constant 0 : i32
    %dma_wait3A_637 = tpu.memref_slice %arg4[%add3A_628, %mul3A_463, %dma_wait3A_635, %dma_wait3A_636] : memref<1600x128x8x128xf32, #tpu.memory_space<hbm>> -> memref<1x2x8x128xf32, #tpu.memory_space<hbm>>
    %dma_wait3A_638 = tpu.memref_squeeze %dma_wait3A_637 : memref<1x2x8x128xf32, #tpu.memory_space<hbm>> -> memref<2x8x128xf32, #tpu.memory_space<hbm>>
    %dma_wait3A_639 = arith.constant 0 : i32
    %dma_wait3A_640 = arith.constant 0 : i32
    %dma_wait3A_641 = tpu.memref_slice %arg4[%add3A_628, %mul3A_463, %dma_wait3A_639, %dma_wait3A_640] : memref<1600x128x8x128xf32, #tpu.memory_space<hbm>> -> memref<1x2x8x128xf32, #tpu.memory_space<hbm>>
    %dma_wait3A_642 = tpu.memref_squeeze %dma_wait3A_641 : memref<1x2x8x128xf32, #tpu.memory_space<hbm>> -> memref<2x8x128xf32, #tpu.memory_space<hbm>>
    %dma_wait3A_643 = arith.constant 0 : i32
    %dma_wait3A_644 = arith.constant 0 : i32
    %dma_wait3A_645 = arith.constant 0 : i32
    %dma_wait3A_646 = tpu.memref_slice %arg10[%dma_wait3A_629, %dma_wait3A_643, %dma_wait3A_644, %dma_wait3A_645] : memref<8x3x8x129xf32, #tpu.memory_space<vmem>> -> memref<1x2x8x128xf32, #tpu.memory_space<vmem>>
    %dma_wait3A_647 = tpu.memref_squeeze %dma_wait3A_646 : memref<1x2x8x128xf32, #tpu.memory_space<vmem>> -> memref<2x8x128xf32, #tpu.memory_space<vmem>>
    tpu.wait_dma2 semaphore(%arg15 : memref<!tpu.dma_semaphore, #tpu.memory_space<semaphore_mem>>) src(%dma_wait3A_647 : memref<2x8x128xf32, #tpu.memory_space<vmem>>) dst(%dma_wait3A_642 : memref<2x8x128xf32, #tpu.memory_space<hbm>>)
    return
  }
}

</mosaic_0001>

<sc_bundles>
// kernel: sc_embedding_lookup.3.cloned.1.call-start
scs
__scs_entry_jumppad:
0x0: {  	(pc) =	sbr.rel $0x88, $3  }
0x1: {  	(tag) =	ssettag $0x0;
	lr =	simm.s32 $0x1  }
0x2: {  	[smem:$0x3F9F] =	sst lr;
	_ =	strace $0xD0000000  }
0x3: {  	_ = 	snop  }
0x4: {  	_ = 	snop  }
0x5: {  	_ = 	snop  }
0x6: {  	_ = 	snop  }
0x7: {  	_ = 	snop  }
__scs_overlays_trampoline_lowered:
0x8: {  	[smem:$0x3FAE] =	sst s0  }
0x9: {  	[smem:$0x3FAF] =	sst s1  }
0xa: {  	[smem:$0x3FB0] =	sst s2  }
0xb: {  	[smem:$0x3FB1] =	sst s3  }
0xc: {  	[smem:$0x3FB2] =	sst s4  }
0xd: {  	[smem:$0x3FB3] =	sst s5  }
0xe: {  	[smem:$0x3FB4] =	sst s6  }
0xf: {  	[smem:$0x3FB5] =	sst s7  }
0x10: {  	[smem:$0x3FB6] =	sst s8  }
0x11: {  	[smem:$0x3FB7] =	sst s9;
	s0 =	simm.s32 @!p0 $0x0  }
0x12: {  	s1 =	sld [smem:$0x3F9D];
	s0 =	simm.s32 @p0 $0x1  }
0x13: {  	[smem:$0x3FB8] =	sst s0;
	s0 =	simm.s32 @!p1 $0x0  }
0x14: {  	s2 =	sld [smem:$0x3F9C];
	s0 =	simm.s32 @p1 $0x1  }
0x15: {  	[smem:$0x3FB9] =	sst s0;
	s0 =	simm.s32 @!p2 $0x0  }
0x16: {  	s3 =	sld [smem:$0x3FDB];
	s0 =	simm.s32 @p2 $0x1  }
0x17: {  	s4 =	simm.s32 $0x1BF5;
	[smem:$0x3FBB] =	sst s0  }
0x18: {  	s0 =	sld [smem:$0x3F9E];
	_ =	swait.ge [sflag:s4], $0x0  }
0x19: {  	s7 =	sld [smem:$0x3F9F]  }
0x1a: {  	s8 =	sadd.s32 $0xFFFFE003, lr  }
0x1b: {  	s9 =	sadd.s32 $0xFFFFFEF7, lr;
	s5 =	simm.s32 $0xFFFFFFFF;
	p2 =	slt.u32 s8, $0xFFFFF086  }
0x1c: {  	p1 =	slt.u32 s9, $0xF7A;
	s5 =	simm.s32 @!p2 $0x0  }
0x1d: {  	s5 =	simm.s32 @p1 $0x1;
	p0 =	seq.s32 s7, s2  }
0x1e: {  	s7 =	smul.u32 @!p0 $0xF7A, s2;
	p2 =	seq.s32 @!p0 s5, $0x0  }
0x1f: {  	s9 =	smul.u32 $0xF7A, s1;
	s8 =	simm.s32 @!p0 $0x1BF5;
	p2 =	por !p2, p0  }
0x20: {  	[sflag:s8] =	ssyncset.s32 @!p0 $0xFFFFF086;
	s6 =	sadd.s32 @!p0 s3, s7;
	s7 =	simm.s32 @!p0 $0x108  }
0x21: {  	s3 =	sadd.s32 s3, s9;
	s6 =	sadd.s32 @!p0 $0x88, s6;
	s7 =	simm.s32 @p2 $0x1082  }
0x22: {  	[simem:s7], [sflag:s8] =	dma.local @!p0 [hbm:s6], $0xF7A  }
0x23: {  	s9 =	sor.u32 $0xD0000000, s2;
	s6 =	simm.s32 $0x108;
	_ =	swait.ge @!p0 [sflag:s8], $0x0  }
0x24: {  	s3 =	sadd.s32 $0x88, s3;
	s6 =	simm.s32 @!p1 $0x1082;
	[sflag:s4] =	ssyncset.s32 $0xFFFFF086  }
0x25: {  	[simem:s6], [sflag:s4] =	dma.local [hbm:s3], $0xF7A  }
0x26: {  	[smem:$0x3F9F] =	sst s1;
	(tag) =	ssettag s2;
	_ =	strace s9  }
0x27: {  	s1 =	sld [smem:$0x3FAF]  }
0x28: {  	s2 =	sld [smem:$0x3FB0]  }
0x29: {  	s4 =	sld [smem:$0x3FB2]  }
0x2a: {  	p0 =	seq.s32 s5, $0x0;
	s5 =	sld [smem:$0x3FB3]  }
0x2b: {  	s6 =	sld [smem:$0x3FB4]  }
0x2c: {  	s7 =	sld [smem:$0x3FB5]  }
0x2d: {  	s3 =	simm.s32 $0x108;
	s8 =	sld [smem:$0x3FB6]  }
0x2e: {  	s3 =	simm.s32 @!p0 $0x1082;
	s9 =	sld [smem:$0x3FB7]  }
0x2f: {  	lr =	sadd.s32 s0, s3;
	s0 =	sld [smem:$0x3FAE]  }
0x30: {  	s3 =	sld [smem:$0x3FB1]  }
0x31: {  	[smem:$0x3FBA] =	sst s10  }
0x32: {  	s10 =	sld [smem:$0x3FB8];
	_ =	sdelay $0x3  }
0x33: {  	p0 =	seq.s32 s10, $0x1;
	s10 =	sld [smem:$0x3FBA];
	_ =	sdelay $0x3  }
0x34: {  	[smem:$0x3FBA] =	sst s10  }
0x35: {  	s10 =	sld [smem:$0x3FB9];
	_ =	sdelay $0x3  }
0x36: {  	p1 =	seq.s32 s10, $0x1;
	s10 =	sld [smem:$0x3FBA];
	_ =	sdelay $0x3  }
0x37: {  	[smem:$0x3FBA] =	sst s10  }
0x38: {  	s10 =	sld [smem:$0x3FBB]  }
0x39: {  	_ = 	snop;
	(pc) =	sbr.ind lr, $3  }
0x3a: {  	_ = 	snop  }
0x3b: {  	_ = 	snop  }
0x3c: {  	p2 =	seq.s32 s10, $0x1;
	s10 =	sld [smem:$0x3FBA]  }
0x3d: {  	_ =	shalt  }
0x3e: {  	_ =	shalt  }
0x3f: {  	_ =	shalt  }
0x40: {  	_ =	shalt  }
0x41: {  	_ =	shalt  }
0x42: {  	_ =	shalt  }
0x43: {  	_ =	shalt  }
0x44: {  	_ =	shalt  }
0x45: {  	_ =	shalt  }
0x46: {  	_ =	shalt  }
0x47: {  	_ =	shalt  }
0x48: {  	_ =	shalt  }
0x49: {  	_ =	shalt  }
0x4a: {  	_ =	shalt  }
0x4b: {  	_ =	shalt  }
0x4c: {  	_ =	shalt  }
0x4d: {  	_ =	shalt  }
0x4e: {  	_ =	shalt  }
0x4f: {  	_ =	shalt  }
0x50: {  	_ =	shalt  }
0x51: {  	_ =	shalt  }
0x52: {  	_ =	shalt  }
0x53: {  	_ =	shalt  }
0x54: {  	_ =	shalt  }
0x55: {  	_ =	shalt  }
0x56: {  	_ =	shalt  }
0x57: {  	_ =	shalt  }
0x58: {  	_ =	shalt  }
0x59: {  	_ =	shalt  }
0x5a: {  	_ =	shalt  }
0x5b: {  	_ =	shalt  }
0x5c: {  	_ =	shalt  }
0x5d: {  	_ =	shalt  }
0x5e: {  	_ =	shalt  }
0x5f: {  	_ =	shalt  }
0x60: {  	_ =	shalt  }
0x61: {  	_ =	shalt  }
0x62: {  	_ =	shalt  }
0x63: {  	_ =	shalt  }
0x64: {  	_ =	shalt  }
0x65: {  	_ =	shalt  }
0x66: {  	_ =	shalt  }
0x67: {  	_ =	shalt  }
0x68: {  	_ =	shalt  }
0x69: {  	_ =	shalt  }
0x6a: {  	_ =	shalt  }
0x6b: {  	_ =	shalt  }
0x6c: {  	_ =	shalt  }
0x6d: {  	_ =	shalt  }
0x6e: {  	_ =	shalt  }
0x6f: {  	_ =	shalt  }
0x70: {  	_ =	shalt  }
0x71: {  	_ =	shalt  }
0x72: {  	_ =	shalt  }
0x73: {  	_ =	shalt  }
0x74: {  	_ =	shalt  }
0x75: {  	_ =	shalt  }
0x76: {  	_ =	shalt  }
0x77: {  	_ =	shalt  }
0x78: {  	_ =	shalt  }
0x79: {  	_ =	shalt  }
0x7a: {  	_ =	shalt  }
0x7b: {  	_ =	shalt  }
0x7c: {  	_ =	shalt  }
0x7d: {  	_ =	shalt  }
0x7e: {  	_ =	shalt  }
0x7f: {  	_ =	shalt  }
0x80: {  	_ =	shalt  }
0x81: {  	_ =	shalt  }
0x82: {  	_ =	shalt  }
0x83: {  	_ =	shalt  }
0x84: {  	_ =	shalt  }
0x85: {  	_ =	shalt  }
0x86: {  	_ =	shalt  }
0x87: {  	_ =	shalt  }
.Lfunc_end0:
.L_simem_size_0:
called_computation_lowered:
.L_overlay_start_0:
0x88: {  	s2 =	sld [smem:$0x3FD9]  }
0x89: {  	s3 =	sld [smem:$0x3FFE];
	_ =	sdelay $0x1  }
0x8a: {  	s1 =	srdreg.scid  }
0x8b: {  	s0 =	sand.u32 $0x1, s1  }
0x8c: {  	s17 =	sshll.u32 s0, $0xA;
	s2 =	sadd.s32 s3, s2  }
0x8d: {  	s2 =	sadd.s32 s2, s17  }
0x8e: {  	[smem:$0x3FC6] =	sst s2  }
0x8f: {  	_ = 	snop  }
0x90: {  	s2 =	sld [smem:$0x3FD0];
	(tm) =	ssettm $0x1  }
0x91: {  	s18 =	sld [smem:$0x3FFB];
	_ =	sdelay $0x3  }
0x92: {  	_ =	strace s18  }
0x93: {  	s3 =	sld [smem:$0x3FFC];
	_ =	sdelay $0x3  }
0x94: {  	_ =	strace s3  }
0x95: {  	s3 =	sld [smem:$0x3FFD];
	_ =	sdelay $0x3  }
0x96: {  	_ =	strace s3  }
0x97: {  	_ =	strace $0x8FFFFFFF  }
0x98: {  	s19 =	sld [smem:$0x3FDB];
	_ =	sdelay $0x1  }
0x99: {  	s4 =	simm.s32 $_scs_section_size  }
0x9a: {  	s5 =	simm.s32 $_size__tile_overlayer_lowered;
	s6 =	simm.s32 $_tile_overlayer_lowered  }
0x9b: {  	s22 =	simm.s32 $0x1BFF;
	s21 =	sshll.u32 s6, $0x1;
	s3 =	sadd.s32 s4, s19  }
0x9c: {  	s7 =	simm.s32 $0x0;
	s20 =	sshll.u32 s5, $0x1;
	s5 =	sadd.s32 s21, s3  }
0x9d: {  	[timem:s7], [sflag:s22] =	dma.local [hbm:s5], s20  }
0x9e: {  	_ =	swait.ge [sflag:s22], s20  }
0x9f: {  	s4 =	ssub.s32 $0x0, s20;
	[sflag:s22] =	ssyncset.done $0x0  }
0xa0: {  	[sflag:s22] =	ssyncadd.s32 s4;
	_ =	sdelay $0x1  }
0xa1: {  	s23 =	simm.s32 $0x1B8B  }
0xa2: {  	_ =	swait.ge [sflag:s23], $0x1  }
0xa3: {  	[sflag:s23] =	ssyncset.done $0x0  }
0xa4: {  	s25 =	simm.s32 $0x1B8E;
	s24 =	sld [smem:$0x3FFE];
	[sflag:s23] =	ssyncadd.s32 $0xFFFFFFFF  }
0xa5: {  	s26 =	simm.s32 $execute0_lowered;
	[smem:$0x3FD2] =	sst s25  }
0xa6: {  	s5 =	sshll.u32 s26, $0x1;
	_ =	strace $0x80000046;
	[dreg:$0x1] =	wrdreg $0xFFFFFFFF  }
0xa7: {  	s28 =	simm.s32 $_size_execute0_lowered;
	s3 =	sadd.s32 s3, s5;
	[dreg:$0x0] =	wrdreg $0x0  }
0xa8: {  	s5 =	sshll.u32 s28, $0x1;
	[dreg:$0x2] =	wrdreg s3  }
0xa9: {  	[dreg:$0x3] =	wrdreg s5  }
0xaa: {  	[dreg:$0x4] =	wrdreg $0xC0  }
0xab: {  	_ =	task [dreg:s7], $0x5FFFF  }
0xac: {  	[dreg:$0x1] =	wrdreg $0xFFFFFFFF  }
0xad: {  	[dreg:$0x0] =	wrdreg $0x60  }
0xae: {  	[dreg:$0x2] =	wrdreg s24  }
0xaf: {  	[dreg:$0x3] =	wrdreg s2  }
0xb0: {  	[dreg:$0x4] =	wrdreg $0x9  }
0xb1: {  	_ =	task.clear_ibuf [dreg:s7], $0x5FFFF;
	_ =	strace $0x90000046  }
0xb2: {  	s29 =	simm.s32 $0x9;
	_ =	strace $0x80000048  }
0xb3: {  	_ =	swait.ge [sflag:s29], $0x1  }
0xb4: {  	[sflag:s29] =	ssyncadd.s32 $0xFFFFFFFF  }
0xb5: {  	_ =	strace $0x90000048  }
0xb6: {  	_ =	sfence  }
0xb7: {  	s30 =	sld [smem:$0x0];
	_ =	sdelay $0x2  }
0xb8: {  	s31 =	sshll.u32 s1, $0xD;
	s1 =	sshrl.u32 s1, $0x2  }
0xb9: {  	s3 =	sand.u32 $0x4000, s31;
	s1 =	sadd.s32 s1, s30  }
0xba: {  	s0 =	sor.u32 s3, s0;
	s1 =	sshll.u32 s1, $0x11  }
0xbb: {  	s0 =	sor.u32 s1, s0  }
0xbc: {  	s0 =	sadd.s32 $0x8F2B, s0  }
0xbd: {  	[sflag:s0] =	ssyncadd.remote.s32 $0x1  }
0xbe: {  	_ =	sfence.sel $0xFFFF  }
0xbf: {  	[dreg:$0x0] =	wrdreg $0xFFFFFFFF;
	(pc) =	sbr.abs _section_cstart, $3  }
0xc0: {  	[dreg:$0x1] =	wrdreg $0xFFFFFFFF  }
0xc1: {  	_ =	task.clear_ibuf [dreg:s7], $0x2FFFF;
	_ =	strace $0x9FFFFFFF  }
0xc2: {  	(tm) =	ssettm $0x7FFFFFFF  }
0xc3: {  	_ =	shalt  }
tec
execute0_lowered:
.L_overlay_start_1:
0x0: {  	(tag) =	ssettag $0x1  }
0x1: {  	v0 =	vimm.s32 $0x1078  }
0x2: {  	vm14 =	vcmask $0x300;
	vm13 =	vcmask $0x704;
	vm12 =	vcmask $0xB08  }
0x3: {  	vm11 =	vcmask $0xF0C;
	vm10 =	vcmask $0x1310;
	vm9 =	vcmask $0x1714  }
0x4: {  	vm8 =	vcmask $0x1B18;
	vm7 =	vcmask $0x1F1C;
	vm6 =	vcmask $0x2320  }
0x5: {  	vm5 =	vcmask $0x2724;
	vm4 =	vcmask $0x2B28;
	vm3 =	vcmask $0x2F2C  }
0x6: {  	vm2 =	vcmask $0x3330;
	vm1 =	vcmask $0x3734;
	vm0 =	vcmask $0x3B38  }
0x7: {  	v1 =	vimm.s32 $0x29F8;
	v2 =	vimm.s32 $0x4378;
	v3 =	vimm.s32 $0x5CF8  }
0x8: {  	v0 =	vsel vm14, $0x0, v0;
	v1 =	vsel vm14, $0x1980, v1;
	v2 =	vsel vm14, $0x3300, v2  }
0x9: {  	v3 =	vsel vm14, $0x4C80, v3;
	v0 =	vsel vm13, $0x88, v0;
	v1 =	vsel vm13, $0x1A08, v1  }
0xa: {  	v2 =	vsel vm13, $0x3388, v2;
	v3 =	vsel vm13, $0x4D08, v3;
	v0 =	vsel vm12, $0x110, v0  }
0xb: {  	v1 =	vsel vm12, $0x1A90, v1;
	v2 =	vsel vm12, $0x3410, v2;
	v3 =	vsel vm12, $0x4D90, v3  }
0xc: {  	s0 =	srdreg.scid;
	s6 =	rddreg [dreg:$0x0];
	v0 =	vsel vm11, $0x198, v0;
	v1 =	vsel vm11, $0x1B18, v1;
	v2 =	vsel vm11, $0x3498, v2  }
0xd: {  	s1 =	stileid.u32;
	s2 =	rddreg [dreg:$0x1];
	s3 =	simm.s32 $0x0;
	v3 =	vsel vm11, $0x4E18, v3;
	v0 =	vsel vm10, $0x220, v0;
	v1 =	vsel vm10, $0x1BA0, v1  }
0xe: {  	s25 =	simm.s32 $0x2;
	s26 =	simm.s32 $0x8200;
	s22 =	simm.s32 $0x3;
	v2 =	vsel vm10, $0x3520, v2;
	v3 =	vsel vm10, $0x4EA0, v3;
	v0 =	vsel vm9, $0x2A8, v0  }
0xf: {  	s23 =	simm.s32 $0xE800;
	s21 =	simm.s32 $0x14608;
	s15 =	simm.s32 $0x147A0;
	v1 =	vsel vm9, $0x1C28, v1;
	v2 =	vsel vm9, $0x35A8, v2;
	v3 =	vsel vm9, $0x4F28, v3  }
0x10: {  	s18 =	simm.s32 $0x14828;
	s17 =	simm.s32 $0x148B0;
	s19 =	simm.s32 $0x0;
	v0 =	vsel vm8, $0x330, v0;
	v1 =	vsel vm8, $0x1CB0, v1;
	v2 =	vsel vm8, $0x3630, v2  }
0x11: {  	s0 =	sand.u32 $0x1, s0;
	s1 =	sshll.u32 s1, $0x1;
	[smem:$0x7FF] =	sst s3;
	v3 =	vsel vm8, $0x4FB0, v3;
	v0 =	vsel vm7, $0x3B8, v0;
	v1 =	vsel vm7, $0x1D38, v1  }
0x12: {  	s8 =	sadd.s32 $0x4000, s2;
	s9 =	sadd.s32 $0x8000, s2;
	s1 =	sor.u32 s0, s1;
	v2 =	vsel vm7, $0x36B8, v2;
	v3 =	vsel vm7, $0x5038, v3;
	v0 =	vsel vm6, $0xCC0, v0  }
0x13: {  	s10 =	sadd.s32 $0xC000, s2;
	s11 =	sadd.s32 $0x10000, s2;
	s4 =	smul.u32 $0x19000, s1;
	v1 =	vsel vm6, $0x2640, v1;
	v2 =	vsel vm6, $0x3FC0, v2;
	v3 =	vsel vm6, $0x5940, v3  }
0x14: {  	s12 =	sadd.s32 $0x14000, s2;
	s13 =	sadd.s32 $0x18000, s2;
	s5 =	sshll.u32 s1, $0xC;
	v0 =	vsel vm5, $0xD48, v0;
	v1 =	vsel vm5, $0x26C8, v1;
	v2 =	vsel vm5, $0x4048, v2  }
0x15: {  	s0 =	ssub.s32 $0x2, s0;
	s5 =	sand.u32 $0x3000, s5;
	s4 =	sand.u32 $0x3FC000, s4;
	v3 =	vsel vm5, $0x59C8, v3;
	v0 =	vsel vm4, $0xDD0, v0;
	v1 =	vsel vm4, $0x2750, v1  }
0x16: {  	s14 =	sadd.s32 $0x1C000, s2;
	s29 =	sshrl.u32 s0, $0x1;
	s4 =	sor.u32 s5, s4;
	v2 =	vsel vm4, $0x40D0, v2;
	v3 =	vsel vm4, $0x5A50, v3;
	v0 =	vsel vm3, $0xE58, v0  }
0x17: {  	s16 =	sadd.s32 $0x440, s6;
	s0 =	ssub.s32 s0, s29;
	s4 =	sshrl.u32 s4, $0x3;
	v1 =	vsel vm3, $0x27D8, v1;
	v2 =	vsel vm3, $0x4158, v2;
	v3 =	vsel vm3, $0x5AD8, v3  }
0x18: {  	_ =	strace $0x80000047;
	s0 =	smax.u32 s0, $0x1;
	s7 =	sadd.s32 s4, s6;
	v0 =	vsel vm2, $0xEE0, v0;
	v1 =	vsel vm2, $0x2860, v1;
	v2 =	vsel vm2, $0x41E0, v2  }
0x19: {  	s5 =	smul.u32 $0x190, s1;
	[dreg:$0x5] =	wrdreg s0;
	s30 =	sadd.s32 $0x400, s7;
	v3 =	vsel vm2, $0x5B60, v3;
	v0 =	vsel vm1, $0xF68, v0;
	v1 =	vsel vm1, $0x28E8, v1  }
0x1a: {  	s4 =	sadd.s32 $0x64400, s6;
	s31 =	sadd.s32 $0x420, s7;
	[dreg:$0x3] =	wrdreg s30;
	v2 =	vsel vm1, $0x4268, v2;
	v3 =	vsel vm1, $0x5BE8, v3;
	v0 =	vsel vm0, $0xFF0, v0  }
0x1b: {  	s6 =	simm.s32 $0x14690;
	s7 =	simm.s32 $0x14718;
	[dreg:$0x4] =	wrdreg s31;
	v1 =	vsel vm0, $0x2970, v1;
	v2 =	vsel vm0, $0x42F0, v2;
	v3 =	vsel vm0, $0x5C70, v3  }
.LBB2_1:
0x1c: {  	[dreg:$0x6] =	wrdreg s19  }
0x1d: {  	s0 =	rddreg [dreg:$0x3];
	s1 =	simm.s32 $0x1  }
0x1e: {  	[tilespmem:s3], [sflag:$0x1] =	stream.linear.gather [hbm4b:s0+s3], $0x100, $0x38;
	[tilespmem:$0x14E00] =	vst v63  }
0x1f: {  	_ =	swait.ge [sflag:s1], $0x100  }
0x20: {  	[sflag:s1] =	ssyncset.done $0x0  }
0x21: {  	s19 =	simm.s32 $0x80;
	s31 =	simm.s32 $0x200;
	[sflag:s1] =	ssyncadd.s32 $0xFFFFFF00  }
0x22: {  	[tilespmem:s31], [sflag:$0x2] =	stream.indirect.gather [hbm4b:s4+s19], $0x40, s3, s19, $0xb8;
	[tilespmem:$0x14E00] =	vst v63  }
0x23: {  	s20 =	simm.s32 $0x2200  }
0x24: {  	[tilespmem:s20], [sflag:$0x2] =	stream.indirect.gather [hbm4b:s4+s19], $0x40, s19, s19, $0xb8;
	[tilespmem:$0x14E00] =	vst v63  }
0x25: {  	s24 =	rddreg [dreg:$0x4];
	s20 =	simm.s32 $0x100  }
0x26: {  	[tilespmem:s20], [sflag:$0x1] =	stream.linear.gather [hbm4b:s24+s3], $0x100, $0x38;
	[tilespmem:$0x14E00] =	vst v63  }
0x27: {  	_ =	swait.ge [sflag:s1], $0x100  }
0x28: {  	[sflag:s1] =	ssyncset.done $0x0  }
0x29: {  	s29 =	simm.s32 $0x4200;
	[sflag:s1] =	ssyncadd.s32 $0xFFFFFF00  }
0x2a: {  	[tilespmem:s29], [sflag:$0x3] =	stream.indirect.gather [hbm4b:s4+s19], $0x40, s20, s19, $0xb8;
	[tilespmem:$0x14E00] =	vst v63  }
0x2b: {  	s30 =	simm.s32 $0x180;
	s28 =	simm.s32 $0x0;
	s31 =	simm.s32 $0x6200  }
0x2c: {  	[tilespmem:s31], [sflag:$0x3] =	stream.indirect.gather [hbm4b:s4+s19], $0x40, s30, s19, $0xb8;
	[tilespmem:$0x14E00] =	vst v63  }
.LBB2_2:
0x2d: {  	_ =	swait.ge [sflag:s25], $0x2000  }
0x2e: {  	[sflag:s25] =	ssyncset.done $0x0  }
0x2f: {  	[sflag:s25] =	ssyncadd.s32 $0xFFFFE000  }
0x30: {  	_ =	swait.ge [sflag:s25], $0x2000  }
0x31: {  	p0 =	seq.s32 s28, $0x0;
	[sflag:s25] =	ssyncset.done $0x0  }
0x32: {  	s0 =	simm.s32 @!p0 $0x4;
	[sflag:s25] =	ssyncadd.s32 $0xFFFFE000  }
0x33: {  	_ =	swait.ge @!p0 [sflag:s0], $0x800  }
0x34: {  	[sflag:s0] =	ssyncset.done @!p0 $0x0  }
0x35: {  	[sflag:s0] =	ssyncadd.s32 @!p0 $0xFFFFF800  }
0x36: {  	_ =	swait.ge @!p0 [sflag:s0], $0x800  }
0x37: {  	[sflag:s0] =	ssyncset.done @!p0 $0x0  }
0x38: {  	[sflag:s0] =	ssyncadd.s32 @!p0 $0xFFFFF800  }
0x39: {  	_ =	swait.ge @!p0 [sflag:s0], $0x800  }
0x3a: {  	[sflag:s0] =	ssyncset.done @!p0 $0x0  }
0x3b: {  	[sflag:s0] =	ssyncadd.s32 @!p0 $0xFFFFF800  }
0x3c: {  	_ =	swait.ge @!p0 [sflag:s0], $0x800  }
0x3d: {  	[sflag:s0] =	ssyncset.done @!p0 $0x0  }
0x3e: {  	[sflag:s0] =	ssyncadd.s32 @!p0 $0xFFFFF800  }
0x3f: {  	_ =	swait.ge @!p0 [sflag:s0], $0x800  }
0x40: {  	[sflag:s0] =	ssyncset.done @!p0 $0x0  }
0x41: {  	[sflag:s0] =	ssyncadd.s32 @!p0 $0xFFFFF800  }
0x42: {  	_ =	swait.ge @!p0 [sflag:s0], $0x800  }
0x43: {  	[sflag:s0] =	ssyncset.done @!p0 $0x0  }
0x44: {  	[sflag:s0] =	ssyncadd.s32 @!p0 $0xFFFFF800  }
0x45: {  	s1 =	simm.s32 $0x0;
	_ =	swait.ge @!p0 [sflag:s0], $0x800  }
0x46: {  	v4 =	vmov s1;
	[sflag:s0] =	ssyncset.done @!p0 $0x0  }
0x47: {  	v4 =	vmul.u32 $0x440, v4;
	[sflag:s0] =	ssyncadd.s32 @!p0 $0xFFFFF800  }
0x48: {  	_ =	swait.ge @!p0 [sflag:s0], $0x800  }
0x49: {  	s19 =	simm.s32 $0x1;
	v11 =	vbroadcast v4, $0x0;
	[sflag:s0] =	ssyncset.done @!p0 $0x0  }
0x4a: {  	s1 =	simm.s32 $0x240;
	v4 =	vmov s19;
	[sflag:s0] =	ssyncadd.s32 @!p0 $0xFFFFF800  }
0x4b: {  	v13 =	vand.u32 $0x78, v4;
	v5 =	vadd.s32 v0, v11;
	v6 =	vld [tilespmem:s1+$0x0]  }
0x4c: {  	s24 =	simm.s32 $0x0;
	v14 =	vand.u32 $0x7, v4;
	v4 =	vadd.s32 v13, v5  }
0x4d: {  	v7 =	vmov s24;
	v4 =	vor.u32 v14, v4  }
0x4e: {  	v15 =	vand.u32 $0x78, v7;
	v8 =	vld [tilespmem:s1+$0xFFFFFFC0]  }
0x4f: {  	v16 =	vand.u32 $0x6, v7;
	v5 =	vadd.s32 v15, v5  }
0x50: {  	v5 =	vor.u32 v16, v5;
	v6 =	vmul.f32 $8.000000000e+00, v6;
	_ =	sdelay $0x1  }
0x51: {  	[tilespmem:v4+s26+$0x0] =	vst.idx.msk $0xffff, v6  }
0x52: {  	s19 =	simm.s32 $0x0;
	v7 =	vadd.s32 v1, v11;
	v4 =	vmul.f32 $8.000000000e+00, v8;
	v8 =	vld [tilespmem:s1+$0x10]  }
0x53: {  	v9 =	vadd.s32 v13, v7;
	v6 =	vmov s19  }
0x54: {  	s20 =	simm.s32 $0x2;
	v9 =	vor.u32 v14, v9;
	[tilespmem:v5+s26+$0x0] =	vst.idx.msk $0xffff, v4;
	v4 =	vmul.u32 $0x440, v6  }
0x55: {  	v10 =	vmov s20;
	s24 =	simm.s32 $0x3;
	v12 =	vld [tilespmem:s1+$0xFFFFFFD0]  }
0x56: {  	s30 =	simm.s32 $0x2C0;
	v18 =	vmov s24;
	v7 =	vadd.s32 v15, v7;
	v5 =	vbroadcast v4, $0x0  }
0x57: {  	v17 =	vor.u32 v16, v7;
	v7 =	vand.u32 $0x78, v18;
	v21 =	vld [tilespmem:s30+$0xFFFFFFC0];
	v20 =	vmul.f32 $8.000000000e+00, v8  }
0x58: {  	v19 =	vld [tilespmem:s30+$0x0];
	v6 =	vand.u32 $0x78, v10;
	v4 =	vand.u32 $0x6, v10;
	v10 =	vadd.s32 v0, v5  }
0x59: {  	v8 =	vand.u32 $0x7, v18;
	v22 =	vadd.s32 v6, v10;
	v10 =	vadd.s32 v7, v10;
	[tilespmem:v9+s26+$0x0] =	vst.idx.msk $0xffff, v20  }
0x5a: {  	v9 =	vor.u32 v8, v10;
	v10 =	vmul.f32 $8.000000000e+00, v12;
	v12 =	vadd.s32 v2, v11;
	v18 =	vld [tilespmem:s1+$0x20]  }
0x5b: {  	s20 =	simm.s32 $0x0;
	v20 =	vor.u32 v4, v22;
	v22 =	vadd.s32 v13, v12  }
0x5c: {  	v24 =	vmov s20;
	v21 =	vmul.f32 $8.000000000e+00, v21;
	[tilespmem:v17+s26+$0x0] =	vst.idx.msk $0xffff, v10;
	v17 =	vor.u32 v14, v22  }
0x5d: {  	s19 =	simm.s32 $0x4;
	v25 =	vadd.s32 v1, v5;
	v10 =	vadd.s32 v15, v12;
	v12 =	vmul.f32 $8.000000000e+00, v19;
	v19 =	vld [tilespmem:s1+$0xFFFFFFE0]  }
0x5e: {  	v23 =	vmov s19;
	v60 =	vadd.s32 v6, v25;
	v22 =	vor.u32 v16, v10  }
0x5f: {  	v10 =	vand.u32 $0x78, v23;
	[tilespmem:v9+s26+$0x0] =	vst.idx.msk $0xffff, v12;
	v12 =	vmul.f32 $8.000000000e+00, v18;
	v18 =	vmul.u32 $0x440, v24  }
0x60: {  	s24 =	simm.s32 $0x5;
	v9 =	vand.u32 $0x6, v23;
	[tilespmem:v20+s26+$0x0] =	vst.idx.msk $0xffff, v21;
	v21 =	vadd.s32 v7, v25;
	v23 =	vor.u32 v4, v60;
	v20 =	vld [tilespmem:s30+$0x10]  }
0x61: {  	v61 =	vld [tilespmem:s30+$0xFFFFFFD0];
	v21 =	vor.u32 v8, v21;
	[tilespmem:v17+s26+$0x0] =	vst.idx.msk $0xffff, v12;
	v12 =	vbroadcast v18, $0x0;
	v17 =	vmov s24  }
0x62: {  	v18 =	vmul.f32 $8.000000000e+00, v19;
	v19 =	vadd.s32 v3, v11;
	v11 =	vand.u32 $0x78, v17  }
0x63: {  	v15 =	vadd.s32 v15, v19;
	v13 =	vadd.s32 v13, v19;
	v19 =	vadd.s32 v0, v12  }
0x64: {  	s0 =	simm.s32 $0x340;
	v62 =	vld [tilespmem:s1+$0x30];
	v14 =	vor.u32 v14, v13;
	v13 =	vand.u32 $0x7, v17;
	v17 =	vadd.s32 v11, v19  }
0x65: {  	v26 =	vld [tilespmem:s0+$0x0];
	v20 =	vmul.f32 $8.000000000e+00, v20;
	v19 =	vadd.s32 v10, v19;
	v27 =	vor.u32 v13, v17  }
0x66: {  	[tilespmem:v22+s26+$0x0] =	vst.idx.msk $0xffff, v18;
	v18 =	vld [tilespmem:s0+$0xFFFFFFC0];
	v22 =	vor.u32 v9, v19;
	v17 =	vmul.f32 $8.000000000e+00, v61;
	v19 =	vadd.s32 v2, v5  }
0x67: {  	v28 =	vld [tilespmem:s1+$0xFFFFFFF0];
	[tilespmem:v21+s26+$0x0] =	vst.idx.msk $0xffff, v20;
	v20 =	vadd.s32 v6, v19  }
0x68: {  	[tilespmem:v23+s26+$0x0] =	vst.idx.msk $0xffff, v17;
	v17 =	vor.u32 v4, v20;
	v20 =	vld [tilespmem:s30+$0x20]  }
0x69: {  	v16 =	vor.u32 v16, v15;
	v19 =	vadd.s32 v7, v19;
	v15 =	vmul.f32 $8.000000000e+00, v62  }
0x6a: {  	s29 =	sshll.u32 s28, $0x1;
	v63 =	vmul.f32 $8.000000000e+00, v26;
	s19 =	simm.s32 $0x6;
	v19 =	vor.u32 v8, v19;
	v21 =	vld [tilespmem:s30+$0xFFFFFFE0]  }
0x6b: {  	s31 =	sadd.s32 s5, s29;
	v23 =	vmul.f32 $8.000000000e+00, v18;
	[tilespmem:v14+s26+$0x0] =	vst.idx.msk $0xffff, v15;
	v14 =	vmov s19  }
0x6c: {  	s20 =	simm.s32 $0x8;
	s24 =	simm.s32 $0x0;
	s1 =	simm.s32 $0x340;
	v18 =	vmul.f32 $8.000000000e+00, v28;
	v15 =	vand.u32 $0x78, v14;
	v14 =	vand.u32 $0x6, v14;
	[tilespmem:v27+s26+$0x0] =	vst.idx.msk $0xffff, v63  }
.LBB2_3:
0x6d: {  	p1 =	slt.u32 s20, $0xFE;
	v24 =	vmov s24;
	[tilespmem:v22+s26+$0x0] =	vst.idx.msk $0xffff, v23;
	v22 =	vadd.s32 v1, v12;
	v23 =	vld [tilespmem:s0+$0x10];
	v20 =	vmul.f32 $8.000000000e+00, v20  }
0x6e: {  	v24 =	vmul.u32 $0x440, v24;
	v25 =	vld [tilespmem:s0+$0xFFFFFFD0];
	v26 =	vadd.s32 v10, v22;
	v22 =	vadd.s32 v11, v22;
	[tilespmem:v16+s26+$0x0] =	vst.idx.msk $0xffff, v18  }
0x6f: {  	s24 =	sadd.s32 $0x1, s19;
	s19 =	smov.u32 s20;
	v18 =	vor.u32 v9, v26;
	v16 =	vor.u32 v13, v22;
	v21 =	vmul.f32 $8.000000000e+00, v21;
	[tilespmem:v19+s26+$0x0] =	vst.idx.msk $0xffff, v20  }
0x70: {  	v19 =	vmov s24;
	v20 =	vadd.s32 v3, v5;
	v5 =	vmovc v12;
	v26 =	vld [tilespmem:s30+$0x30];
	v12 =	vbroadcast v24, $0x0  }
0x71: {  	s0 =	sadd.s32 $0x80, s0;
	v22 =	vand.u32 $0x78, v19;
	v28 =	vadd.s32 v7, v20;
	[tilespmem:v17+s26+$0x0] =	vst.idx.msk $0xffff, v21;
	v17 =	vadd.s32 v6, v20  }
0x72: {  	v7 =	vmovc v11;
	v24 =	vor.u32 v8, v28;
	v11 =	vmovc v22;
	v20 =	vadd.s32 v0, v12;
	v21 =	vld [tilespmem:s0+$0x0];
	v23 =	vmul.f32 $8.000000000e+00, v23  }
0x73: {  	v8 =	vmovc v13;
	v13 =	vand.u32 $0x7, v19;
	v6 =	vmovc v10;
	v27 =	vld [tilespmem:s0+$0xFFFFFFC0];
	v22 =	vadd.s32 v15, v20;
	v20 =	vadd.s32 v11, v20  }
0x74: {  	v19 =	vmul.f32 $8.000000000e+00, v25;
	v22 =	vor.u32 v14, v22;
	v28 =	vor.u32 v13, v20;
	[tilespmem:v16+s26+$0x0] =	vst.idx.msk $0xffff, v23;
	v25 =	vld [tilespmem:s30+$0xFFFFFFF0];
	s30 =	smov.u32 s1;
	s1 =	smov.u32 s0  }
.Ltmp0:
0x75: {  	v10 =	vmovc v15;
	v23 =	vadd.s32 v2, v5;
	v16 =	vor.u32 v4, v17;
	v4 =	vmovc v9;
	v20 =	vld [tilespmem:s30+$0x20];
	v26 =	vmul.f32 $8.000000000e+00, v26;
	(pc) =	sbr.rel @p1 .LBB2_3-.Ltmp0, $4  }
0x76: {  	v9 =	vmov v14;
	v15 =	vadd.s32 v6, v23;
	[tilespmem:v18+s26+$0x0] =	vst.idx.msk $0xffff, v19;
	v18 =	vadd.s32 v7, v23  }
0x77: {  	v17 =	vor.u32 v4, v15;
	v29 =	vmul.f32 $8.000000000e+00, v21;
	v21 =	vld [tilespmem:s30+$0xFFFFFFE0];
	v19 =	vor.u32 v8, v18;
	[tilespmem:v24+s26+$0x0] =	vst.idx.msk $0xffff, v26  }
0x78: {  	v14 =	vmov s20;
	v23 =	vmul.f32 $8.000000000e+00, v27  }
0x79: {  	s24 =	sshrl.u32 s19, $0x7;
	s20 =	sadd.s32 $0x2, s20;
	v15 =	vand.u32 $0x78, v14;
	v14 =	vand.u32 $0x6, v14;
	[tilespmem:v28+s26+$0x0] =	vst.idx.msk $0xffff, v29;
	v18 =	vmul.f32 $8.000000000e+00, v25  }
0x7a: {  	v24 =	vmov s24  }
0x7b: {  	v24 =	vmul.u32 $0x440, v24;
	_ =	sdelay $0x1  }
0x7c: {  	s19 =	sadd.s32 $0x1, s19;
	v24 =	vbroadcast v24, $0x0  }
0x7d: {  	s24 =	sadd.s32 $0x80, s0;
	v25 =	vmov s19  }
0x7e: {  	v28 =	vld [tilespmem:s24+$0x0];
	v26 =	vand.u32 $0x78, v25;
	v27 =	vadd.s32 v0, v24  }
0x7f: {  	v29 =	vld [tilespmem:s24+$0xFFFFFFC0];
	v25 =	vand.u32 $0x7, v25;
	v30 =	vadd.s32 v26, v27  }
0x80: {  	v27 =	vadd.s32 v15, v27;
	v30 =	vor.u32 v25, v30  }
0x81: {  	v27 =	vor.u32 v14, v27;
	_ =	sdelay $0x1  }
0x82: {  	v28 =	vmul.f32 $8.000000000e+00, v28  }
0x83: {  	[tilespmem:v22+s26+$0x0] =	vst.idx.msk $0xffff, v23;
	v22 =	vadd.s32 v1, v12;
	v23 =	vld [tilespmem:s0+$0x10];
	v29 =	vmul.f32 $8.000000000e+00, v29  }
0x84: {  	v31 =	vld [tilespmem:s0+$0xFFFFFFD0];
	v32 =	vadd.s32 v10, v22;
	v22 =	vadd.s32 v11, v22;
	[tilespmem:v30+s26+$0x0] =	vst.idx.msk $0xffff, v28  }
0x85: {  	v22 =	vor.u32 v13, v22;
	v45 =	vadd.s32 v1, v24;
	[tilespmem:v27+s26+$0x0] =	vst.idx.msk $0xffff, v29;
	v28 =	vld [tilespmem:s24+$0x10]  }
0x86: {  	v46 =	vor.u32 v9, v32;
	v48 =	vadd.s32 v26, v45;
	v47 =	vld [tilespmem:s24+$0xFFFFFFD0]  }
0x87: {  	v32 =	vor.u32 v25, v48;
	v27 =	vadd.s32 v15, v45  }
0x88: {  	v23 =	vmul.f32 $8.000000000e+00, v23;
	v27 =	vor.u32 v14, v27  }
0x89: {  	v31 =	vmul.f32 $8.000000000e+00, v31  }
0x8a: {  	[tilespmem:v22+s26+$0x0] =	vst.idx.msk $0xffff, v23;
	v22 =	vmul.f32 $8.000000000e+00, v28  }
0x8b: {  	v23 =	vadd.s32 v2, v12;
	v49 =	vld [tilespmem:s1+$0x20];
	[tilespmem:v46+s26+$0x0] =	vst.idx.msk $0xffff, v31;
	v50 =	vmul.f32 $8.000000000e+00, v47  }
0x8c: {  	v51 =	vadd.s32 v10, v23;
	v23 =	vadd.s32 v11, v23;
	v31 =	vld [tilespmem:s1+$0xFFFFFFE0];
	[tilespmem:v32+s26+$0x0] =	vst.idx.msk $0xffff, v22  }
0x8d: {  	v22 =	vor.u32 v13, v23;
	v23 =	vadd.s32 v2, v24;
	[tilespmem:v27+s26+$0x0] =	vst.idx.msk $0xffff, v50;
	v32 =	vld [tilespmem:s24+$0x20]  }
0x8e: {  	v20 =	vmul.f32 $8.000000000e+00, v20;
	v52 =	vor.u32 v9, v51;
	v53 =	vadd.s32 v26, v23;
	v54 =	vld [tilespmem:s24+$0xFFFFFFE0]  }
0x8f: {  	v21 =	vmul.f32 $8.000000000e+00, v21;
	v23 =	vadd.s32 v15, v23;
	v29 =	vor.u32 v25, v53  }
0x90: {  	v5 =	vadd.s32 v3, v5;
	[tilespmem:v19+s26+$0x0] =	vst.idx.msk $0xffff, v20;
	v19 =	vmul.f32 $8.000000000e+00, v49;
	v20 =	vor.u32 v14, v23  }
0x91: {  	v7 =	vadd.s32 v7, v5;
	[tilespmem:v17+s26+$0x0] =	vst.idx.msk $0xffff, v21;
	v17 =	vld [tilespmem:s30+$0x30];
	v21 =	vmul.f32 $8.000000000e+00, v31  }
0x92: {  	v5 =	vadd.s32 v6, v5;
	v6 =	vor.u32 v8, v7;
	v7 =	vld [tilespmem:s30+$0xFFFFFFF0];
	[tilespmem:v22+s26+$0x0] =	vst.idx.msk $0xffff, v19;
	v8 =	vmul.f32 $8.000000000e+00, v32  }
0x93: {  	v4 =	vor.u32 v4, v5;
	v5 =	vadd.s32 v3, v12;
	[tilespmem:v52+s26+$0x0] =	vst.idx.msk $0xffff, v21;
	v12 =	vld [tilespmem:s1+$0x30];
	v19 =	vmul.f32 $8.000000000e+00, v54  }
0x94: {  	v10 =	vadd.s32 v10, v5;
	v5 =	vadd.s32 v11, v5;
	v11 =	vld [tilespmem:s1+$0xFFFFFFF0];
	[tilespmem:v29+s26+$0x0] =	vst.idx.msk $0xffff, v8  }
0x95: {  	v5 =	vor.u32 v13, v5;
	v8 =	vadd.s32 v3, v24;
	[tilespmem:v20+s26+$0x0] =	vst.idx.msk $0xffff, v19;
	v13 =	vld [tilespmem:s24+$0x30]  }
0x96: {  	v17 =	vmul.f32 $8.000000000e+00, v17;
	v9 =	vor.u32 v9, v10;
	v10 =	vadd.s32 v26, v8;
	v19 =	vld [tilespmem:s24+$0xFFFFFFF0]  }
0x97: {  	[tilespmem:v16+s26+$0x0] =	vst.idx.msk $0xffff, v18;
	v7 =	vmul.f32 $8.000000000e+00, v7;
	v8 =	vadd.s32 v15, v8;
	v10 =	vor.u32 v25, v10  }
0x98: {  	[tilespmem:v6+s26+$0x0] =	vst.idx.msk $0xffff, v17;
	v8 =	vor.u32 v14, v8;
	v6 =	vmul.f32 $8.000000000e+00, v12  }
0x99: {  	[tilespmem:v4+s26+$0x0] =	vst.idx.msk $0xffff, v7;
	v4 =	vmul.f32 $8.000000000e+00, v11  }
0x9a: {  	[tilespmem:v5+s26+$0x0] =	vst.idx.msk $0xffff, v6;
	v5 =	vmul.f32 $8.000000000e+00, v13  }
0x9b: {  	p1 =	seq.s32 s28, $0xC7;
	[tilespmem:v9+s26+$0x0] =	vst.idx.msk $0xffff, v4;
	v4 =	vmul.f32 $8.000000000e+00, v19  }
0x9c: {  	s0 =	sshll.u32 @!p1 s31, $0x5;
	[tilespmem:v10+s26+$0x0] =	vst.idx.msk $0xffff, v5  }
0x9d: {  	s0 =	sadd.s32 @!p1 s16, s0;
	s1 =	simm.s32 @!p1 $0x0;
	[tilespmem:v8+s26+$0x0] =	vst.idx.msk $0xffff, v4  }
0x9e: {  	[tilespmem:s1], [sflag:$0x1] =	stream.linear.gather @!p1 [hbm4b:s0+s1], $0x100, $0x38;
	[tilespmem:$0x14E00] =	vst v63  }
0x9f: {  	s0 =	simm.s32 @!p1 $0x1  }
0xa0: {  	_ =	swait.ge @!p1 [sflag:s0], $0x100  }
0xa1: {  	[sflag:s0] =	ssyncset.done @!p1 $0x0  }
0xa2: {  	s19 =	simm.s32 @!p1 $0x200;
	[sflag:s0] =	ssyncadd.s32 @!p1 $0xFFFFFF00;
	s0 =	simm.s32 @!p1 $0x80  }
0xa3: {  	[tilespmem:s19], [sflag:$0x2] =	stream.indirect.gather @!p1 [hbm4b:s4+s0], $0x40, s1, s0, $0xb8;
	[tilespmem:$0x14E00] =	vst v63  }
0xa4: {  	s20 =	sshll.u32 s31, $0xB;
	s1 =	simm.s32 @!p1 $0x2200;
	s19 =	sshll.u32 s31, $0x8  }
0xa5: {  	[tilespmem:s1], [sflag:$0x2] =	stream.indirect.gather @!p1 [hbm4b:s4+s0], $0x40, s0, s0, $0xb8;
	[tilespmem:$0x14E00] =	vst v63  }
0xa6: {  	s0 =	sand.u32 $0x3E00, s19;
	s1 =	sand.u32 $0xFFE0000, s20  }
0xa7: {  	s30 =	sor.u32 s0, s1  }
0xa8: {  	s0 =	sadd.s32 s2, s30  }
0xa9: {  	[hbm4b:s0+s3] =	stream.linear.scatter [tilespmem:s26], [sflag:$0x4], $0x80, $0x38;
	[tilespmem:$0x14E00] =	vst v63  }
0xaa: {  	s31 =	simm.s32 $0x8288;
	s24 =	sadd.s32 $0x10, s0  }
0xab: {  	[hbm4b:s24+s3] =	stream.linear.scatter [tilespmem:s31], [sflag:$0x4], $0x80, $0x38;
	[tilespmem:$0x14E00] =	vst v63  }
0xac: {  	s20 =	simm.s32 $0x8310;
	s19 =	sadd.s32 $0x20, s0  }
0xad: {  	[hbm4b:s19+s3] =	stream.linear.scatter [tilespmem:s20], [sflag:$0x4], $0x80, $0x38;
	[tilespmem:$0x14E00] =	vst v63  }
0xae: {  	s24 =	sadd.s32 $0x30, s0;
	s31 =	simm.s32 $0x8398  }
0xaf: {  	[hbm4b:s24+s3] =	stream.linear.scatter [tilespmem:s31], [sflag:$0x4], $0x80, $0x38;
	[tilespmem:$0x14E00] =	vst v63  }
0xb0: {  	s19 =	sadd.s32 $0x40, s0;
	s20 =	simm.s32 $0x8420  }
0xb1: {  	[hbm4b:s19+s3] =	stream.linear.scatter [tilespmem:s20], [sflag:$0x4], $0x80, $0x38;
	[tilespmem:$0x14E00] =	vst v63  }
0xb2: {  	s24 =	sadd.s32 $0x50, s0;
	s31 =	simm.s32 $0x84A8  }
0xb3: {  	[hbm4b:s24+s3] =	stream.linear.scatter [tilespmem:s31], [sflag:$0x4], $0x80, $0x38;
	[tilespmem:$0x14E00] =	vst v63  }
0xb4: {  	s19 =	sadd.s32 $0x60, s0;
	s20 =	simm.s32 $0x8530  }
0xb5: {  	[hbm4b:s19+s3] =	stream.linear.scatter [tilespmem:s20], [sflag:$0x4], $0x80, $0x38;
	[tilespmem:$0x14E00] =	vst v63  }
0xb6: {  	s24 =	sadd.s32 $0x70, s0;
	s31 =	simm.s32 $0x85B8  }
0xb7: {  	[hbm4b:s24+s3] =	stream.linear.scatter [tilespmem:s31], [sflag:$0x4], $0x80, $0x38;
	[tilespmem:$0x14E00] =	vst v63  }
0xb8: {  	s19 =	sadd.s32 $0x80, s0;
	s20 =	simm.s32 $0x8640  }
0xb9: {  	[hbm4b:s19+s3] =	stream.linear.scatter [tilespmem:s20], [sflag:$0x4], $0x80, $0x38;
	[tilespmem:$0x14E00] =	vst v63  }
0xba: {  	s24 =	sadd.s32 $0x90, s0;
	s31 =	simm.s32 $0x86C8  }
0xbb: {  	[hbm4b:s24+s3] =	stream.linear.scatter [tilespmem:s31], [sflag:$0x4], $0x80, $0x38;
	[tilespmem:$0x14E00] =	vst v63  }
0xbc: {  	s19 =	sadd.s32 $0xA0, s0;
	s20 =	simm.s32 $0x8750  }
0xbd: {  	[hbm4b:s19+s3] =	stream.linear.scatter [tilespmem:s20], [sflag:$0x4], $0x80, $0x38;
	[tilespmem:$0x14E00] =	vst v63  }
0xbe: {  	s24 =	sadd.s32 $0xB0, s0;
	s31 =	simm.s32 $0x87D8  }
0xbf: {  	[hbm4b:s24+s3] =	stream.linear.scatter [tilespmem:s31], [sflag:$0x4], $0x80, $0x38;
	[tilespmem:$0x14E00] =	vst v63  }
0xc0: {  	s19 =	sadd.s32 $0xC0, s0;
	s20 =	simm.s32 $0x8860  }
0xc1: {  	[hbm4b:s19+s3] =	stream.linear.scatter [tilespmem:s20], [sflag:$0x4], $0x80, $0x38;
	[tilespmem:$0x14E00] =	vst v63  }
0xc2: {  	s24 =	sadd.s32 $0xD0, s0;
	s31 =	simm.s32 $0x88E8  }
0xc3: {  	[hbm4b:s24+s3] =	stream.linear.scatter [tilespmem:s31], [sflag:$0x4], $0x80, $0x38;
	[tilespmem:$0x14E00] =	vst v63  }
0xc4: {  	s19 =	sadd.s32 $0xE0, s0;
	s20 =	simm.s32 $0x8970  }
0xc5: {  	[hbm4b:s19+s3] =	stream.linear.scatter [tilespmem:s20], [sflag:$0x4], $0x80, $0x38;
	[tilespmem:$0x14E00] =	vst v63  }
0xc6: {  	s0 =	sadd.s32 $0xF0, s0;
	s24 =	simm.s32 $0x89F8  }
0xc7: {  	[hbm4b:s0+s3] =	stream.linear.scatter [tilespmem:s24], [sflag:$0x4], $0x80, $0x38;
	[tilespmem:$0x14E00] =	vst v63  }
0xc8: {  	s31 =	simm.s32 $0x8EC0;
	s0 =	sadd.s32 s30, s8  }
0xc9: {  	[hbm4b:s0+s3] =	stream.linear.scatter [tilespmem:s31], [sflag:$0x4], $0x80, $0x38;
	[tilespmem:$0x14E00] =	vst v63  }
0xca: {  	s20 =	simm.s32 $0x8F48;
	s19 =	sadd.s32 $0x10, s0  }
0xcb: {  	[hbm4b:s19+s3] =	stream.linear.scatter [tilespmem:s20], [sflag:$0x4], $0x80, $0x38;
	[tilespmem:$0x14E00] =	vst v63  }
0xcc: {  	s24 =	sadd.s32 $0x20, s0;
	s31 =	simm.s32 $0x8FD0  }
0xcd: {  	[hbm4b:s24+s3] =	stream.linear.scatter [tilespmem:s31], [sflag:$0x4], $0x80, $0x38;
	[tilespmem:$0x14E00] =	vst v63  }
0xce: {  	s19 =	sadd.s32 $0x30, s0;
	s20 =	simm.s32 $0x9058  }
0xcf: {  	[hbm4b:s19+s3] =	stream.linear.scatter [tilespmem:s20], [sflag:$0x4], $0x80, $0x38;
	[tilespmem:$0x14E00] =	vst v63  }
0xd0: {  	s24 =	sadd.s32 $0x40, s0;
	s31 =	simm.s32 $0x90E0  }
0xd1: {  	[hbm4b:s24+s3] =	stream.linear.scatter [tilespmem:s31], [sflag:$0x4], $0x80, $0x38;
	[tilespmem:$0x14E00] =	vst v63  }
0xd2: {  	s19 =	sadd.s32 $0x50, s0;
	s20 =	simm.s32 $0x9168  }
0xd3: {  	[hbm4b:s19+s3] =	stream.linear.scatter [tilespmem:s20], [sflag:$0x4], $0x80, $0x38;
	[tilespmem:$0x14E00] =	vst v63  }
0xd4: {  	s24 =	sadd.s32 $0x60, s0;
	s31 =	simm.s32 $0x91F0  }
0xd5: {  	[hbm4b:s24+s3] =	stream.linear.scatter [tilespmem:s31], [sflag:$0x4], $0x80, $0x38;
	[tilespmem:$0x14E00] =	vst v63  }
0xd6: {  	s19 =	sadd.s32 $0x70, s0;
	s20 =	simm.s32 $0x9278  }
0xd7: {  	[hbm4b:s19+s3] =	stream.linear.scatter [tilespmem:s20], [sflag:$0x4], $0x80, $0x38;
	[tilespmem:$0x14E00] =	vst v63  }
0xd8: {  	s24 =	sadd.s32 $0x80, s0;
	s31 =	simm.s32 $0x9300  }
0xd9: {  	[hbm4b:s24+s3] =	stream.linear.scatter [tilespmem:s31], [sflag:$0x4], $0x80, $0x38;
	[tilespmem:$0x14E00] =	vst v63  }
0xda: {  	s19 =	sadd.s32 $0x90, s0;
	s20 =	simm.s32 $0x9388  }
0xdb: {  	[hbm4b:s19+s3] =	stream.linear.scatter [tilespmem:s20], [sflag:$0x4], $0x80, $0x38;
	[tilespmem:$0x14E00] =	vst v63  }
0xdc: {  	s24 =	sadd.s32 $0xA0, s0;
	s31 =	simm.s32 $0x9410  }
0xdd: {  	[hbm4b:s24+s3] =	stream.linear.scatter [tilespmem:s31], [sflag:$0x4], $0x80, $0x38;
	[tilespmem:$0x14E00] =	vst v63  }
0xde: {  	s19 =	sadd.s32 $0xB0, s0;
	s20 =	simm.s32 $0x9498  }
0xdf: {  	[hbm4b:s19+s3] =	stream.linear.scatter [tilespmem:s20], [sflag:$0x4], $0x80, $0x38;
	[tilespmem:$0x14E00] =	vst v63  }
0xe0: {  	s24 =	sadd.s32 $0xC0, s0;
	s31 =	simm.s32 $0x9520  }
0xe1: {  	[hbm4b:s24+s3] =	stream.linear.scatter [tilespmem:s31], [sflag:$0x4], $0x80, $0x38;
	[tilespmem:$0x14E00] =	vst v63  }
0xe2: {  	s19 =	sadd.s32 $0xD0, s0;
	s20 =	simm.s32 $0x95A8  }
0xe3: {  	[hbm4b:s19+s3] =	stream.linear.scatter [tilespmem:s20], [sflag:$0x4], $0x80, $0x38;
	[tilespmem:$0x14E00] =	vst v63  }
0xe4: {  	s24 =	sadd.s32 $0xE0, s0;
	s31 =	simm.s32 $0x9630  }
0xe5: {  	[hbm4b:s24+s3] =	stream.linear.scatter [tilespmem:s31], [sflag:$0x4], $0x80, $0x38;
	[tilespmem:$0x14E00] =	vst v63  }
0xe6: {  	s0 =	sadd.s32 $0xF0, s0;
	s19 =	simm.s32 $0x96B8  }
0xe7: {  	[hbm4b:s0+s3] =	stream.linear.scatter [tilespmem:s19], [sflag:$0x4], $0x80, $0x38;
	[tilespmem:$0x14E00] =	vst v63  }
0xe8: {  	s20 =	simm.s32 $0x9B80;
	s0 =	sadd.s32 s30, s9  }
0xe9: {  	[hbm4b:s0+s3] =	stream.linear.scatter [tilespmem:s20], [sflag:$0x4], $0x80, $0x38;
	[tilespmem:$0x14E00] =	vst v63  }
0xea: {  	s31 =	simm.s32 $0x9C08;
	s24 =	sadd.s32 $0x10, s0  }
0xeb: {  	[hbm4b:s24+s3] =	stream.linear.scatter [tilespmem:s31], [sflag:$0x4], $0x80, $0x38;
	[tilespmem:$0x14E00] =	vst v63  }
0xec: {  	s19 =	sadd.s32 $0x20, s0;
	s20 =	simm.s32 $0x9C90  }
0xed: {  	[hbm4b:s19+s3] =	stream.linear.scatter [tilespmem:s20], [sflag:$0x4], $0x80, $0x38;
	[tilespmem:$0x14E00] =	vst v63  }
0xee: {  	s24 =	sadd.s32 $0x30, s0;
	s31 =	simm.s32 $0x9D18  }
0xef: {  	[hbm4b:s24+s3] =	stream.linear.scatter [tilespmem:s31], [sflag:$0x4], $0x80, $0x38;
	[tilespmem:$0x14E00] =	vst v63  }
0xf0: {  	s19 =	sadd.s32 $0x40, s0;
	s20 =	simm.s32 $0x9DA0  }
0xf1: {  	[hbm4b:s19+s3] =	stream.linear.scatter [tilespmem:s20], [sflag:$0x4], $0x80, $0x38;
	[tilespmem:$0x14E00] =	vst v63  }
0xf2: {  	s24 =	sadd.s32 $0x50, s0;
	s31 =	simm.s32 $0x9E28  }
0xf3: {  	[hbm4b:s24+s3] =	stream.linear.scatter [tilespmem:s31], [sflag:$0x4], $0x80, $0x38;
	[tilespmem:$0x14E00] =	vst v63  }
0xf4: {  	s19 =	sadd.s32 $0x60, s0;
	s20 =	simm.s32 $0x9EB0  }
0xf5: {  	[hbm4b:s19+s3] =	stream.linear.scatter [tilespmem:s20], [sflag:$0x4], $0x80, $0x38;
	[tilespmem:$0x14E00] =	vst v63  }
0xf6: {  	s24 =	sadd.s32 $0x70, s0;
	s31 =	simm.s32 $0x9F38  }
0xf7: {  	[hbm4b:s24+s3] =	stream.linear.scatter [tilespmem:s31], [sflag:$0x4], $0x80, $0x38;
	[tilespmem:$0x14E00] =	vst v63  }
0xf8: {  	s19 =	sadd.s32 $0x80, s0;
	s20 =	simm.s32 $0x9FC0  }
0xf9: {  	[hbm4b:s19+s3] =	stream.linear.scatter [tilespmem:s20], [sflag:$0x4], $0x80, $0x38;
	[tilespmem:$0x14E00] =	vst v63  }
0xfa: {  	s24 =	sadd.s32 $0x90, s0;
	s31 =	simm.s32 $0xA048  }
0xfb: {  	[hbm4b:s24+s3] =	stream.linear.scatter [tilespmem:s31], [sflag:$0x4], $0x80, $0x38;
	[tilespmem:$0x14E00] =	vst v63  }
0xfc: {  	s19 =	sadd.s32 $0xA0, s0;
	s20 =	simm.s32 $0xA0D0  }
0xfd: {  	[hbm4b:s19+s3] =	stream.linear.scatter [tilespmem:s20], [sflag:$0x4], $0x80, $0x38;
	[tilespmem:$0x14E00] =	vst v63  }
0xfe: {  	s24 =	sadd.s32 $0xB0, s0;
	s31 =	simm.s32 $0xA158  }
0xff: {  	[hbm4b:s24+s3] =	stream.linear.scatter [tilespmem:s31], [sflag:$0x4], $0x80, $0x38;
	[tilespmem:$0x14E00] =	vst v63  }
0x100: {  	s19 =	sadd.s32 $0xC0, s0;
	s20 =	simm.s32 $0xA1E0  }
0x101: {  	[hbm4b:s19+s3] =	stream.linear.scatter [tilespmem:s20], [sflag:$0x4], $0x80, $0x38;
	[tilespmem:$0x14E00] =	vst v63  }
0x102: {  	s24 =	sadd.s32 $0xD0, s0;
	s31 =	simm.s32 $0xA268  }
0x103: {  	[hbm4b:s24+s3] =	stream.linear.scatter [tilespmem:s31], [sflag:$0x4], $0x80, $0x38;
	[tilespmem:$0x14E00] =	vst v63  }
0x104: {  	s19 =	sadd.s32 $0xE0, s0;
	s20 =	simm.s32 $0xA2F0  }
0x105: {  	[hbm4b:s19+s3] =	stream.linear.scatter [tilespmem:s20], [sflag:$0x4], $0x80, $0x38;
	[tilespmem:$0x14E00] =	vst v63  }
0x106: {  	s0 =	sadd.s32 $0xF0, s0;
	s24 =	simm.s32 $0xA378  }
0x107: {  	[hbm4b:s0+s3] =	stream.linear.scatter [tilespmem:s24], [sflag:$0x4], $0x80, $0x38;
	[tilespmem:$0x14E00] =	vst v63  }
0x108: {  	s31 =	simm.s32 $0xA840;
	s0 =	sadd.s32 s30, s10  }
0x109: {  	[hbm4b:s0+s3] =	stream.linear.scatter [tilespmem:s31], [sflag:$0x4], $0x80, $0x38;
	[tilespmem:$0x14E00] =	vst v63  }
0x10a: {  	s20 =	simm.s32 $0xA8C8;
	s19 =	sadd.s32 $0x10, s0  }
0x10b: {  	[hbm4b:s19+s3] =	stream.linear.scatter [tilespmem:s20], [sflag:$0x4], $0x80, $0x38;
	[tilespmem:$0x14E00] =	vst v63  }
0x10c: {  	s24 =	sadd.s32 $0x20, s0;
	s31 =	simm.s32 $0xA950  }
0x10d: {  	[hbm4b:s24+s3] =	stream.linear.scatter [tilespmem:s31], [sflag:$0x4], $0x80, $0x38;
	[tilespmem:$0x14E00] =	vst v63  }
0x10e: {  	s19 =	sadd.s32 $0x30, s0;
	s20 =	simm.s32 $0xA9D8  }
0x10f: {  	[hbm4b:s19+s3] =	stream.linear.scatter [tilespmem:s20], [sflag:$0x4], $0x80, $0x38;
	[tilespmem:$0x14E00] =	vst v63  }
0x110: {  	s24 =	sadd.s32 $0x40, s0;
	s31 =	simm.s32 $0xAA60  }
0x111: {  	[hbm4b:s24+s3] =	stream.linear.scatter [tilespmem:s31], [sflag:$0x4], $0x80, $0x38;
	[tilespmem:$0x14E00] =	vst v63  }
0x112: {  	s19 =	sadd.s32 $0x50, s0;
	s20 =	simm.s32 $0xAAE8  }
0x113: {  	[hbm4b:s19+s3] =	stream.linear.scatter [tilespmem:s20], [sflag:$0x4], $0x80, $0x38;
	[tilespmem:$0x14E00] =	vst v63  }
0x114: {  	s24 =	sadd.s32 $0x60, s0;
	s31 =	simm.s32 $0xAB70  }
0x115: {  	[hbm4b:s24+s3] =	stream.linear.scatter [tilespmem:s31], [sflag:$0x4], $0x80, $0x38;
	[tilespmem:$0x14E00] =	vst v63  }
0x116: {  	s19 =	sadd.s32 $0x70, s0;
	s20 =	simm.s32 $0xABF8  }
0x117: {  	[hbm4b:s19+s3] =	stream.linear.scatter [tilespmem:s20], [sflag:$0x4], $0x80, $0x38;
	[tilespmem:$0x14E00] =	vst v63  }
0x118: {  	s24 =	sadd.s32 $0x80, s0;
	s31 =	simm.s32 $0xAC80  }
0x119: {  	[hbm4b:s24+s3] =	stream.linear.scatter [tilespmem:s31], [sflag:$0x4], $0x80, $0x38;
	[tilespmem:$0x14E00] =	vst v63  }
0x11a: {  	s19 =	sadd.s32 $0x90, s0;
	s20 =	simm.s32 $0xAD08  }
0x11b: {  	[hbm4b:s19+s3] =	stream.linear.scatter [tilespmem:s20], [sflag:$0x4], $0x80, $0x38;
	[tilespmem:$0x14E00] =	vst v63  }
0x11c: {  	s24 =	sadd.s32 $0xA0, s0;
	s31 =	simm.s32 $0xAD90  }
0x11d: {  	[hbm4b:s24+s3] =	stream.linear.scatter [tilespmem:s31], [sflag:$0x4], $0x80, $0x38;
	[tilespmem:$0x14E00] =	vst v63  }
0x11e: {  	s19 =	sadd.s32 $0xB0, s0;
	s20 =	simm.s32 $0xAE18  }
0x11f: {  	[hbm4b:s19+s3] =	stream.linear.scatter [tilespmem:s20], [sflag:$0x4], $0x80, $0x38;
	[tilespmem:$0x14E00] =	vst v63  }
0x120: {  	s24 =	sadd.s32 $0xC0, s0;
	s31 =	simm.s32 $0xAEA0  }
0x121: {  	[hbm4b:s24+s3] =	stream.linear.scatter [tilespmem:s31], [sflag:$0x4], $0x80, $0x38;
	[tilespmem:$0x14E00] =	vst v63  }
0x122: {  	s19 =	sadd.s32 $0xD0, s0;
	s20 =	simm.s32 $0xAF28  }
0x123: {  	[hbm4b:s19+s3] =	stream.linear.scatter [tilespmem:s20], [sflag:$0x4], $0x80, $0x38;
	[tilespmem:$0x14E00] =	vst v63  }
0x124: {  	s24 =	sadd.s32 $0xE0, s0;
	s31 =	simm.s32 $0xAFB0  }
0x125: {  	[hbm4b:s24+s3] =	stream.linear.scatter [tilespmem:s31], [sflag:$0x4], $0x80, $0x38;
	[tilespmem:$0x14E00] =	vst v63  }
0x126: {  	s0 =	sadd.s32 $0xF0, s0;
	s19 =	simm.s32 $0xB038  }
0x127: {  	[hbm4b:s0+s3] =	stream.linear.scatter [tilespmem:s19], [sflag:$0x4], $0x80, $0x38;
	[tilespmem:$0x14E00] =	vst v63  }
0x128: {  	s20 =	simm.s32 $0xB500;
	s0 =	sadd.s32 s30, s11  }
0x129: {  	[hbm4b:s0+s3] =	stream.linear.scatter [tilespmem:s20], [sflag:$0x4], $0x80, $0x38;
	[tilespmem:$0x14E00] =	vst v63  }
0x12a: {  	s31 =	simm.s32 $0xB588;
	s24 =	sadd.s32 $0x10, s0  }
0x12b: {  	[hbm4b:s24+s3] =	stream.linear.scatter [tilespmem:s31], [sflag:$0x4], $0x80, $0x38;
	[tilespmem:$0x14E00] =	vst v63  }
0x12c: {  	s19 =	sadd.s32 $0x20, s0;
	s20 =	simm.s32 $0xB610  }
0x12d: {  	[hbm4b:s19+s3] =	stream.linear.scatter [tilespmem:s20], [sflag:$0x4], $0x80, $0x38;
	[tilespmem:$0x14E00] =	vst v63  }
0x12e: {  	s24 =	sadd.s32 $0x30, s0;
	s31 =	simm.s32 $0xB698  }
0x12f: {  	[hbm4b:s24+s3] =	stream.linear.scatter [tilespmem:s31], [sflag:$0x4], $0x80, $0x38;
	[tilespmem:$0x14E00] =	vst v63  }
0x130: {  	s19 =	sadd.s32 $0x40, s0;
	s20 =	simm.s32 $0xB720  }
0x131: {  	[hbm4b:s19+s3] =	stream.linear.scatter [tilespmem:s20], [sflag:$0x4], $0x80, $0x38;
	[tilespmem:$0x14E00] =	vst v63  }
0x132: {  	s24 =	sadd.s32 $0x50, s0;
	s31 =	simm.s32 $0xB7A8  }
0x133: {  	[hbm4b:s24+s3] =	stream.linear.scatter [tilespmem:s31], [sflag:$0x4], $0x80, $0x38;
	[tilespmem:$0x14E00] =	vst v63  }
0x134: {  	s19 =	sadd.s32 $0x60, s0;
	s20 =	simm.s32 $0xB830  }
0x135: {  	[hbm4b:s19+s3] =	stream.linear.scatter [tilespmem:s20], [sflag:$0x4], $0x80, $0x38;
	[tilespmem:$0x14E00] =	vst v63  }
0x136: {  	s24 =	sadd.s32 $0x70, s0;
	s31 =	simm.s32 $0xB8B8  }
0x137: {  	[hbm4b:s24+s3] =	stream.linear.scatter [tilespmem:s31], [sflag:$0x4], $0x80, $0x38;
	[tilespmem:$0x14E00] =	vst v63  }
0x138: {  	s19 =	sadd.s32 $0x80, s0;
	s20 =	simm.s32 $0xB940  }
0x139: {  	[hbm4b:s19+s3] =	stream.linear.scatter [tilespmem:s20], [sflag:$0x4], $0x80, $0x38;
	[tilespmem:$0x14E00] =	vst v63  }
0x13a: {  	s24 =	sadd.s32 $0x90, s0;
	s31 =	simm.s32 $0xB9C8  }
0x13b: {  	[hbm4b:s24+s3] =	stream.linear.scatter [tilespmem:s31], [sflag:$0x4], $0x80, $0x38;
	[tilespmem:$0x14E00] =	vst v63  }
0x13c: {  	s19 =	sadd.s32 $0xA0, s0;
	s20 =	simm.s32 $0xBA50  }
0x13d: {  	[hbm4b:s19+s3] =	stream.linear.scatter [tilespmem:s20], [sflag:$0x4], $0x80, $0x38;
	[tilespmem:$0x14E00] =	vst v63  }
0x13e: {  	s24 =	sadd.s32 $0xB0, s0;
	s31 =	simm.s32 $0xBAD8  }
0x13f: {  	[hbm4b:s24+s3] =	stream.linear.scatter [tilespmem:s31], [sflag:$0x4], $0x80, $0x38;
	[tilespmem:$0x14E00] =	vst v63  }
0x140: {  	s19 =	sadd.s32 $0xC0, s0;
	s20 =	simm.s32 $0xBB60  }
0x141: {  	[hbm4b:s19+s3] =	stream.linear.scatter [tilespmem:s20], [sflag:$0x4], $0x80, $0x38;
	[tilespmem:$0x14E00] =	vst v63  }
0x142: {  	s24 =	sadd.s32 $0xD0, s0;
	s31 =	simm.s32 $0xBBE8  }
0x143: {  	[hbm4b:s24+s3] =	stream.linear.scatter [tilespmem:s31], [sflag:$0x4], $0x80, $0x38;
	[tilespmem:$0x14E00] =	vst v63  }
0x144: {  	s19 =	sadd.s32 $0xE0, s0;
	s20 =	simm.s32 $0xBC70  }
0x145: {  	[hbm4b:s19+s3] =	stream.linear.scatter [tilespmem:s20], [sflag:$0x4], $0x80, $0x38;
	[tilespmem:$0x14E00] =	vst v63  }
0x146: {  	s0 =	sadd.s32 $0xF0, s0;
	s24 =	simm.s32 $0xBCF8  }
0x147: {  	[hbm4b:s0+s3] =	stream.linear.scatter [tilespmem:s24], [sflag:$0x4], $0x80, $0x38;
	[tilespmem:$0x14E00] =	vst v63  }
0x148: {  	s31 =	simm.s32 $0xC1C0;
	s0 =	sadd.s32 s30, s12  }
0x149: {  	[hbm4b:s0+s3] =	stream.linear.scatter [tilespmem:s31], [sflag:$0x4], $0x80, $0x38;
	[tilespmem:$0x14E00] =	vst v63  }
0x14a: {  	s20 =	simm.s32 $0xC248;
	s19 =	sadd.s32 $0x10, s0  }
0x14b: {  	[hbm4b:s19+s3] =	stream.linear.scatter [tilespmem:s20], [sflag:$0x4], $0x80, $0x38;
	[tilespmem:$0x14E00] =	vst v63  }
0x14c: {  	s24 =	sadd.s32 $0x20, s0;
	s31 =	simm.s32 $0xC2D0  }
0x14d: {  	[hbm4b:s24+s3] =	stream.linear.scatter [tilespmem:s31], [sflag:$0x4], $0x80, $0x38;
	[tilespmem:$0x14E00] =	vst v63  }
0x14e: {  	s19 =	sadd.s32 $0x30, s0;
	s20 =	simm.s32 $0xC358  }
0x14f: {  	[hbm4b:s19+s3] =	stream.linear.scatter [tilespmem:s20], [sflag:$0x4], $0x80, $0x38;
	[tilespmem:$0x14E00] =	vst v63  }
0x150: {  	s24 =	sadd.s32 $0x40, s0;
	s31 =	simm.s32 $0xC3E0  }
0x151: {  	[hbm4b:s24+s3] =	stream.linear.scatter [tilespmem:s31], [sflag:$0x4], $0x80, $0x38;
	[tilespmem:$0x14E00] =	vst v63  }
0x152: {  	s19 =	sadd.s32 $0x50, s0;
	s20 =	simm.s32 $0xC468  }
0x153: {  	[hbm4b:s19+s3] =	stream.linear.scatter [tilespmem:s20], [sflag:$0x4], $0x80, $0x38;
	[tilespmem:$0x14E00] =	vst v63  }
0x154: {  	s24 =	sadd.s32 $0x60, s0;
	s31 =	simm.s32 $0xC4F0  }
0x155: {  	[hbm4b:s24+s3] =	stream.linear.scatter [tilespmem:s31], [sflag:$0x4], $0x80, $0x38;
	[tilespmem:$0x14E00] =	vst v63  }
0x156: {  	s19 =	sadd.s32 $0x70, s0;
	s20 =	simm.s32 $0xC578  }
0x157: {  	[hbm4b:s19+s3] =	stream.linear.scatter [tilespmem:s20], [sflag:$0x4], $0x80, $0x38;
	[tilespmem:$0x14E00] =	vst v63  }
0x158: {  	s24 =	sadd.s32 $0x80, s0;
	s31 =	simm.s32 $0xC600  }
0x159: {  	[hbm4b:s24+s3] =	stream.linear.scatter [tilespmem:s31], [sflag:$0x4], $0x80, $0x38;
	[tilespmem:$0x14E00] =	vst v63  }
0x15a: {  	s19 =	sadd.s32 $0x90, s0;
	s20 =	simm.s32 $0xC688  }
0x15b: {  	[hbm4b:s19+s3] =	stream.linear.scatter [tilespmem:s20], [sflag:$0x4], $0x80, $0x38;
	[tilespmem:$0x14E00] =	vst v63  }
0x15c: {  	s24 =	sadd.s32 $0xA0, s0;
	s31 =	simm.s32 $0xC710  }
0x15d: {  	[hbm4b:s24+s3] =	stream.linear.scatter [tilespmem:s31], [sflag:$0x4], $0x80, $0x38;
	[tilespmem:$0x14E00] =	vst v63  }
0x15e: {  	s19 =	sadd.s32 $0xB0, s0;
	s20 =	simm.s32 $0xC798  }
0x15f: {  	[hbm4b:s19+s3] =	stream.linear.scatter [tilespmem:s20], [sflag:$0x4], $0x80, $0x38;
	[tilespmem:$0x14E00] =	vst v63  }
0x160: {  	s24 =	sadd.s32 $0xC0, s0;
	s31 =	simm.s32 $0xC820  }
0x161: {  	[hbm4b:s24+s3] =	stream.linear.scatter [tilespmem:s31], [sflag:$0x4], $0x80, $0x38;
	[tilespmem:$0x14E00] =	vst v63  }
0x162: {  	s19 =	sadd.s32 $0xD0, s0;
	s20 =	simm.s32 $0xC8A8  }
0x163: {  	[hbm4b:s19+s3] =	stream.linear.scatter [tilespmem:s20], [sflag:$0x4], $0x80, $0x38;
	[tilespmem:$0x14E00] =	vst v63  }
0x164: {  	s24 =	sadd.s32 $0xE0, s0;
	s31 =	simm.s32 $0xC930  }
0x165: {  	[hbm4b:s24+s3] =	stream.linear.scatter [tilespmem:s31], [sflag:$0x4], $0x80, $0x38;
	[tilespmem:$0x14E00] =	vst v63  }
0x166: {  	s0 =	sadd.s32 $0xF0, s0;
	s19 =	simm.s32 $0xC9B8  }
0x167: {  	[hbm4b:s0+s3] =	stream.linear.scatter [tilespmem:s19], [sflag:$0x4], $0x80, $0x38;
	[tilespmem:$0x14E00] =	vst v63  }
0x168: {  	s20 =	simm.s32 $0xCE80;
	s0 =	sadd.s32 s30, s13  }
0x169: {  	[hbm4b:s0+s3] =	stream.linear.scatter [tilespmem:s20], [sflag:$0x4], $0x80, $0x38;
	[tilespmem:$0x14E00] =	vst v63  }
0x16a: {  	s31 =	simm.s32 $0xCF08;
	s24 =	sadd.s32 $0x10, s0  }
0x16b: {  	[hbm4b:s24+s3] =	stream.linear.scatter [tilespmem:s31], [sflag:$0x4], $0x80, $0x38;
	[tilespmem:$0x14E00] =	vst v63  }
0x16c: {  	s19 =	sadd.s32 $0x20, s0;
	s20 =	simm.s32 $0xCF90  }
0x16d: {  	[hbm4b:s19+s3] =	stream.linear.scatter [tilespmem:s20], [sflag:$0x4], $0x80, $0x38;
	[tilespmem:$0x14E00] =	vst v63  }
0x16e: {  	s24 =	sadd.s32 $0x30, s0;
	s31 =	simm.s32 $0xD018  }
0x16f: {  	[hbm4b:s24+s3] =	stream.linear.scatter [tilespmem:s31], [sflag:$0x4], $0x80, $0x38;
	[tilespmem:$0x14E00] =	vst v63  }
0x170: {  	s19 =	sadd.s32 $0x40, s0;
	s20 =	simm.s32 $0xD0A0  }
0x171: {  	[hbm4b:s19+s3] =	stream.linear.scatter [tilespmem:s20], [sflag:$0x4], $0x80, $0x38;
	[tilespmem:$0x14E00] =	vst v63  }
0x172: {  	s24 =	sadd.s32 $0x50, s0;
	s31 =	simm.s32 $0xD128  }
0x173: {  	[hbm4b:s24+s3] =	stream.linear.scatter [tilespmem:s31], [sflag:$0x4], $0x80, $0x38;
	[tilespmem:$0x14E00] =	vst v63  }
0x174: {  	s19 =	sadd.s32 $0x60, s0;
	s20 =	simm.s32 $0xD1B0  }
0x175: {  	[hbm4b:s19+s3] =	stream.linear.scatter [tilespmem:s20], [sflag:$0x4], $0x80, $0x38;
	[tilespmem:$0x14E00] =	vst v63  }
0x176: {  	s24 =	sadd.s32 $0x70, s0;
	s31 =	simm.s32 $0xD238  }
0x177: {  	[hbm4b:s24+s3] =	stream.linear.scatter [tilespmem:s31], [sflag:$0x4], $0x80, $0x38;
	[tilespmem:$0x14E00] =	vst v63  }
0x178: {  	s19 =	sadd.s32 $0x80, s0;
	s20 =	simm.s32 $0xD2C0  }
0x179: {  	[hbm4b:s19+s3] =	stream.linear.scatter [tilespmem:s20], [sflag:$0x4], $0x80, $0x38;
	[tilespmem:$0x14E00] =	vst v63  }
0x17a: {  	s24 =	sadd.s32 $0x90, s0;
	s31 =	simm.s32 $0xD348  }
0x17b: {  	[hbm4b:s24+s3] =	stream.linear.scatter [tilespmem:s31], [sflag:$0x4], $0x80, $0x38;
	[tilespmem:$0x14E00] =	vst v63  }
0x17c: {  	s19 =	sadd.s32 $0xA0, s0;
	s20 =	simm.s32 $0xD3D0  }
0x17d: {  	[hbm4b:s19+s3] =	stream.linear.scatter [tilespmem:s20], [sflag:$0x4], $0x80, $0x38;
	[tilespmem:$0x14E00] =	vst v63  }
0x17e: {  	s24 =	sadd.s32 $0xB0, s0;
	s31 =	simm.s32 $0xD458  }
0x17f: {  	[hbm4b:s24+s3] =	stream.linear.scatter [tilespmem:s31], [sflag:$0x4], $0x80, $0x38;
	[tilespmem:$0x14E00] =	vst v63  }
0x180: {  	s19 =	sadd.s32 $0xC0, s0;
	s20 =	simm.s32 $0xD4E0  }
0x181: {  	[hbm4b:s19+s3] =	stream.linear.scatter [tilespmem:s20], [sflag:$0x4], $0x80, $0x38;
	[tilespmem:$0x14E00] =	vst v63  }
0x182: {  	s24 =	sadd.s32 $0xD0, s0;
	s31 =	simm.s32 $0xD568  }
0x183: {  	[hbm4b:s24+s3] =	stream.linear.scatter [tilespmem:s31], [sflag:$0x4], $0x80, $0x38;
	[tilespmem:$0x14E00] =	vst v63  }
0x184: {  	s19 =	sadd.s32 $0xE0, s0;
	s20 =	simm.s32 $0xD5F0  }
0x185: {  	[hbm4b:s19+s3] =	stream.linear.scatter [tilespmem:s20], [sflag:$0x4], $0x80, $0x38;
	[tilespmem:$0x14E00] =	vst v63  }
0x186: {  	s0 =	sadd.s32 $0xF0, s0;
	s24 =	simm.s32 $0xD678  }
0x187: {  	[hbm4b:s0+s3] =	stream.linear.scatter [tilespmem:s24], [sflag:$0x4], $0x80, $0x38;
	[tilespmem:$0x14E00] =	vst v63  }
0x188: {  	s31 =	simm.s32 $0xDB40;
	s0 =	sadd.s32 s30, s14  }
0x189: {  	[hbm4b:s0+s3] =	stream.linear.scatter [tilespmem:s31], [sflag:$0x4], $0x80, $0x38;
	[tilespmem:$0x14E00] =	vst v63  }
0x18a: {  	s20 =	simm.s32 $0xDBC8;
	s19 =	sadd.s32 $0x10, s0  }
0x18b: {  	[hbm4b:s19+s3] =	stream.linear.scatter [tilespmem:s20], [sflag:$0x4], $0x80, $0x38;
	[tilespmem:$0x14E00] =	vst v63  }
0x18c: {  	s24 =	sadd.s32 $0x20, s0;
	s31 =	simm.s32 $0xDC50  }
0x18d: {  	[hbm4b:s24+s3] =	stream.linear.scatter [tilespmem:s31], [sflag:$0x4], $0x80, $0x38;
	[tilespmem:$0x14E00] =	vst v63  }
0x18e: {  	s19 =	sadd.s32 $0x30, s0;
	s20 =	simm.s32 $0xDCD8  }
0x18f: {  	[hbm4b:s19+s3] =	stream.linear.scatter [tilespmem:s20], [sflag:$0x4], $0x80, $0x38;
	[tilespmem:$0x14E00] =	vst v63  }
0x190: {  	s24 =	sadd.s32 $0x40, s0;
	s31 =	simm.s32 $0xDD60  }
0x191: {  	[hbm4b:s24+s3] =	stream.linear.scatter [tilespmem:s31], [sflag:$0x4], $0x80, $0x38;
	[tilespmem:$0x14E00] =	vst v63  }
0x192: {  	s19 =	sadd.s32 $0x50, s0;
	s20 =	simm.s32 $0xDDE8  }
0x193: {  	[hbm4b:s19+s3] =	stream.linear.scatter [tilespmem:s20], [sflag:$0x4], $0x80, $0x38;
	[tilespmem:$0x14E00] =	vst v63  }
0x194: {  	s24 =	sadd.s32 $0x60, s0;
	s31 =	simm.s32 $0xDE70  }
0x195: {  	[hbm4b:s24+s3] =	stream.linear.scatter [tilespmem:s31], [sflag:$0x4], $0x80, $0x38;
	[tilespmem:$0x14E00] =	vst v63  }
0x196: {  	s19 =	sadd.s32 $0x70, s0;
	s20 =	simm.s32 $0xDEF8  }
0x197: {  	[hbm4b:s19+s3] =	stream.linear.scatter [tilespmem:s20], [sflag:$0x4], $0x80, $0x38;
	[tilespmem:$0x14E00] =	vst v63  }
0x198: {  	s24 =	sadd.s32 $0x80, s0;
	s31 =	simm.s32 $0xDF80  }
0x199: {  	[hbm4b:s24+s3] =	stream.linear.scatter [tilespmem:s31], [sflag:$0x4], $0x80, $0x38;
	[tilespmem:$0x14E00] =	vst v63  }
0x19a: {  	s19 =	sadd.s32 $0x90, s0;
	s20 =	simm.s32 $0xE008  }
0x19b: {  	[hbm4b:s19+s3] =	stream.linear.scatter [tilespmem:s20], [sflag:$0x4], $0x80, $0x38;
	[tilespmem:$0x14E00] =	vst v63  }
0x19c: {  	s24 =	sadd.s32 $0xA0, s0;
	s31 =	simm.s32 $0xE090  }
0x19d: {  	[hbm4b:s24+s3] =	stream.linear.scatter [tilespmem:s31], [sflag:$0x4], $0x80, $0x38;
	[tilespmem:$0x14E00] =	vst v63  }
0x19e: {  	s19 =	sadd.s32 $0xB0, s0;
	s20 =	simm.s32 $0xE118  }
0x19f: {  	[hbm4b:s19+s3] =	stream.linear.scatter [tilespmem:s20], [sflag:$0x4], $0x80, $0x38;
	[tilespmem:$0x14E00] =	vst v63  }
0x1a0: {  	s24 =	sadd.s32 $0xC0, s0;
	s31 =	simm.s32 $0xE1A0  }
0x1a1: {  	[hbm4b:s24+s3] =	stream.linear.scatter [tilespmem:s31], [sflag:$0x4], $0x80, $0x38;
	[tilespmem:$0x14E00] =	vst v63  }
0x1a2: {  	s19 =	sadd.s32 $0xD0, s0;
	s20 =	simm.s32 $0xE228  }
0x1a3: {  	[hbm4b:s19+s3] =	stream.linear.scatter [tilespmem:s20], [sflag:$0x4], $0x80, $0x38;
	[tilespmem:$0x14E00] =	vst v63  }
0x1a4: {  	s24 =	sadd.s32 $0xE0, s0;
	s31 =	simm.s32 $0xE2B0  }
0x1a5: {  	[hbm4b:s24+s3] =	stream.linear.scatter [tilespmem:s31], [sflag:$0x4], $0x80, $0x38;
	[tilespmem:$0x14E00] =	vst v63  }
0x1a6: {  	s0 =	sadd.s32 $0xF0, s0;
	s20 =	simm.s32 $0xE338  }
0x1a7: {  	[hbm4b:s0+s3] =	stream.linear.scatter [tilespmem:s20], [sflag:$0x4], $0x80, $0x38;
	[tilespmem:$0x14E00] =	vst v63  }
0x1a8: {  	_ =	swait.ge [sflag:s22], $0x2000  }
0x1a9: {  	[sflag:s22] =	ssyncset.done $0x0  }
0x1aa: {  	[sflag:s22] =	ssyncadd.s32 $0xFFFFE000  }
0x1ab: {  	_ =	swait.ge [sflag:s22], $0x2000  }
0x1ac: {  	[sflag:s22] =	ssyncset.done $0x0  }
0x1ad: {  	s0 =	simm.s32 @!p0 $0x5;
	[sflag:s22] =	ssyncadd.s32 $0xFFFFE000  }
0x1ae: {  	_ =	swait.ge @!p0 [sflag:s0], $0x800  }
0x1af: {  	[sflag:s0] =	ssyncset.done @!p0 $0x0  }
0x1b0: {  	[sflag:s0] =	ssyncadd.s32 @!p0 $0xFFFFF800  }
0x1b1: {  	_ =	swait.ge @!p0 [sflag:s0], $0x800  }
0x1b2: {  	[sflag:s0] =	ssyncset.done @!p0 $0x0  }
0x1b3: {  	[sflag:s0] =	ssyncadd.s32 @!p0 $0xFFFFF800  }
0x1b4: {  	_ =	swait.ge @!p0 [sflag:s0], $0x800  }
0x1b5: {  	[sflag:s0] =	ssyncset.done @!p0 $0x0  }
0x1b6: {  	[sflag:s0] =	ssyncadd.s32 @!p0 $0xFFFFF800  }
0x1b7: {  	_ =	swait.ge @!p0 [sflag:s0], $0x800  }
0x1b8: {  	[sflag:s0] =	ssyncset.done @!p0 $0x0  }
0x1b9: {  	[sflag:s0] =	ssyncadd.s32 @!p0 $0xFFFFF800  }
0x1ba: {  	_ =	swait.ge @!p0 [sflag:s0], $0x800  }
0x1bb: {  	[sflag:s0] =	ssyncset.done @!p0 $0x0  }
0x1bc: {  	[sflag:s0] =	ssyncadd.s32 @!p0 $0xFFFFF800  }
0x1bd: {  	_ =	swait.ge @!p0 [sflag:s0], $0x800  }
0x1be: {  	[sflag:s0] =	ssyncset.done @!p0 $0x0  }
0x1bf: {  	[sflag:s0] =	ssyncadd.s32 @!p0 $0xFFFFF800  }
0x1c0: {  	s24 =	simm.s32 $0x0;
	_ =	swait.ge @!p0 [sflag:s0], $0x800  }
0x1c1: {  	v4 =	vmov s24;
	[sflag:s0] =	ssyncset.done @!p0 $0x0  }
0x1c2: {  	v4 =	vmul.u32 $0x440, v4;
	[sflag:s0] =	ssyncadd.s32 @!p0 $0xFFFFF800  }
0x1c3: {  	_ =	swait.ge @!p0 [sflag:s0], $0x800  }
0x1c4: {  	s31 =	simm.s32 $0x1;
	v11 =	vbroadcast v4, $0x0;
	[sflag:s0] =	ssyncset.done @!p0 $0x0  }
0x1c5: {  	s1 =	simm.s32 $0x4240;
	v4 =	vmov s31;
	[sflag:s0] =	ssyncadd.s32 @!p0 $0xFFFFF800  }
0x1c6: {  	v13 =	vand.u32 $0x78, v4;
	v5 =	vadd.s32 v0, v11;
	v6 =	vld [tilespmem:s1+$0x0]  }
0x1c7: {  	s19 =	simm.s32 $0x0;
	v14 =	vand.u32 $0x7, v4;
	v4 =	vadd.s32 v13, v5  }
0x1c8: {  	v7 =	vmov s19;
	v4 =	vor.u32 v14, v4  }
0x1c9: {  	v15 =	vand.u32 $0x78, v7;
	v8 =	vld [tilespmem:s1+$0xFFFFFFC0]  }
0x1ca: {  	v16 =	vand.u32 $0x6, v7;
	v5 =	vadd.s32 v15, v5  }
0x1cb: {  	v5 =	vor.u32 v16, v5;
	v6 =	vmul.f32 $8.000000000e+00, v6;
	_ =	sdelay $0x1  }
0x1cc: {  	[tilespmem:v4+s23+$0x0] =	vst.idx.msk $0xffff, v6  }
0x1cd: {  	s20 =	simm.s32 $0x0;
	v7 =	vadd.s32 v1, v11;
	v4 =	vmul.f32 $8.000000000e+00, v8;
	v8 =	vld [tilespmem:s1+$0x10]  }
0x1ce: {  	v9 =	vadd.s32 v13, v7;
	v6 =	vmov s20  }
0x1cf: {  	s24 =	simm.s32 $0x2;
	v9 =	vor.u32 v14, v9;
	[tilespmem:v5+s23+$0x0] =	vst.idx.msk $0xffff, v4;
	v4 =	vmul.u32 $0x440, v6  }
0x1d0: {  	v10 =	vmov s24;
	s31 =	simm.s32 $0x3;
	v12 =	vld [tilespmem:s1+$0xFFFFFFD0]  }
0x1d1: {  	s30 =	simm.s32 $0x42C0;
	v18 =	vmov s31;
	v7 =	vadd.s32 v15, v7;
	v5 =	vbroadcast v4, $0x0  }
0x1d2: {  	v17 =	vor.u32 v16, v7;
	v7 =	vand.u32 $0x78, v18;
	v21 =	vld [tilespmem:s30+$0xFFFFFFC0];
	v20 =	vmul.f32 $8.000000000e+00, v8  }
0x1d3: {  	v19 =	vld [tilespmem:s30+$0x0];
	v6 =	vand.u32 $0x78, v10;
	v4 =	vand.u32 $0x6, v10;
	v10 =	vadd.s32 v0, v5  }
0x1d4: {  	v8 =	vand.u32 $0x7, v18;
	v22 =	vadd.s32 v6, v10;
	v10 =	vadd.s32 v7, v10;
	[tilespmem:v9+s23+$0x0] =	vst.idx.msk $0xffff, v20  }
0x1d5: {  	v9 =	vor.u32 v8, v10;
	v10 =	vmul.f32 $8.000000000e+00, v12;
	v12 =	vadd.s32 v2, v11;
	v18 =	vld [tilespmem:s1+$0x20]  }
0x1d6: {  	s19 =	simm.s32 $0x4;
	v20 =	vor.u32 v4, v22;
	v22 =	vadd.s32 v13, v12  }
0x1d7: {  	v23 =	vmov s19;
	v21 =	vmul.f32 $8.000000000e+00, v21;
	[tilespmem:v17+s23+$0x0] =	vst.idx.msk $0xffff, v10;
	v17 =	vor.u32 v14, v22  }
0x1d8: {  	s20 =	simm.s32 $0x0;
	v56 =	vadd.s32 v1, v5;
	v10 =	vadd.s32 v15, v12;
	v12 =	vmul.f32 $8.000000000e+00, v19;
	v19 =	vld [tilespmem:s1+$0xFFFFFFE0]  }
0x1d9: {  	v55 =	vmov s20;
	v57 =	vadd.s32 v6, v56;
	v22 =	vor.u32 v16, v10  }
0x1da: {  	v10 =	vand.u32 $0x78, v23;
	[tilespmem:v9+s23+$0x0] =	vst.idx.msk $0xffff, v12;
	v12 =	vmul.f32 $8.000000000e+00, v18;
	v18 =	vmul.u32 $0x440, v55  }
0x1db: {  	s24 =	simm.s32 $0x5;
	v9 =	vand.u32 $0x6, v23;
	[tilespmem:v20+s23+$0x0] =	vst.idx.msk $0xffff, v21;
	v21 =	vadd.s32 v7, v56;
	v23 =	vor.u32 v4, v57;
	v20 =	vld [tilespmem:s30+$0x10]  }
0x1dc: {  	v58 =	vld [tilespmem:s30+$0xFFFFFFD0];
	v21 =	vor.u32 v8, v21;
	[tilespmem:v17+s23+$0x0] =	vst.idx.msk $0xffff, v12;
	v12 =	vbroadcast v18, $0x0;
	v17 =	vmov s24  }
0x1dd: {  	v18 =	vmul.f32 $8.000000000e+00, v19;
	v19 =	vadd.s32 v3, v11;
	v11 =	vand.u32 $0x78, v17  }
0x1de: {  	v15 =	vadd.s32 v15, v19;
	v13 =	vadd.s32 v13, v19;
	v19 =	vadd.s32 v0, v12  }
0x1df: {  	s0 =	simm.s32 $0x4340;
	v59 =	vld [tilespmem:s1+$0x30];
	v14 =	vor.u32 v14, v13;
	v13 =	vand.u32 $0x7, v17;
	v17 =	vadd.s32 v11, v19  }
0x1e0: {  	v60 =	vld [tilespmem:s0+$0x0];
	v20 =	vmul.f32 $8.000000000e+00, v20;
	v19 =	vadd.s32 v10, v19;
	v61 =	vor.u32 v13, v17  }
0x1e1: {  	[tilespmem:v22+s23+$0x0] =	vst.idx.msk $0xffff, v18;
	v18 =	vld [tilespmem:s0+$0xFFFFFFC0];
	v22 =	vor.u32 v9, v19;
	v17 =	vmul.f32 $8.000000000e+00, v58;
	v19 =	vadd.s32 v2, v5  }
0x1e2: {  	v62 =	vld [tilespmem:s1+$0xFFFFFFF0];
	[tilespmem:v21+s23+$0x0] =	vst.idx.msk $0xffff, v20;
	v20 =	vadd.s32 v6, v19  }
0x1e3: {  	[tilespmem:v23+s23+$0x0] =	vst.idx.msk $0xffff, v17;
	v17 =	vor.u32 v4, v20;
	v20 =	vld [tilespmem:s30+$0x20]  }
0x1e4: {  	v16 =	vor.u32 v16, v15;
	v19 =	vadd.s32 v7, v19;
	v15 =	vmul.f32 $8.000000000e+00, v59  }
0x1e5: {  	s19 =	simm.s32 $0x6;
	s31 =	sadd.s32 s29, s5;
	v63 =	vmul.f32 $8.000000000e+00, v60;
	v19 =	vor.u32 v8, v19;
	v21 =	vld [tilespmem:s30+$0xFFFFFFE0]  }
0x1e6: {  	s29 =	sadd.s32 $0x1, s31;
	v23 =	vmul.f32 $8.000000000e+00, v18;
	[tilespmem:v14+s23+$0x0] =	vst.idx.msk $0xffff, v15;
	v14 =	vmov s19  }
0x1e7: {  	s20 =	simm.s32 $0x8;
	s24 =	simm.s32 $0x0;
	s1 =	simm.s32 $0x4340;
	v18 =	vmul.f32 $8.000000000e+00, v62;
	v15 =	vand.u32 $0x78, v14;
	v14 =	vand.u32 $0x6, v14;
	[tilespmem:v61+s23+$0x0] =	vst.idx.msk $0xffff, v63  }
.LBB2_5:
0x1e8: {  	p0 =	slt.u32 s20, $0xFE;
	v24 =	vmov s24;
	[tilespmem:v22+s23+$0x0] =	vst.idx.msk $0xffff, v23;
	v22 =	vadd.s32 v1, v12;
	v23 =	vld [tilespmem:s0+$0x10];
	v20 =	vmul.f32 $8.000000000e+00, v20  }
0x1e9: {  	v24 =	vmul.u32 $0x440, v24;
	v25 =	vld [tilespmem:s0+$0xFFFFFFD0];
	v26 =	vadd.s32 v10, v22;
	v22 =	vadd.s32 v11, v22;
	[tilespmem:v16+s23+$0x0] =	vst.idx.msk $0xffff, v18  }
0x1ea: {  	s24 =	sadd.s32 $0x1, s19;
	s19 =	smov.u32 s20;
	v18 =	vor.u32 v9, v26;
	v16 =	vor.u32 v13, v22;
	v21 =	vmul.f32 $8.000000000e+00, v21;
	[tilespmem:v19+s23+$0x0] =	vst.idx.msk $0xffff, v20  }
0x1eb: {  	v19 =	vmov s24;
	v20 =	vadd.s32 v3, v5;
	v5 =	vmovc v12;
	v26 =	vld [tilespmem:s30+$0x30];
	v12 =	vbroadcast v24, $0x0  }
0x1ec: {  	s0 =	sadd.s32 $0x80, s0;
	v22 =	vand.u32 $0x78, v19;
	v28 =	vadd.s32 v7, v20;
	[tilespmem:v17+s23+$0x0] =	vst.idx.msk $0xffff, v21;
	v17 =	vadd.s32 v6, v20  }
0x1ed: {  	v7 =	vmovc v11;
	v24 =	vor.u32 v8, v28;
	v11 =	vmovc v22;
	v20 =	vadd.s32 v0, v12;
	v21 =	vld [tilespmem:s0+$0x0];
	v23 =	vmul.f32 $8.000000000e+00, v23  }
0x1ee: {  	v8 =	vmovc v13;
	v13 =	vand.u32 $0x7, v19;
	v6 =	vmovc v10;
	v27 =	vld [tilespmem:s0+$0xFFFFFFC0];
	v22 =	vadd.s32 v15, v20;
	v20 =	vadd.s32 v11, v20  }
0x1ef: {  	v19 =	vmul.f32 $8.000000000e+00, v25;
	v22 =	vor.u32 v14, v22;
	v28 =	vor.u32 v13, v20;
	[tilespmem:v16+s23+$0x0] =	vst.idx.msk $0xffff, v23;
	v25 =	vld [tilespmem:s30+$0xFFFFFFF0];
	s30 =	smov.u32 s1;
	s1 =	smov.u32 s0  }
.Ltmp1:
0x1f0: {  	v10 =	vmovc v15;
	v23 =	vadd.s32 v2, v5;
	v16 =	vor.u32 v4, v17;
	v4 =	vmovc v9;
	v20 =	vld [tilespmem:s30+$0x20];
	v26 =	vmul.f32 $8.000000000e+00, v26;
	(pc) =	sbr.rel @p0 .LBB2_5-.Ltmp1, $4  }
0x1f1: {  	v9 =	vmov v14;
	v15 =	vadd.s32 v6, v23;
	[tilespmem:v18+s23+$0x0] =	vst.idx.msk $0xffff, v19;
	v18 =	vadd.s32 v7, v23  }
0x1f2: {  	v17 =	vor.u32 v4, v15;
	v29 =	vmul.f32 $8.000000000e+00, v21;
	v21 =	vld [tilespmem:s30+$0xFFFFFFE0];
	v19 =	vor.u32 v8, v18;
	[tilespmem:v24+s23+$0x0] =	vst.idx.msk $0xffff, v26  }
0x1f3: {  	v14 =	vmov s20;
	v23 =	vmul.f32 $8.000000000e+00, v27  }
0x1f4: {  	s24 =	sshrl.u32 s19, $0x7;
	s20 =	sadd.s32 $0x2, s20;
	v15 =	vand.u32 $0x78, v14;
	v14 =	vand.u32 $0x6, v14;
	[tilespmem:v28+s23+$0x0] =	vst.idx.msk $0xffff, v29;
	v18 =	vmul.f32 $8.000000000e+00, v25  }
0x1f5: {  	v24 =	vmov s24  }
0x1f6: {  	v24 =	vmul.u32 $0x440, v24;
	_ =	sdelay $0x1  }
0x1f7: {  	s19 =	sadd.s32 $0x1, s19;
	v24 =	vbroadcast v24, $0x0  }
0x1f8: {  	s31 =	sadd.s32 $0x80, s0;
	v25 =	vmov s19  }
0x1f9: {  	v28 =	vld [tilespmem:s31+$0x0];
	v26 =	vand.u32 $0x78, v25;
	v27 =	vadd.s32 v0, v24  }
0x1fa: {  	v29 =	vld [tilespmem:s31+$0xFFFFFFC0];
	v25 =	vand.u32 $0x7, v25;
	v30 =	vadd.s32 v26, v27  }
0x1fb: {  	v27 =	vadd.s32 v15, v27;
	v30 =	vor.u32 v25, v30  }
0x1fc: {  	v27 =	vor.u32 v14, v27;
	_ =	sdelay $0x1  }
0x1fd: {  	v28 =	vmul.f32 $8.000000000e+00, v28  }
0x1fe: {  	[tilespmem:v22+s23+$0x0] =	vst.idx.msk $0xffff, v23;
	v60 =	vadd.s32 v1, v12;
	v61 =	vld [tilespmem:s0+$0x10];
	v29 =	vmul.f32 $8.000000000e+00, v29  }
0x1ff: {  	v31 =	vld [tilespmem:s0+$0xFFFFFFD0];
	v32 =	vadd.s32 v10, v60;
	v22 =	vadd.s32 v11, v60;
	[tilespmem:v30+s23+$0x0] =	vst.idx.msk $0xffff, v28  }
0x200: {  	v22 =	vor.u32 v13, v22;
	v62 =	vadd.s32 v1, v24;
	[tilespmem:v27+s23+$0x0] =	vst.idx.msk $0xffff, v29;
	v28 =	vld [tilespmem:s31+$0x10]  }
0x201: {  	v63 =	vor.u32 v9, v32;
	v37 =	vadd.s32 v26, v62;
	v36 =	vld [tilespmem:s31+$0xFFFFFFD0]  }
0x202: {  	v32 =	vor.u32 v25, v37;
	v27 =	vadd.s32 v15, v62  }
0x203: {  	v23 =	vmul.f32 $8.000000000e+00, v61;
	v27 =	vor.u32 v14, v27  }
0x204: {  	v31 =	vmul.f32 $8.000000000e+00, v31  }
0x205: {  	[tilespmem:v22+s23+$0x0] =	vst.idx.msk $0xffff, v23;
	v38 =	vmul.f32 $8.000000000e+00, v28  }
0x206: {  	v39 =	vadd.s32 v2, v12;
	v40 =	vld [tilespmem:s1+$0x20];
	[tilespmem:v63+s23+$0x0] =	vst.idx.msk $0xffff, v31;
	v41 =	vmul.f32 $8.000000000e+00, v36  }
0x207: {  	v42 =	vadd.s32 v10, v39;
	v23 =	vadd.s32 v11, v39;
	v31 =	vld [tilespmem:s1+$0xFFFFFFE0];
	[tilespmem:v32+s23+$0x0] =	vst.idx.msk $0xffff, v38  }
0x208: {  	v44 =	vadd.s32 v2, v24;
	v43 =	vor.u32 v13, v23;
	[tilespmem:v27+s23+$0x0] =	vst.idx.msk $0xffff, v41;
	v32 =	vld [tilespmem:s31+$0x20]  }
0x209: {  	v20 =	vmul.f32 $8.000000000e+00, v20;
	v45 =	vor.u32 v9, v42;
	v46 =	vadd.s32 v26, v44;
	v47 =	vld [tilespmem:s31+$0xFFFFFFE0]  }
0x20a: {  	v21 =	vmul.f32 $8.000000000e+00, v21;
	v23 =	vadd.s32 v15, v44;
	v29 =	vor.u32 v25, v46  }
0x20b: {  	v5 =	vadd.s32 v3, v5;
	[tilespmem:v19+s23+$0x0] =	vst.idx.msk $0xffff, v20;
	v49 =	vor.u32 v14, v23;
	v48 =	vmul.f32 $8.000000000e+00, v40  }
0x20c: {  	v7 =	vadd.s32 v7, v5;
	v50 =	vld [tilespmem:s30+$0x30];
	[tilespmem:v17+s23+$0x0] =	vst.idx.msk $0xffff, v21;
	v51 =	vmul.f32 $8.000000000e+00, v31  }
0x20d: {  	v5 =	vadd.s32 v6, v5;
	v52 =	vor.u32 v8, v7;
	v53 =	vld [tilespmem:s30+$0xFFFFFFF0];
	[tilespmem:v43+s23+$0x0] =	vst.idx.msk $0xffff, v48;
	v54 =	vmul.f32 $8.000000000e+00, v32  }
0x20e: {  	v4 =	vor.u32 v4, v5;
	v5 =	vadd.s32 v3, v12;
	v55 =	vld [tilespmem:s1+$0x30];
	[tilespmem:v45+s23+$0x0] =	vst.idx.msk $0xffff, v51;
	v56 =	vmul.f32 $8.000000000e+00, v47  }
0x20f: {  	v57 =	vadd.s32 v10, v5;
	v5 =	vadd.s32 v11, v5;
	v58 =	vld [tilespmem:s1+$0xFFFFFFF0];
	[tilespmem:v29+s23+$0x0] =	vst.idx.msk $0xffff, v54  }
0x210: {  	v5 =	vor.u32 v13, v5;
	v59 =	vadd.s32 v3, v24;
	[tilespmem:v49+s23+$0x0] =	vst.idx.msk $0xffff, v56;
	v60 =	vld [tilespmem:s31+$0x30]  }
0x211: {  	v61 =	vor.u32 v9, v57;
	v17 =	vmul.f32 $8.000000000e+00, v50;
	v62 =	vadd.s32 v26, v59;
	v19 =	vld [tilespmem:s31+$0xFFFFFFF0]  }
0x212: {  	[tilespmem:v16+s23+$0x0] =	vst.idx.msk $0xffff, v18;
	v8 =	vadd.s32 v15, v59;
	v7 =	vmul.f32 $8.000000000e+00, v53;
	v10 =	vor.u32 v25, v62  }
0x213: {  	v8 =	vor.u32 v14, v8;
	[tilespmem:v52+s23+$0x0] =	vst.idx.msk $0xffff, v17;
	v63 =	vmul.f32 $8.000000000e+00, v55  }
0x214: {  	[tilespmem:v4+s23+$0x0] =	vst.idx.msk $0xffff, v7;
	v4 =	vmul.f32 $8.000000000e+00, v58  }
0x215: {  	[tilespmem:v5+s23+$0x0] =	vst.idx.msk $0xffff, v63;
	v5 =	vmul.f32 $8.000000000e+00, v60  }
0x216: {  	[tilespmem:v61+s23+$0x0] =	vst.idx.msk $0xffff, v4;
	v4 =	vmul.f32 $8.000000000e+00, v19  }
0x217: {  	s0 =	sshll.u32 @!p1 s29, $0x5;
	[tilespmem:v10+s23+$0x0] =	vst.idx.msk $0xffff, v5  }
0x218: {  	s19 =	simm.s32 @!p1 $0x100;
	s0 =	sadd.s32 @!p1 s16, s0;
	s1 =	simm.s32 @!p1 $0x0;
	[tilespmem:v8+s23+$0x0] =	vst.idx.msk $0xffff, v4  }
0x219: {  	[tilespmem:s19], [sflag:$0x1] =	stream.linear.gather @!p1 [hbm4b:s0+s1], $0x100, $0x38;
	[tilespmem:$0x14E00] =	vst v63  }
0x21a: {  	s0 =	simm.s32 @!p1 $0x1  }
0x21b: {  	_ =	swait.ge @!p1 [sflag:s0], $0x100  }
0x21c: {  	[sflag:s0] =	ssyncset.done @!p1 $0x0  }
0x21d: {  	s1 =	simm.s32 @!p1 $0x4200;
	[sflag:s0] =	ssyncadd.s32 @!p1 $0xFFFFFF00;
	s0 =	simm.s32 @!p1 $0x80  }
0x21e: {  	[tilespmem:s1], [sflag:$0x3] =	stream.indirect.gather @!p1 [hbm4b:s4+s0], $0x40, s19, s0, $0xb8;
	[tilespmem:$0x14E00] =	vst v63  }
0x21f: {  	s1 =	simm.s32 @!p1 $0x180;
	s19 =	simm.s32 @!p1 $0x6200  }
0x220: {  	[tilespmem:s19], [sflag:$0x3] =	stream.indirect.gather @!p1 [hbm4b:s4+s0], $0x40, s1, s0, $0xb8;
	[tilespmem:$0x14E00] =	vst v63  }
0x221: {  	s1 =	sshll.u32 s29, $0x8;
	s19 =	sshll.u32 s29, $0xB  }
0x222: {  	s0 =	sand.u32 $0x3F00, s1;
	s1 =	sand.u32 $0xFFE0000, s19  }
0x223: {  	s29 =	sor.u32 s0, s1  }
0x224: {  	s0 =	sadd.s32 s2, s29  }
0x225: {  	[hbm4b:s0+s3] =	stream.linear.scatter [tilespmem:s23], [sflag:$0x5], $0x80, $0x38;
	[tilespmem:$0x14E00] =	vst v63  }
0x226: {  	s24 =	simm.s32 $0xE888;
	s20 =	sadd.s32 $0x10, s0  }
0x227: {  	[hbm4b:s20+s3] =	stream.linear.scatter [tilespmem:s24], [sflag:$0x5], $0x80, $0x38;
	[tilespmem:$0x14E00] =	vst v63  }
0x228: {  	s31 =	simm.s32 $0xE910;
	s30 =	sadd.s32 $0x20, s0  }
0x229: {  	[hbm4b:s30+s3] =	stream.linear.scatter [tilespmem:s31], [sflag:$0x5], $0x80, $0x38;
	[tilespmem:$0x14E00] =	vst v63  }
0x22a: {  	s20 =	sadd.s32 $0x30, s0;
	s24 =	simm.s32 $0xE998  }
0x22b: {  	[hbm4b:s20+s3] =	stream.linear.scatter [tilespmem:s24], [sflag:$0x5], $0x80, $0x38;
	[tilespmem:$0x14E00] =	vst v63  }
0x22c: {  	s30 =	sadd.s32 $0x40, s0;
	s31 =	simm.s32 $0xEA20  }
0x22d: {  	[hbm4b:s30+s3] =	stream.linear.scatter [tilespmem:s31], [sflag:$0x5], $0x80, $0x38;
	[tilespmem:$0x14E00] =	vst v63  }
0x22e: {  	s20 =	sadd.s32 $0x50, s0;
	s24 =	simm.s32 $0xEAA8  }
0x22f: {  	[hbm4b:s20+s3] =	stream.linear.scatter [tilespmem:s24], [sflag:$0x5], $0x80, $0x38;
	[tilespmem:$0x14E00] =	vst v63  }
0x230: {  	s30 =	sadd.s32 $0x60, s0;
	s31 =	simm.s32 $0xEB30  }
0x231: {  	[hbm4b:s30+s3] =	stream.linear.scatter [tilespmem:s31], [sflag:$0x5], $0x80, $0x38;
	[tilespmem:$0x14E00] =	vst v63  }
0x232: {  	s20 =	sadd.s32 $0x70, s0;
	s24 =	simm.s32 $0xEBB8  }
0x233: {  	[hbm4b:s20+s3] =	stream.linear.scatter [tilespmem:s24], [sflag:$0x5], $0x80, $0x38;
	[tilespmem:$0x14E00] =	vst v63  }
0x234: {  	s30 =	sadd.s32 $0x80, s0;
	s31 =	simm.s32 $0xEC40  }
0x235: {  	[hbm4b:s30+s3] =	stream.linear.scatter [tilespmem:s31], [sflag:$0x5], $0x80, $0x38;
	[tilespmem:$0x14E00] =	vst v63  }
0x236: {  	s20 =	sadd.s32 $0x90, s0;
	s24 =	simm.s32 $0xECC8  }
0x237: {  	[hbm4b:s20+s3] =	stream.linear.scatter [tilespmem:s24], [sflag:$0x5], $0x80, $0x38;
	[tilespmem:$0x14E00] =	vst v63  }
0x238: {  	s30 =	sadd.s32 $0xA0, s0;
	s31 =	simm.s32 $0xED50  }
0x239: {  	[hbm4b:s30+s3] =	stream.linear.scatter [tilespmem:s31], [sflag:$0x5], $0x80, $0x38;
	[tilespmem:$0x14E00] =	vst v63  }
0x23a: {  	s20 =	sadd.s32 $0xB0, s0;
	s24 =	simm.s32 $0xEDD8  }
0x23b: {  	[hbm4b:s20+s3] =	stream.linear.scatter [tilespmem:s24], [sflag:$0x5], $0x80, $0x38;
	[tilespmem:$0x14E00] =	vst v63  }
0x23c: {  	s30 =	sadd.s32 $0xC0, s0;
	s31 =	simm.s32 $0xEE60  }
0x23d: {  	[hbm4b:s30+s3] =	stream.linear.scatter [tilespmem:s31], [sflag:$0x5], $0x80, $0x38;
	[tilespmem:$0x14E00] =	vst v63  }
0x23e: {  	s19 =	sadd.s32 $0xD0, s0;
	s20 =	simm.s32 $0xEEE8  }
0x23f: {  	[hbm4b:s19+s3] =	stream.linear.scatter [tilespmem:s20], [sflag:$0x5], $0x80, $0x38;
	[tilespmem:$0x14E00] =	vst v63  }
0x240: {  	s24 =	sadd.s32 $0xE0, s0;
	s30 =	simm.s32 $0xEF70  }
0x241: {  	[hbm4b:s24+s3] =	stream.linear.scatter [tilespmem:s30], [sflag:$0x5], $0x80, $0x38;
	[tilespmem:$0x14E00] =	vst v63  }
0x242: {  	s0 =	sadd.s32 $0xF0, s0;
	s31 =	simm.s32 $0xEFF8  }
0x243: {  	[hbm4b:s0+s3] =	stream.linear.scatter [tilespmem:s31], [sflag:$0x5], $0x80, $0x38;
	[tilespmem:$0x14E00] =	vst v63  }
0x244: {  	s19 =	simm.s32 $0xF4C0;
	s0 =	sadd.s32 s29, s8  }
0x245: {  	[hbm4b:s0+s3] =	stream.linear.scatter [tilespmem:s19], [sflag:$0x5], $0x80, $0x38;
	[tilespmem:$0x14E00] =	vst v63  }
0x246: {  	s24 =	simm.s32 $0xF548;
	s20 =	sadd.s32 $0x10, s0  }
0x247: {  	[hbm4b:s20+s3] =	stream.linear.scatter [tilespmem:s24], [sflag:$0x5], $0x80, $0x38;
	[tilespmem:$0x14E00] =	vst v63  }
0x248: {  	s31 =	simm.s32 $0xF5D0;
	s30 =	sadd.s32 $0x20, s0  }
0x249: {  	[hbm4b:s30+s3] =	stream.linear.scatter [tilespmem:s31], [sflag:$0x5], $0x80, $0x38;
	[tilespmem:$0x14E00] =	vst v63  }
0x24a: {  	s20 =	sadd.s32 $0x30, s0;
	s24 =	simm.s32 $0xF658  }
0x24b: {  	[hbm4b:s20+s3] =	stream.linear.scatter [tilespmem:s24], [sflag:$0x5], $0x80, $0x38;
	[tilespmem:$0x14E00] =	vst v63  }
0x24c: {  	s30 =	sadd.s32 $0x40, s0;
	s31 =	simm.s32 $0xF6E0  }
0x24d: {  	[hbm4b:s30+s3] =	stream.linear.scatter [tilespmem:s31], [sflag:$0x5], $0x80, $0x38;
	[tilespmem:$0x14E00] =	vst v63  }
0x24e: {  	s20 =	sadd.s32 $0x50, s0;
	s24 =	simm.s32 $0xF768  }
0x24f: {  	[hbm4b:s20+s3] =	stream.linear.scatter [tilespmem:s24], [sflag:$0x5], $0x80, $0x38;
	[tilespmem:$0x14E00] =	vst v63  }
0x250: {  	s30 =	sadd.s32 $0x60, s0;
	s31 =	simm.s32 $0xF7F0  }
0x251: {  	[hbm4b:s30+s3] =	stream.linear.scatter [tilespmem:s31], [sflag:$0x5], $0x80, $0x38;
	[tilespmem:$0x14E00] =	vst v63  }
0x252: {  	s20 =	sadd.s32 $0x70, s0;
	s24 =	simm.s32 $0xF878  }
0x253: {  	[hbm4b:s20+s3] =	stream.linear.scatter [tilespmem:s24], [sflag:$0x5], $0x80, $0x38;
	[tilespmem:$0x14E00] =	vst v63  }
0x254: {  	s30 =	sadd.s32 $0x80, s0;
	s31 =	simm.s32 $0xF900  }
0x255: {  	[hbm4b:s30+s3] =	stream.linear.scatter [tilespmem:s31], [sflag:$0x5], $0x80, $0x38;
	[tilespmem:$0x14E00] =	vst v63  }
0x256: {  	s20 =	sadd.s32 $0x90, s0;
	s24 =	simm.s32 $0xF988  }
0x257: {  	[hbm4b:s20+s3] =	stream.linear.scatter [tilespmem:s24], [sflag:$0x5], $0x80, $0x38;
	[tilespmem:$0x14E00] =	vst v63  }
0x258: {  	s30 =	sadd.s32 $0xA0, s0;
	s31 =	simm.s32 $0xFA10  }
0x259: {  	[hbm4b:s30+s3] =	stream.linear.scatter [tilespmem:s31], [sflag:$0x5], $0x80, $0x38;
	[tilespmem:$0x14E00] =	vst v63  }
0x25a: {  	s20 =	sadd.s32 $0xB0, s0;
	s24 =	simm.s32 $0xFA98  }
0x25b: {  	[hbm4b:s20+s3] =	stream.linear.scatter [tilespmem:s24], [sflag:$0x5], $0x80, $0x38;
	[tilespmem:$0x14E00] =	vst v63  }
0x25c: {  	s30 =	sadd.s32 $0xC0, s0;
	s31 =	simm.s32 $0xFB20  }
0x25d: {  	[hbm4b:s30+s3] =	stream.linear.scatter [tilespmem:s31], [sflag:$0x5], $0x80, $0x38;
	[tilespmem:$0x14E00] =	vst v63  }
0x25e: {  	s19 =	sadd.s32 $0xD0, s0;
	s20 =	simm.s32 $0xFBA8  }
0x25f: {  	[hbm4b:s19+s3] =	stream.linear.scatter [tilespmem:s20], [sflag:$0x5], $0x80, $0x38;
	[tilespmem:$0x14E00] =	vst v63  }
0x260: {  	s24 =	sadd.s32 $0xE0, s0;
	s30 =	simm.s32 $0xFC30  }
0x261: {  	[hbm4b:s24+s3] =	stream.linear.scatter [tilespmem:s30], [sflag:$0x5], $0x80, $0x38;
	[tilespmem:$0x14E00] =	vst v63  }
0x262: {  	s0 =	sadd.s32 $0xF0, s0;
	s31 =	simm.s32 $0xFCB8  }
0x263: {  	[hbm4b:s0+s3] =	stream.linear.scatter [tilespmem:s31], [sflag:$0x5], $0x80, $0x38;
	[tilespmem:$0x14E00] =	vst v63  }
0x264: {  	s19 =	simm.s32 $0x10180;
	s0 =	sadd.s32 s29, s9  }
0x265: {  	[hbm4b:s0+s3] =	stream.linear.scatter [tilespmem:s19], [sflag:$0x5], $0x80, $0x38;
	[tilespmem:$0x14E00] =	vst v63  }
0x266: {  	s24 =	simm.s32 $0x10208;
	s20 =	sadd.s32 $0x10, s0  }
0x267: {  	[hbm4b:s20+s3] =	stream.linear.scatter [tilespmem:s24], [sflag:$0x5], $0x80, $0x38;
	[tilespmem:$0x14E00] =	vst v63  }
0x268: {  	s31 =	simm.s32 $0x10290;
	s30 =	sadd.s32 $0x20, s0  }
0x269: {  	[hbm4b:s30+s3] =	stream.linear.scatter [tilespmem:s31], [sflag:$0x5], $0x80, $0x38;
	[tilespmem:$0x14E00] =	vst v63  }
0x26a: {  	s20 =	sadd.s32 $0x30, s0;
	s24 =	simm.s32 $0x10318  }
0x26b: {  	[hbm4b:s20+s3] =	stream.linear.scatter [tilespmem:s24], [sflag:$0x5], $0x80, $0x38;
	[tilespmem:$0x14E00] =	vst v63  }
0x26c: {  	s30 =	sadd.s32 $0x40, s0;
	s31 =	simm.s32 $0x103A0  }
0x26d: {  	[hbm4b:s30+s3] =	stream.linear.scatter [tilespmem:s31], [sflag:$0x5], $0x80, $0x38;
	[tilespmem:$0x14E00] =	vst v63  }
0x26e: {  	s20 =	sadd.s32 $0x50, s0;
	s24 =	simm.s32 $0x10428  }
0x26f: {  	[hbm4b:s20+s3] =	stream.linear.scatter [tilespmem:s24], [sflag:$0x5], $0x80, $0x38;
	[tilespmem:$0x14E00] =	vst v63  }
0x270: {  	s30 =	sadd.s32 $0x60, s0;
	s31 =	simm.s32 $0x104B0  }
0x271: {  	[hbm4b:s30+s3] =	stream.linear.scatter [tilespmem:s31], [sflag:$0x5], $0x80, $0x38;
	[tilespmem:$0x14E00] =	vst v63  }
0x272: {  	s20 =	sadd.s32 $0x70, s0;
	s24 =	simm.s32 $0x10538  }
0x273: {  	[hbm4b:s20+s3] =	stream.linear.scatter [tilespmem:s24], [sflag:$0x5], $0x80, $0x38;
	[tilespmem:$0x14E00] =	vst v63  }
0x274: {  	s30 =	sadd.s32 $0x80, s0;
	s31 =	simm.s32 $0x105C0  }
0x275: {  	[hbm4b:s30+s3] =	stream.linear.scatter [tilespmem:s31], [sflag:$0x5], $0x80, $0x38;
	[tilespmem:$0x14E00] =	vst v63  }
0x276: {  	s20 =	sadd.s32 $0x90, s0;
	s24 =	simm.s32 $0x10648  }
0x277: {  	[hbm4b:s20+s3] =	stream.linear.scatter [tilespmem:s24], [sflag:$0x5], $0x80, $0x38;
	[tilespmem:$0x14E00] =	vst v63  }
0x278: {  	s30 =	sadd.s32 $0xA0, s0;
	s31 =	simm.s32 $0x106D0  }
0x279: {  	[hbm4b:s30+s3] =	stream.linear.scatter [tilespmem:s31], [sflag:$0x5], $0x80, $0x38;
	[tilespmem:$0x14E00] =	vst v63  }
0x27a: {  	s20 =	sadd.s32 $0xB0, s0;
	s24 =	simm.s32 $0x10758  }
0x27b: {  	[hbm4b:s20+s3] =	stream.linear.scatter [tilespmem:s24], [sflag:$0x5], $0x80, $0x38;
	[tilespmem:$0x14E00] =	vst v63  }
0x27c: {  	s30 =	sadd.s32 $0xC0, s0;
	s31 =	simm.s32 $0x107E0  }
0x27d: {  	[hbm4b:s30+s3] =	stream.linear.scatter [tilespmem:s31], [sflag:$0x5], $0x80, $0x38;
	[tilespmem:$0x14E00] =	vst v63  }
0x27e: {  	s19 =	sadd.s32 $0xD0, s0;
	s20 =	simm.s32 $0x10868  }
0x27f: {  	[hbm4b:s19+s3] =	stream.linear.scatter [tilespmem:s20], [sflag:$0x5], $0x80, $0x38;
	[tilespmem:$0x14E00] =	vst v63  }
0x280: {  	s24 =	sadd.s32 $0xE0, s0;
	s30 =	simm.s32 $0x108F0  }
0x281: {  	[hbm4b:s24+s3] =	stream.linear.scatter [tilespmem:s30], [sflag:$0x5], $0x80, $0x38;
	[tilespmem:$0x14E00] =	vst v63  }
0x282: {  	s0 =	sadd.s32 $0xF0, s0;
	s31 =	simm.s32 $0x10978  }
0x283: {  	[hbm4b:s0+s3] =	stream.linear.scatter [tilespmem:s31], [sflag:$0x5], $0x80, $0x38;
	[tilespmem:$0x14E00] =	vst v63  }
0x284: {  	s19 =	simm.s32 $0x10E40;
	s0 =	sadd.s32 s29, s10  }
0x285: {  	[hbm4b:s0+s3] =	stream.linear.scatter [tilespmem:s19], [sflag:$0x5], $0x80, $0x38;
	[tilespmem:$0x14E00] =	vst v63  }
0x286: {  	s24 =	simm.s32 $0x10EC8;
	s20 =	sadd.s32 $0x10, s0  }
0x287: {  	[hbm4b:s20+s3] =	stream.linear.scatter [tilespmem:s24], [sflag:$0x5], $0x80, $0x38;
	[tilespmem:$0x14E00] =	vst v63  }
0x288: {  	s31 =	simm.s32 $0x10F50;
	s30 =	sadd.s32 $0x20, s0  }
0x289: {  	[hbm4b:s30+s3] =	stream.linear.scatter [tilespmem:s31], [sflag:$0x5], $0x80, $0x38;
	[tilespmem:$0x14E00] =	vst v63  }
0x28a: {  	s20 =	sadd.s32 $0x30, s0;
	s24 =	simm.s32 $0x10FD8  }
0x28b: {  	[hbm4b:s20+s3] =	stream.linear.scatter [tilespmem:s24], [sflag:$0x5], $0x80, $0x38;
	[tilespmem:$0x14E00] =	vst v63  }
0x28c: {  	s30 =	sadd.s32 $0x40, s0;
	s31 =	simm.s32 $0x11060  }
0x28d: {  	[hbm4b:s30+s3] =	stream.linear.scatter [tilespmem:s31], [sflag:$0x5], $0x80, $0x38;
	[tilespmem:$0x14E00] =	vst v63  }
0x28e: {  	s20 =	sadd.s32 $0x50, s0;
	s24 =	simm.s32 $0x110E8  }
0x28f: {  	[hbm4b:s20+s3] =	stream.linear.scatter [tilespmem:s24], [sflag:$0x5], $0x80, $0x38;
	[tilespmem:$0x14E00] =	vst v63  }
0x290: {  	s30 =	sadd.s32 $0x60, s0;
	s31 =	simm.s32 $0x11170  }
0x291: {  	[hbm4b:s30+s3] =	stream.linear.scatter [tilespmem:s31], [sflag:$0x5], $0x80, $0x38;
	[tilespmem:$0x14E00] =	vst v63  }
0x292: {  	s20 =	sadd.s32 $0x70, s0;
	s24 =	simm.s32 $0x111F8  }
0x293: {  	[hbm4b:s20+s3] =	stream.linear.scatter [tilespmem:s24], [sflag:$0x5], $0x80, $0x38;
	[tilespmem:$0x14E00] =	vst v63  }
0x294: {  	s30 =	sadd.s32 $0x80, s0;
	s31 =	simm.s32 $0x11280  }
0x295: {  	[hbm4b:s30+s3] =	stream.linear.scatter [tilespmem:s31], [sflag:$0x5], $0x80, $0x38;
	[tilespmem:$0x14E00] =	vst v63  }
0x296: {  	s20 =	sadd.s32 $0x90, s0;
	s24 =	simm.s32 $0x11308  }
0x297: {  	[hbm4b:s20+s3] =	stream.linear.scatter [tilespmem:s24], [sflag:$0x5], $0x80, $0x38;
	[tilespmem:$0x14E00] =	vst v63  }
0x298: {  	s30 =	sadd.s32 $0xA0, s0;
	s31 =	simm.s32 $0x11390  }
0x299: {  	[hbm4b:s30+s3] =	stream.linear.scatter [tilespmem:s31], [sflag:$0x5], $0x80, $0x38;
	[tilespmem:$0x14E00] =	vst v63  }
0x29a: {  	s20 =	sadd.s32 $0xB0, s0;
	s24 =	simm.s32 $0x11418  }
0x29b: {  	[hbm4b:s20+s3] =	stream.linear.scatter [tilespmem:s24], [sflag:$0x5], $0x80, $0x38;
	[tilespmem:$0x14E00] =	vst v63  }
0x29c: {  	s30 =	sadd.s32 $0xC0, s0;
	s31 =	simm.s32 $0x114A0  }
0x29d: {  	[hbm4b:s30+s3] =	stream.linear.scatter [tilespmem:s31], [sflag:$0x5], $0x80, $0x38;
	[tilespmem:$0x14E00] =	vst v63  }
0x29e: {  	s19 =	sadd.s32 $0xD0, s0;
	s20 =	simm.s32 $0x11528  }
0x29f: {  	[hbm4b:s19+s3] =	stream.linear.scatter [tilespmem:s20], [sflag:$0x5], $0x80, $0x38;
	[tilespmem:$0x14E00] =	vst v63  }
0x2a0: {  	s24 =	sadd.s32 $0xE0, s0;
	s30 =	simm.s32 $0x115B0  }
0x2a1: {  	[hbm4b:s24+s3] =	stream.linear.scatter [tilespmem:s30], [sflag:$0x5], $0x80, $0x38;
	[tilespmem:$0x14E00] =	vst v63  }
0x2a2: {  	s0 =	sadd.s32 $0xF0, s0;
	s31 =	simm.s32 $0x11638  }
0x2a3: {  	[hbm4b:s0+s3] =	stream.linear.scatter [tilespmem:s31], [sflag:$0x5], $0x80, $0x38;
	[tilespmem:$0x14E00] =	vst v63  }
0x2a4: {  	s19 =	simm.s32 $0x11B00;
	s0 =	sadd.s32 s29, s11  }
0x2a5: {  	[hbm4b:s0+s3] =	stream.linear.scatter [tilespmem:s19], [sflag:$0x5], $0x80, $0x38;
	[tilespmem:$0x14E00] =	vst v63  }
0x2a6: {  	s24 =	simm.s32 $0x11B88;
	s20 =	sadd.s32 $0x10, s0  }
0x2a7: {  	[hbm4b:s20+s3] =	stream.linear.scatter [tilespmem:s24], [sflag:$0x5], $0x80, $0x38;
	[tilespmem:$0x14E00] =	vst v63  }
0x2a8: {  	s31 =	simm.s32 $0x11C10;
	s30 =	sadd.s32 $0x20, s0  }
0x2a9: {  	[hbm4b:s30+s3] =	stream.linear.scatter [tilespmem:s31], [sflag:$0x5], $0x80, $0x38;
	[tilespmem:$0x14E00] =	vst v63  }
0x2aa: {  	s20 =	sadd.s32 $0x30, s0;
	s24 =	simm.s32 $0x11C98  }
0x2ab: {  	[hbm4b:s20+s3] =	stream.linear.scatter [tilespmem:s24], [sflag:$0x5], $0x80, $0x38;
	[tilespmem:$0x14E00] =	vst v63  }
0x2ac: {  	s30 =	sadd.s32 $0x40, s0;
	s31 =	simm.s32 $0x11D20  }
0x2ad: {  	[hbm4b:s30+s3] =	stream.linear.scatter [tilespmem:s31], [sflag:$0x5], $0x80, $0x38;
	[tilespmem:$0x14E00] =	vst v63  }
0x2ae: {  	s20 =	sadd.s32 $0x50, s0;
	s24 =	simm.s32 $0x11DA8  }
0x2af: {  	[hbm4b:s20+s3] =	stream.linear.scatter [tilespmem:s24], [sflag:$0x5], $0x80, $0x38;
	[tilespmem:$0x14E00] =	vst v63  }
0x2b0: {  	s30 =	sadd.s32 $0x60, s0;
	s31 =	simm.s32 $0x11E30  }
0x2b1: {  	[hbm4b:s30+s3] =	stream.linear.scatter [tilespmem:s31], [sflag:$0x5], $0x80, $0x38;
	[tilespmem:$0x14E00] =	vst v63  }
0x2b2: {  	s20 =	sadd.s32 $0x70, s0;
	s24 =	simm.s32 $0x11EB8  }
0x2b3: {  	[hbm4b:s20+s3] =	stream.linear.scatter [tilespmem:s24], [sflag:$0x5], $0x80, $0x38;
	[tilespmem:$0x14E00] =	vst v63  }
0x2b4: {  	s30 =	sadd.s32 $0x80, s0;
	s31 =	simm.s32 $0x11F40  }
0x2b5: {  	[hbm4b:s30+s3] =	stream.linear.scatter [tilespmem:s31], [sflag:$0x5], $0x80, $0x38;
	[tilespmem:$0x14E00] =	vst v63  }
0x2b6: {  	s20 =	sadd.s32 $0x90, s0;
	s24 =	simm.s32 $0x11FC8  }
0x2b7: {  	[hbm4b:s20+s3] =	stream.linear.scatter [tilespmem:s24], [sflag:$0x5], $0x80, $0x38;
	[tilespmem:$0x14E00] =	vst v63  }
0x2b8: {  	s30 =	sadd.s32 $0xA0, s0;
	s31 =	simm.s32 $0x12050  }
0x2b9: {  	[hbm4b:s30+s3] =	stream.linear.scatter [tilespmem:s31], [sflag:$0x5], $0x80, $0x38;
	[tilespmem:$0x14E00] =	vst v63  }
0x2ba: {  	s20 =	sadd.s32 $0xB0, s0;
	s24 =	simm.s32 $0x120D8  }
0x2bb: {  	[hbm4b:s20+s3] =	stream.linear.scatter [tilespmem:s24], [sflag:$0x5], $0x80, $0x38;
	[tilespmem:$0x14E00] =	vst v63  }
0x2bc: {  	s30 =	sadd.s32 $0xC0, s0;
	s31 =	simm.s32 $0x12160  }
0x2bd: {  	[hbm4b:s30+s3] =	stream.linear.scatter [tilespmem:s31], [sflag:$0x5], $0x80, $0x38;
	[tilespmem:$0x14E00] =	vst v63  }
0x2be: {  	s19 =	sadd.s32 $0xD0, s0;
	s20 =	simm.s32 $0x121E8  }
0x2bf: {  	[hbm4b:s19+s3] =	stream.linear.scatter [tilespmem:s20], [sflag:$0x5], $0x80, $0x38;
	[tilespmem:$0x14E00] =	vst v63  }
0x2c0: {  	s24 =	sadd.s32 $0xE0, s0;
	s30 =	simm.s32 $0x12270  }
0x2c1: {  	[hbm4b:s24+s3] =	stream.linear.scatter [tilespmem:s30], [sflag:$0x5], $0x80, $0x38;
	[tilespmem:$0x14E00] =	vst v63  }
0x2c2: {  	s0 =	sadd.s32 $0xF0, s0;
	s31 =	simm.s32 $0x122F8  }
0x2c3: {  	[hbm4b:s0+s3] =	stream.linear.scatter [tilespmem:s31], [sflag:$0x5], $0x80, $0x38;
	[tilespmem:$0x14E00] =	vst v63  }
0x2c4: {  	s19 =	simm.s32 $0x127C0;
	s0 =	sadd.s32 s29, s12  }
0x2c5: {  	[hbm4b:s0+s3] =	stream.linear.scatter [tilespmem:s19], [sflag:$0x5], $0x80, $0x38;
	[tilespmem:$0x14E00] =	vst v63  }
0x2c6: {  	s24 =	simm.s32 $0x12848;
	s20 =	sadd.s32 $0x10, s0  }
0x2c7: {  	[hbm4b:s20+s3] =	stream.linear.scatter [tilespmem:s24], [sflag:$0x5], $0x80, $0x38;
	[tilespmem:$0x14E00] =	vst v63  }
0x2c8: {  	s31 =	simm.s32 $0x128D0;
	s30 =	sadd.s32 $0x20, s0  }
0x2c9: {  	[hbm4b:s30+s3] =	stream.linear.scatter [tilespmem:s31], [sflag:$0x5], $0x80, $0x38;
	[tilespmem:$0x14E00] =	vst v63  }
0x2ca: {  	s20 =	sadd.s32 $0x30, s0;
	s24 =	simm.s32 $0x12958  }
0x2cb: {  	[hbm4b:s20+s3] =	stream.linear.scatter [tilespmem:s24], [sflag:$0x5], $0x80, $0x38;
	[tilespmem:$0x14E00] =	vst v63  }
0x2cc: {  	s30 =	sadd.s32 $0x40, s0;
	s31 =	simm.s32 $0x129E0  }
0x2cd: {  	[hbm4b:s30+s3] =	stream.linear.scatter [tilespmem:s31], [sflag:$0x5], $0x80, $0x38;
	[tilespmem:$0x14E00] =	vst v63  }
0x2ce: {  	s20 =	sadd.s32 $0x50, s0;
	s24 =	simm.s32 $0x12A68  }
0x2cf: {  	[hbm4b:s20+s3] =	stream.linear.scatter [tilespmem:s24], [sflag:$0x5], $0x80, $0x38;
	[tilespmem:$0x14E00] =	vst v63  }
0x2d0: {  	s30 =	sadd.s32 $0x60, s0;
	s31 =	simm.s32 $0x12AF0  }
0x2d1: {  	[hbm4b:s30+s3] =	stream.linear.scatter [tilespmem:s31], [sflag:$0x5], $0x80, $0x38;
	[tilespmem:$0x14E00] =	vst v63  }
0x2d2: {  	s20 =	sadd.s32 $0x70, s0;
	s24 =	simm.s32 $0x12B78  }
0x2d3: {  	[hbm4b:s20+s3] =	stream.linear.scatter [tilespmem:s24], [sflag:$0x5], $0x80, $0x38;
	[tilespmem:$0x14E00] =	vst v63  }
0x2d4: {  	s30 =	sadd.s32 $0x80, s0;
	s31 =	simm.s32 $0x12C00  }
0x2d5: {  	[hbm4b:s30+s3] =	stream.linear.scatter [tilespmem:s31], [sflag:$0x5], $0x80, $0x38;
	[tilespmem:$0x14E00] =	vst v63  }
0x2d6: {  	s20 =	sadd.s32 $0x90, s0;
	s24 =	simm.s32 $0x12C88  }
0x2d7: {  	[hbm4b:s20+s3] =	stream.linear.scatter [tilespmem:s24], [sflag:$0x5], $0x80, $0x38;
	[tilespmem:$0x14E00] =	vst v63  }
0x2d8: {  	s30 =	sadd.s32 $0xA0, s0;
	s31 =	simm.s32 $0x12D10  }
0x2d9: {  	[hbm4b:s30+s3] =	stream.linear.scatter [tilespmem:s31], [sflag:$0x5], $0x80, $0x38;
	[tilespmem:$0x14E00] =	vst v63  }
0x2da: {  	s20 =	sadd.s32 $0xB0, s0;
	s24 =	simm.s32 $0x12D98  }
0x2db: {  	[hbm4b:s20+s3] =	stream.linear.scatter [tilespmem:s24], [sflag:$0x5], $0x80, $0x38;
	[tilespmem:$0x14E00] =	vst v63  }
0x2dc: {  	s30 =	sadd.s32 $0xC0, s0;
	s31 =	simm.s32 $0x12E20  }
0x2dd: {  	[hbm4b:s30+s3] =	stream.linear.scatter [tilespmem:s31], [sflag:$0x5], $0x80, $0x38;
	[tilespmem:$0x14E00] =	vst v63  }
0x2de: {  	s20 =	sadd.s32 $0xD0, s0;
	s24 =	simm.s32 $0x12EA8  }
0x2df: {  	[hbm4b:s20+s3] =	stream.linear.scatter [tilespmem:s24], [sflag:$0x5], $0x80, $0x38;
	[tilespmem:$0x14E00] =	vst v63  }
0x2e0: {  	s30 =	sadd.s32 $0xE0, s0;
	s31 =	simm.s32 $0x12F30  }
0x2e1: {  	[hbm4b:s30+s3] =	stream.linear.scatter [tilespmem:s31], [sflag:$0x5], $0x80, $0x38;
	[tilespmem:$0x14E00] =	vst v63  }
0x2e2: {  	s0 =	sadd.s32 $0xF0, s0;
	s20 =	simm.s32 $0x12FB8  }
0x2e3: {  	[hbm4b:s0+s3] =	stream.linear.scatter [tilespmem:s20], [sflag:$0x5], $0x80, $0x38;
	[tilespmem:$0x14E00] =	vst v63  }
0x2e4: {  	s24 =	simm.s32 $0x13480;
	s0 =	sadd.s32 s29, s13  }
0x2e5: {  	[hbm4b:s0+s3] =	stream.linear.scatter [tilespmem:s24], [sflag:$0x5], $0x80, $0x38;
	[tilespmem:$0x14E00] =	vst v63  }
0x2e6: {  	s31 =	simm.s32 $0x13508;
	s30 =	sadd.s32 $0x10, s0  }
0x2e7: {  	[hbm4b:s30+s3] =	stream.linear.scatter [tilespmem:s31], [sflag:$0x5], $0x80, $0x38;
	[tilespmem:$0x14E00] =	vst v63  }
0x2e8: {  	s20 =	sadd.s32 $0x20, s0;
	s24 =	simm.s32 $0x13590  }
0x2e9: {  	[hbm4b:s20+s3] =	stream.linear.scatter [tilespmem:s24], [sflag:$0x5], $0x80, $0x38;
	[tilespmem:$0x14E00] =	vst v63  }
0x2ea: {  	s30 =	sadd.s32 $0x30, s0;
	s31 =	simm.s32 $0x13618  }
0x2eb: {  	[hbm4b:s30+s3] =	stream.linear.scatter [tilespmem:s31], [sflag:$0x5], $0x80, $0x38;
	[tilespmem:$0x14E00] =	vst v63  }
0x2ec: {  	s20 =	sadd.s32 $0x40, s0;
	s24 =	simm.s32 $0x136A0  }
0x2ed: {  	[hbm4b:s20+s3] =	stream.linear.scatter [tilespmem:s24], [sflag:$0x5], $0x80, $0x38;
	[tilespmem:$0x14E00] =	vst v63  }
0x2ee: {  	s30 =	sadd.s32 $0x50, s0;
	s31 =	simm.s32 $0x13728  }
0x2ef: {  	[hbm4b:s30+s3] =	stream.linear.scatter [tilespmem:s31], [sflag:$0x5], $0x80, $0x38;
	[tilespmem:$0x14E00] =	vst v63  }
0x2f0: {  	s20 =	sadd.s32 $0x60, s0;
	s24 =	simm.s32 $0x137B0  }
0x2f1: {  	[hbm4b:s20+s3] =	stream.linear.scatter [tilespmem:s24], [sflag:$0x5], $0x80, $0x38;
	[tilespmem:$0x14E00] =	vst v63  }
0x2f2: {  	s30 =	sadd.s32 $0x70, s0;
	s31 =	simm.s32 $0x13838  }
0x2f3: {  	[hbm4b:s30+s3] =	stream.linear.scatter [tilespmem:s31], [sflag:$0x5], $0x80, $0x38;
	[tilespmem:$0x14E00] =	vst v63  }
0x2f4: {  	s20 =	sadd.s32 $0x80, s0;
	s24 =	simm.s32 $0x138C0  }
0x2f5: {  	[hbm4b:s20+s3] =	stream.linear.scatter [tilespmem:s24], [sflag:$0x5], $0x80, $0x38;
	[tilespmem:$0x14E00] =	vst v63  }
0x2f6: {  	s30 =	sadd.s32 $0x90, s0;
	s31 =	simm.s32 $0x13948  }
0x2f7: {  	[hbm4b:s30+s3] =	stream.linear.scatter [tilespmem:s31], [sflag:$0x5], $0x80, $0x38;
	[tilespmem:$0x14E00] =	vst v63  }
0x2f8: {  	s20 =	sadd.s32 $0xA0, s0;
	s24 =	simm.s32 $0x139D0  }
0x2f9: {  	[hbm4b:s20+s3] =	stream.linear.scatter [tilespmem:s24], [sflag:$0x5], $0x80, $0x38;
	[tilespmem:$0x14E00] =	vst v63  }
0x2fa: {  	s30 =	sadd.s32 $0xB0, s0;
	s31 =	simm.s32 $0x13A58  }
0x2fb: {  	[hbm4b:s30+s3] =	stream.linear.scatter [tilespmem:s31], [sflag:$0x5], $0x80, $0x38;
	[tilespmem:$0x14E00] =	vst v63  }
0x2fc: {  	s20 =	sadd.s32 $0xC0, s0;
	s24 =	simm.s32 $0x13AE0  }
0x2fd: {  	[hbm4b:s20+s3] =	stream.linear.scatter [tilespmem:s24], [sflag:$0x5], $0x80, $0x38;
	[tilespmem:$0x14E00] =	vst v63  }
0x2fe: {  	s30 =	sadd.s32 $0xD0, s0;
	s31 =	simm.s32 $0x13B68  }
0x2ff: {  	[hbm4b:s30+s3] =	stream.linear.scatter [tilespmem:s31], [sflag:$0x5], $0x80, $0x38;
	[tilespmem:$0x14E00] =	vst v63  }
0x300: {  	s20 =	sadd.s32 $0xE0, s0;
	s24 =	simm.s32 $0x13BF0  }
0x301: {  	[hbm4b:s20+s3] =	stream.linear.scatter [tilespmem:s24], [sflag:$0x5], $0x80, $0x38;
	[tilespmem:$0x14E00] =	vst v63  }
0x302: {  	s0 =	sadd.s32 $0xF0, s0;
	s30 =	simm.s32 $0x13C78  }
0x303: {  	[hbm4b:s0+s3] =	stream.linear.scatter [tilespmem:s30], [sflag:$0x5], $0x80, $0x38;
	[tilespmem:$0x14E00] =	vst v63  }
0x304: {  	s31 =	simm.s32 $0x14140;
	s0 =	sadd.s32 s29, s14  }
0x305: {  	[hbm4b:s0+s3] =	stream.linear.scatter [tilespmem:s31], [sflag:$0x5], $0x80, $0x38;
	[tilespmem:$0x14E00] =	vst v63  }
0x306: {  	s20 =	simm.s32 $0x141C8;
	s19 =	sadd.s32 $0x10, s0  }
0x307: {  	[hbm4b:s19+s3] =	stream.linear.scatter [tilespmem:s20], [sflag:$0x5], $0x80, $0x38;
	[tilespmem:$0x14E00] =	vst v63  }
0x308: {  	s29 =	simm.s32 $0x14250;
	s24 =	sadd.s32 $0x20, s0  }
0x309: {  	[hbm4b:s24+s3] =	stream.linear.scatter [tilespmem:s29], [sflag:$0x5], $0x80, $0x38;
	[tilespmem:$0x14E00] =	vst v63  }
0x30a: {  	s30 =	sadd.s32 $0x30, s0;
	s31 =	simm.s32 $0x142D8  }
0x30b: {  	[hbm4b:s30+s3] =	stream.linear.scatter [tilespmem:s31], [sflag:$0x5], $0x80, $0x38;
	[tilespmem:$0x14E00] =	vst v63  }
0x30c: {  	s19 =	sadd.s32 $0x40, s0;
	s20 =	simm.s32 $0x14360  }
0x30d: {  	[hbm4b:s19+s3] =	stream.linear.scatter [tilespmem:s20], [sflag:$0x5], $0x80, $0x38;
	[tilespmem:$0x14E00] =	vst v63  }
0x30e: {  	s24 =	sadd.s32 $0x50, s0;
	s29 =	simm.s32 $0x143E8  }
0x30f: {  	[hbm4b:s24+s3] =	stream.linear.scatter [tilespmem:s29], [sflag:$0x5], $0x80, $0x38;
	[tilespmem:$0x14E00] =	vst v63  }
0x310: {  	s30 =	sadd.s32 $0x60, s0;
	s31 =	simm.s32 $0x14470  }
0x311: {  	[hbm4b:s30+s3] =	stream.linear.scatter [tilespmem:s31], [sflag:$0x5], $0x80, $0x38;
	[tilespmem:$0x14E00] =	vst v63  }
0x312: {  	s20 =	sadd.s32 $0x70, s0;
	s24 =	simm.s32 $0x144F8  }
0x313: {  	[hbm4b:s20+s3] =	stream.linear.scatter [tilespmem:s24], [sflag:$0x5], $0x80, $0x38;
	[tilespmem:$0x14E00] =	vst v63  }
0x314: {  	s29 =	sadd.s32 $0x80, s0;
	s30 =	simm.s32 $0x14580  }
0x315: {  	[hbm4b:s29+s3] =	stream.linear.scatter [tilespmem:s30], [sflag:$0x5], $0x80, $0x38;
	[tilespmem:$0x14E00] =	vst v63  }
0x316: {  	s31 =	sadd.s32 $0x90, s0  }
0x317: {  	[hbm4b:s31+s3] =	stream.linear.scatter [tilespmem:s21], [sflag:$0x5], $0x80, $0x38;
	[tilespmem:$0x14E00] =	vst v63  }
0x318: {  	s19 =	sadd.s32 $0xA0, s0  }
0x319: {  	[hbm4b:s19+s3] =	stream.linear.scatter [tilespmem:s6], [sflag:$0x5], $0x80, $0x38;
	[tilespmem:$0x14E00] =	vst v63  }
0x31a: {  	s20 =	sadd.s32 $0xB0, s0  }
0x31b: {  	[hbm4b:s20+s3] =	stream.linear.scatter [tilespmem:s7], [sflag:$0x5], $0x80, $0x38;
	[tilespmem:$0x14E00] =	vst v63  }
0x31c: {  	s28 =	sadd.s32 $0x1, s28;
	s24 =	sadd.s32 $0xC0, s0  }
0x31d: {  	[hbm4b:s24+s3] =	stream.linear.scatter [tilespmem:s15], [sflag:$0x5], $0x80, $0x38;
	[tilespmem:$0x14E00] =	vst v63  }
0x31e: {  	p0 =	sne.s32 s28, $0xC8;
	s29 =	sadd.s32 $0xD0, s0  }
0x31f: {  	[hbm4b:s29+s3] =	stream.linear.scatter [tilespmem:s18], [sflag:$0x5], $0x80, $0x38;
	[tilespmem:$0x14E00] =	vst v63  }
.Ltmp2:
0x320: {  	_ = 	snop;
	(pc) =	sbr.rel @p0 .LBB2_2-.Ltmp2, $4  }
0x321: {  	s30 =	sadd.s32 $0xE0, s0  }
0x322: {  	[hbm4b:s30+s3] =	stream.linear.scatter [tilespmem:s17], [sflag:$0x5], $0x80, $0x38;
	[tilespmem:$0x14E00] =	vst v63  }
0x323: {  	s0 =	sadd.s32 $0xF0, s0;
	s31 =	simm.s32 $0x14938  }
0x324: {  	[hbm4b:s0+s3] =	stream.linear.scatter [tilespmem:s31], [sflag:$0x5], $0x80, $0x38;
	[tilespmem:$0x14E00] =	vst v63  }
0x325: {  	s0 =	simm.s32 $0x4  }
0x326: {  	_ =	swait.ge [sflag:s0], $0x800  }
0x327: {  	[sflag:s0] =	ssyncset.done $0x0  }
0x328: {  	[sflag:s0] =	ssyncadd.s32 $0xFFFFF800  }
0x329: {  	_ =	swait.ge [sflag:s0], $0x800  }
0x32a: {  	[sflag:s0] =	ssyncset.done $0x0  }
0x32b: {  	[sflag:s0] =	ssyncadd.s32 $0xFFFFF800  }
0x32c: {  	_ =	swait.ge [sflag:s0], $0x800  }
0x32d: {  	[sflag:s0] =	ssyncset.done $0x0  }
0x32e: {  	[sflag:s0] =	ssyncadd.s32 $0xFFFFF800  }
0x32f: {  	_ =	swait.ge [sflag:s0], $0x800  }
0x330: {  	[sflag:s0] =	ssyncset.done $0x0  }
0x331: {  	[sflag:s0] =	ssyncadd.s32 $0xFFFFF800  }
0x332: {  	_ =	swait.ge [sflag:s0], $0x800  }
0x333: {  	[sflag:s0] =	ssyncset.done $0x0  }
0x334: {  	[sflag:s0] =	ssyncadd.s32 $0xFFFFF800  }
0x335: {  	_ =	swait.ge [sflag:s0], $0x800  }
0x336: {  	[sflag:s0] =	ssyncset.done $0x0  }
0x337: {  	[sflag:s0] =	ssyncadd.s32 $0xFFFFF800  }
0x338: {  	_ =	swait.ge [sflag:s0], $0x800  }
0x339: {  	[sflag:s0] =	ssyncset.done $0x0  }
0x33a: {  	[sflag:s0] =	ssyncadd.s32 $0xFFFFF800  }
0x33b: {  	_ =	swait.ge [sflag:s0], $0x800  }
0x33c: {  	[sflag:s0] =	ssyncset.done $0x0  }
0x33d: {  	s1 =	simm.s32 $0x5;
	[sflag:s0] =	ssyncadd.s32 $0xFFFFF800  }
0x33e: {  	_ =	swait.ge [sflag:s1], $0x800  }
0x33f: {  	[sflag:s1] =	ssyncset.done $0x0  }
0x340: {  	[sflag:s1] =	ssyncadd.s32 $0xFFFFF800  }
0x341: {  	_ =	swait.ge [sflag:s1], $0x800  }
0x342: {  	[sflag:s1] =	ssyncset.done $0x0  }
0x343: {  	[sflag:s1] =	ssyncadd.s32 $0xFFFFF800  }
0x344: {  	_ =	swait.ge [sflag:s1], $0x800  }
0x345: {  	[sflag:s1] =	ssyncset.done $0x0  }
0x346: {  	[sflag:s1] =	ssyncadd.s32 $0xFFFFF800  }
0x347: {  	_ =	swait.ge [sflag:s1], $0x800  }
0x348: {  	[sflag:s1] =	ssyncset.done $0x0  }
0x349: {  	[sflag:s1] =	ssyncadd.s32 $0xFFFFF800  }
0x34a: {  	_ =	swait.ge [sflag:s1], $0x800  }
0x34b: {  	[sflag:s1] =	ssyncset.done $0x0  }
0x34c: {  	[sflag:s1] =	ssyncadd.s32 $0xFFFFF800  }
0x34d: {  	_ =	swait.ge [sflag:s1], $0x800  }
0x34e: {  	[sflag:s1] =	ssyncset.done $0x0  }
0x34f: {  	[sflag:s1] =	ssyncadd.s32 $0xFFFFF800  }
0x350: {  	_ =	swait.ge [sflag:s1], $0x800  }
0x351: {  	[sflag:s1] =	ssyncset.done $0x0  }
0x352: {  	[sflag:s1] =	ssyncadd.s32 $0xFFFFF800  }
0x353: {  	_ =	swait.ge [sflag:s1], $0x800  }
0x354: {  	s19 =	rddreg [dreg:$0x6]  }
0x355: {  	s31 =	rddreg [dreg:$0x5];
	s19 =	sadd.s32 $0x1, s19  }
0x356: {  	p0 =	sne.s32 s19, s31  }
.Ltmp3:
0x357: {  	_ = 	snop;
	(pc) =	sbr.rel @p0 .LBB2_1-.Ltmp3, $3  }
0x358: {  	_ =	sdelay $0x1  }
0x359: {  	[sflag:s1] =	ssyncset.done $0x0  }
0x35a: {  	[sflag:s1] =	ssyncadd.s32 $0xFFFFF800  }
0x35b: {  	_ =	sfence.sel $0x180000  }
0x35c: {  	[bflag:$0x0] =	sbarrier.arrive $0xFFFF  }
0x35d: {  	_ =	strace $0x90000047  }
0x35e: {  	s0 =	stileid.u32;
	[bflag:$0x2] =	sbarrier.arrive $0xFFFF  }
0x35f: {  	p0 =	sne.s32 s0, $0x0;
	s0 =	rddreg [dreg:$0x2]  }
0x360: {  	s0 =	sadd.s32 @!p0 $0x100000, s0  }
0x361: {  	[sflag:s0] =	ssyncadd.tile.s32 @!p0 $0x1;
	_ =	shalt  }
.Lfunc_end2:
_tile_overlayer_lowered:
.L_overlay_start_2:
0x362: {  	(tag) =	ssettag $0x2  }
0x363: {  	s0 =	rddreg [dreg:$0x0];
	s2 =	stileid.u32  }
0x364: {  	s1 =	rddreg [dreg:$0x1];
	p0 =	sne.s32 s2, $0x0  }
0x365: {  	s3 =	rddreg [dreg:$0x2];
	[bflag:$0x3] =	sbarrier.arrive $0xFFFF;
	s2 =	simm.s32 @!p0 $0x1C06  }
0x366: {  	[timem:s3], [sflag:s2] =	dma.local @!p0 [hbm:s0], s1  }
0x367: {  	s0 =	simm.s32 @!p0 $0x6  }
0x368: {  	_ =	swait.ge @!p0 [sflag:s0], s1  }
0x369: {  	s1 =	ssub.s32 @!p0 $0x0, s1;
	[sflag:s0] =	ssyncset.done @!p0 $0x0  }
0x36a: {  	[sflag:s0] =	ssyncadd.s32 @!p0 s1  }
0x36b: {  	[bflag:$0x3] =	sbarrier.arrive $0xFFFF  }
0x36c: {  	_ =	shalt  }

</sc_bundles>
